<compile_context>
chip_gen: v7x
topology: tpu7x:2x2x1
jax: 0.10.2.dev20260603
libtpu: 0.0.44.dev20260713+nightly
codegen_flags: <defaults>
</compile_context>

<pallas_src>
import jax
import jax.numpy as jnp
from jax import lax
from jax.experimental import pallas as pl
from jax.experimental.pallas import tpu as pltpu
from jax.experimental.pallas import tpu_sc as plsc

BATCH = 16384
DIM = 64
NC, NS, L = 2, 16, 16
NW = NC * NS
B_PER_W = BATCH // NW
CHUNK = 128
NCHUNK = B_PER_W // CHUNK
GROUPS = CHUNK // L
FG = DIM // L


def _body(heads, rels, tails, ent_cat, rel_cat, out,
          idx_h, idx_r, idx_t, hv, tv, rv, srow, out_v, sem):
    wid = lax.axis_index("s") * NC + lax.axis_index("c")
    lane = lax.iota(jnp.int32, L)

    def chunk_body(c, _):
        base = wid * B_PER_W + c * CHUNK
        pltpu.sync_copy(heads.at[pl.ds(base, CHUNK)], idx_h)
        pltpu.sync_copy(rels.at[pl.ds(base, CHUNK)], idx_r)
        pltpu.sync_copy(tails.at[pl.ds(base, CHUNK)], idx_t)
        cps = [
            pltpu.async_copy(ent_cat.at[idx_h], hv, sem),
            pltpu.async_copy(ent_cat.at[idx_t], tv, sem),
            pltpu.async_copy(rel_cat.at[idx_r], rv, sem),
        ]
        for cp in cps:
            cp.wait()

        def group_body(g, _):
            for j in range(L):
                acc = None
                for k in range(FG):
                    f = pl.ds(k * L, L)
                    fi = pl.ds(DIM + k * L, L)
                    hr = hv[g * L + j, f]
                    hi = hv[g * L + j, fi]
                    tr = tv[g * L + j, f]
                    ti = tv[g * L + j, fi]
                    rr = rv[g * L + j, f]
                    ri = rv[g * L + j, fi]
                    term = (hr * (rr * tr + ri * ti)
                            + hi * (rr * ti - ri * tr))
                    acc = term if acc is None else acc + term
                srow[j] = acc
            tot = jnp.zeros((L,), jnp.float32)
            for l in range(L):
                tot = tot + plsc.load_gather(
                    srow, [lane, jnp.full((L,), l, jnp.int32)])
            out_v[pl.ds(c * CHUNK + g * L, L)] = tot
            return ()

        lax.fori_loop(0, GROUPS, group_body, ())
        return ()

    lax.fori_loop(0, NCHUNK, chunk_body, ())
    pltpu.sync_copy(out_v, out.at[pl.ds(wid * B_PER_W, B_PER_W)])


@jax.jit
def _complex_score(heads, relations, tails, entity_re, entity_im,
                   relation_re, relation_im):
    ent_cat = jnp.concatenate([entity_re, entity_im], axis=1)
    rel_cat = jnp.concatenate([relation_re, relation_im], axis=1)
    mesh = plsc.VectorSubcoreMesh(core_axis_name="c", subcore_axis_name="s",
                                  num_cores=NC, num_subcores=NS)
    kern = pl.kernel(
        _body,
        out_type=jax.ShapeDtypeStruct((BATCH,), jnp.float32),
        mesh=mesh,
        scratch_types=[
            pltpu.VMEM((CHUNK,), jnp.int32),
            pltpu.VMEM((CHUNK,), jnp.int32),
            pltpu.VMEM((CHUNK,), jnp.int32),
            pltpu.VMEM((CHUNK, 2 * DIM), jnp.float32),
            pltpu.VMEM((CHUNK, 2 * DIM), jnp.float32),
            pltpu.VMEM((CHUNK, 2 * DIM), jnp.float32),
            pltpu.VMEM((L, L), jnp.float32),
            pltpu.VMEM((B_PER_W,), jnp.float32),
            pltpu.SemaphoreType.DMA,
        ],
        compiler_params=pltpu.CompilerParams(needs_layout_passes=False),
        name="complex_score_sc",
    )
    return kern(heads, relations, tails, ent_cat, rel_cat)


def kernel(heads, relations, tails, entity_re, entity_im, relation_re,
           relation_im):
    return _complex_score(
        heads.astype(jnp.int32), relations.astype(jnp.int32),
        tails.astype(jnp.int32), entity_re, entity_im,
        relation_re, relation_im)

# --- scband reference (transcript-rebuilt; emitter-appended) ---
"""Pipeline reference for scband-compl-ex-model-6433861009915 (READ-ONLY COPY).

The authoritative reference and input builder live on the scoring server;
editing this copy changes nothing except your own understanding.
"""

import jax, jax.numpy as jnp
import numpy as np

NUM_ENTITIES = 1000000
NUM_RELATIONS = 1000
EMBED_DIM = 64
BATCH = 16384

def _xavier_uniform(key, shape):
    fan_in, fan_out = shape[0], shape[1]
    limit = np.sqrt(6.0 / (fan_in + fan_out))
    return jax.random.uniform(key, shape, dtype=jnp.float32, minval=-limit, maxval=limit)

def setup_inputs(seed: int = 0) -> dict:
    key = jax.random.key(seed)
    k1, k2, k3, k4, k5, k6, k7 = jax.random.split(key, 7)
    heads = jax.random.randint(k1, (BATCH,), 0, NUM_ENTITIES, dtype=jnp.int64 if jax.config.jax_enable_x64 else jnp.int32)
    relations = jax.random.randint(k2, (BATCH,), 0, NUM_RELATIONS, dtype=jnp.int64 if jax.config.jax_enable_x64 else jnp.int32)
    tails = jax.random.randint(k3, (BATCH,), 0, NUM_ENTITIES, dtype=jnp.int64 if jax.config.jax_enable_x64 else jnp.int32)
    entity_re = _xavier_uniform(k4, (NUM_ENTITIES, EMBED_DIM))
    entity_im = _xavier_uniform(k5, (NUM_ENTITIES, EMBED_DIM))
    relation_re = _xavier_uniform(k6, (NUM_RELATIONS, EMBED_DIM))
    relation_im = _xavier_uniform(k7, (NUM_RELATIONS, EMBED_DIM))
    return {
        "heads": heads,
        "relations": relations,
        "tails": tails,
        "entity_re": entity_re,
        "entity_im": entity_im,
        "relation_re": relation_re,
        "relation_im": relation_im,
    }

def reference(heads, relations, tails, entity_re, entity_im, relation_re, relation_im):
    h_re = jnp.take(entity_re, heads, axis=0)
    h_im = jnp.take(entity_im, heads, axis=0)
    r_re = jnp.take(relation_re, relations, axis=0)
    r_im = jnp.take(relation_im, relations, axis=0)
    t_re = jnp.take(entity_re, tails, axis=0)
    t_im = jnp.take(entity_im, tails, axis=0)
    score = jnp.sum(
        h_re * r_re * t_re
        + h_re * r_im * t_im
        + h_im * r_re * t_im
        - h_im * r_im * t_re,
        axis=-1,
    )
    return score

if __name__ == "__main__":
    import jax
    _d = setup_inputs()
    print(jax.jit(kernel)(*tuple(_d.values())))

</pallas_src>

<mosaic_0001>
#map = affine_map<(d0, d1) -> (0)>
#map1 = affine_map<(d0, d1) -> (0, 0)>
module attributes {stable_mosaic.version = 14 : i64} {
  func.func @complex_score_sc(%arg0: i32, %arg1: i32, %arg2: memref<16384xi32, #tpu.memory_space<hbm>>, %arg3: memref<16384xi32, #tpu.memory_space<hbm>>, %arg4: memref<16384xi32, #tpu.memory_space<hbm>>, %arg5: memref<1000000x128xf32, #tpu.memory_space<hbm>>, %arg6: memref<1000x128xf32, #tpu.memory_space<hbm>>, %arg7: memref<16384xf32, #tpu.memory_space<hbm>>, %arg8: memref<128xi32, #tpu.memory_space<vmem>>, %arg9: memref<128xi32, #tpu.memory_space<vmem>>, %arg10: memref<128xi32, #tpu.memory_space<vmem>>, %arg11: memref<128x128xf32, #tpu.memory_space<vmem>>, %arg12: memref<128x128xf32, #tpu.memory_space<vmem>>, %arg13: memref<128x128xf32, #tpu.memory_space<vmem>>, %arg14: memref<16x16xf32, #tpu.memory_space<vmem>>, %arg15: memref<512xf32, #tpu.memory_space<vmem>>, %arg16: memref<!tpu.dma_semaphore, #tpu.memory_space<semaphore_mem>>) attributes {dimension_semantics = [#tpu.dimension_semantics<core_parallel>, #tpu.dimension_semantics<subcore_parallel>], iteration_bounds = array<i64: 2, 16>, scalar_prefetch = 0 : i64, scratch_operands = 9 : i64, tpu.core_type = #tpu.core_type<sc_vector_subcore>, window_params = [{transform_indices = #map}, {transform_indices = #map}, {transform_indices = #map}, {transform_indices = #map1}, {transform_indices = #map1}, {transform_indices = #map}]} {
    %mul3A = arith.constant 2 : i32
    %mul3A_0 = arith.muli %arg1, %mul3A : i32
    %add3A = arith.addi %mul3A_0, %arg0 : i32
    %iota3A = tpu.iota {dimensions = array<i32: 0>} : vector<16xi32>
    %scan3A = arith.constant 0 : i32
    %scan3A_1 = arith.constant 4 : i32
    %scan3A_2 = arith.addi %scan3A, %scan3A_1 : i32
    %scan3A_3 = arith.constant 1 : i32
    scf.for %scan3A_7 = %scan3A to %scan3A_2 step %scan3A_3  : i32 {
      %mul3A_8 = arith.constant 512 : i32
      %mul3A_9 = arith.muli %add3A, %mul3A_8 : i32
      %mul3A_10 = arith.constant 128 : i32
      %mul3A_11 = arith.muli %scan3A_7, %mul3A_10 : i32
      %add3A_12 = arith.addi %mul3A_9, %mul3A_11 : i32
      "tpu.region"() ({
        %run_scoped3A = tpu.sem_alloc : memref<!tpu.dma_semaphore, #tpu.memory_space<semaphore_mem>>
        %dma_start3A_34 = tpu.memref_slice %arg2[%add3A_12] : memref<16384xi32, #tpu.memory_space<hbm>> -> memref<128xi32, #tpu.memory_space<hbm>>
        %dma_start3A_35 = tpu.memref_slice %arg2[%add3A_12] : memref<16384xi32, #tpu.memory_space<hbm>> -> memref<128xi32, #tpu.memory_space<hbm>>
        tpu.enqueue_dma source(%dma_start3A_35 : memref<128xi32, #tpu.memory_space<hbm>>) target(%arg8 : memref<128xi32, #tpu.memory_space<vmem>>) target_semaphore(%run_scoped3A : memref<!tpu.dma_semaphore, #tpu.memory_space<semaphore_mem>>)
        %dma_wait3A_36 = tpu.memref_slice %arg2[%add3A_12] : memref<16384xi32, #tpu.memory_space<hbm>> -> memref<128xi32, #tpu.memory_space<hbm>>
        %dma_wait3A_37 = tpu.memref_slice %arg2[%add3A_12] : memref<16384xi32, #tpu.memory_space<hbm>> -> memref<128xi32, #tpu.memory_space<hbm>>
        tpu.wait_dma2 semaphore(%run_scoped3A : memref<!tpu.dma_semaphore, #tpu.memory_space<semaphore_mem>>) src(%dma_wait3A_37 : memref<128xi32, #tpu.memory_space<hbm>>) dst(%arg8 : memref<128xi32, #tpu.memory_space<vmem>>)
        tpu.yield
      }) : () -> ()
      "tpu.region"() ({
        %run_scoped3A = tpu.sem_alloc : memref<!tpu.dma_semaphore, #tpu.memory_space<semaphore_mem>>
        %dma_start3A_34 = tpu.memref_slice %arg3[%add3A_12] : memref<16384xi32, #tpu.memory_space<hbm>> -> memref<128xi32, #tpu.memory_space<hbm>>
        %dma_start3A_35 = tpu.memref_slice %arg3[%add3A_12] : memref<16384xi32, #tpu.memory_space<hbm>> -> memref<128xi32, #tpu.memory_space<hbm>>
        tpu.enqueue_dma source(%dma_start3A_35 : memref<128xi32, #tpu.memory_space<hbm>>) target(%arg9 : memref<128xi32, #tpu.memory_space<vmem>>) target_semaphore(%run_scoped3A : memref<!tpu.dma_semaphore, #tpu.memory_space<semaphore_mem>>)
        %dma_wait3A_36 = tpu.memref_slice %arg3[%add3A_12] : memref<16384xi32, #tpu.memory_space<hbm>> -> memref<128xi32, #tpu.memory_space<hbm>>
        %dma_wait3A_37 = tpu.memref_slice %arg3[%add3A_12] : memref<16384xi32, #tpu.memory_space<hbm>> -> memref<128xi32, #tpu.memory_space<hbm>>
        tpu.wait_dma2 semaphore(%run_scoped3A : memref<!tpu.dma_semaphore, #tpu.memory_space<semaphore_mem>>) src(%dma_wait3A_37 : memref<128xi32, #tpu.memory_space<hbm>>) dst(%arg9 : memref<128xi32, #tpu.memory_space<vmem>>)
        tpu.yield
      }) : () -> ()
      "tpu.region"() ({
        %run_scoped3A = tpu.sem_alloc : memref<!tpu.dma_semaphore, #tpu.memory_space<semaphore_mem>>
        %dma_start3A_34 = tpu.memref_slice %arg4[%add3A_12] : memref<16384xi32, #tpu.memory_space<hbm>> -> memref<128xi32, #tpu.memory_space<hbm>>
        %dma_start3A_35 = tpu.memref_slice %arg4[%add3A_12] : memref<16384xi32, #tpu.memory_space<hbm>> -> memref<128xi32, #tpu.memory_space<hbm>>
        tpu.enqueue_dma source(%dma_start3A_35 : memref<128xi32, #tpu.memory_space<hbm>>) target(%arg10 : memref<128xi32, #tpu.memory_space<vmem>>) target_semaphore(%run_scoped3A : memref<!tpu.dma_semaphore, #tpu.memory_space<semaphore_mem>>)
        %dma_wait3A_36 = tpu.memref_slice %arg4[%add3A_12] : memref<16384xi32, #tpu.memory_space<hbm>> -> memref<128xi32, #tpu.memory_space<hbm>>
        %dma_wait3A_37 = tpu.memref_slice %arg4[%add3A_12] : memref<16384xi32, #tpu.memory_space<hbm>> -> memref<128xi32, #tpu.memory_space<hbm>>
        tpu.wait_dma2 semaphore(%run_scoped3A : memref<!tpu.dma_semaphore, #tpu.memory_space<semaphore_mem>>) src(%dma_wait3A_37 : memref<128xi32, #tpu.memory_space<hbm>>) dst(%arg10 : memref<128xi32, #tpu.memory_space<vmem>>)
        tpu.yield
      }) : () -> ()
      %dma_start3A = arith.constant 0 : i32
      %dma_start3A_13 = arith.constant 0 : i32
      %dma_start3A_14 = tpu.memref_slice %arg5[%dma_start3A, %dma_start3A_13] : memref<1000000x128xf32, #tpu.memory_space<hbm>> -> memref<1000000x128xf32, #tpu.memory_space<hbm>>
      tpu.enqueue_indirect_dma source(%dma_start3A_14 : memref<1000000x128xf32, #tpu.memory_space<hbm>>) target(%arg11 : memref<128x128xf32, #tpu.memory_space<vmem>>) offsets(%arg8 : memref<128xi32, #tpu.memory_space<vmem>>) semaphore(%arg16 : memref<!tpu.dma_semaphore, #tpu.memory_space<semaphore_mem>>)
      %dma_start3A_15 = arith.constant 0 : i32
      %dma_start3A_16 = arith.constant 0 : i32
      %dma_start3A_17 = tpu.memref_slice %arg5[%dma_start3A_15, %dma_start3A_16] : memref<1000000x128xf32, #tpu.memory_space<hbm>> -> memref<1000000x128xf32, #tpu.memory_space<hbm>>
      tpu.enqueue_indirect_dma source(%dma_start3A_17 : memref<1000000x128xf32, #tpu.memory_space<hbm>>) target(%arg12 : memref<128x128xf32, #tpu.memory_space<vmem>>) offsets(%arg10 : memref<128xi32, #tpu.memory_space<vmem>>) semaphore(%arg16 : memref<!tpu.dma_semaphore, #tpu.memory_space<semaphore_mem>>)
      %dma_start3A_18 = arith.constant 0 : i32
      %dma_start3A_19 = arith.constant 0 : i32
      %dma_start3A_20 = tpu.memref_slice %arg6[%dma_start3A_18, %dma_start3A_19] : memref<1000x128xf32, #tpu.memory_space<hbm>> -> memref<1000x128xf32, #tpu.memory_space<hbm>>
      tpu.enqueue_indirect_dma source(%dma_start3A_20 : memref<1000x128xf32, #tpu.memory_space<hbm>>) target(%arg13 : memref<128x128xf32, #tpu.memory_space<vmem>>) offsets(%arg9 : memref<128xi32, #tpu.memory_space<vmem>>) semaphore(%arg16 : memref<!tpu.dma_semaphore, #tpu.memory_space<semaphore_mem>>)
      %dma_wait3A = arith.constant 0 : i32
      %dma_wait3A_21 = arith.constant 0 : i32
      %dma_wait3A_22 = tpu.memref_slice %arg5[%dma_wait3A, %dma_wait3A_21] : memref<1000000x128xf32, #tpu.memory_space<hbm>> -> memref<1000000x128xf32, #tpu.memory_space<hbm>>
      tpu.wait_indirect_dma semaphore(%arg16 : memref<!tpu.dma_semaphore, #tpu.memory_space<semaphore_mem>>) src(%dma_wait3A_22 : memref<1000000x128xf32, #tpu.memory_space<hbm>>) dst(%arg11 : memref<128x128xf32, #tpu.memory_space<vmem>>)
      %dma_wait3A_23 = arith.constant 0 : i32
      %dma_wait3A_24 = arith.constant 0 : i32
      %dma_wait3A_25 = tpu.memref_slice %arg5[%dma_wait3A_23, %dma_wait3A_24] : memref<1000000x128xf32, #tpu.memory_space<hbm>> -> memref<1000000x128xf32, #tpu.memory_space<hbm>>
      tpu.wait_indirect_dma semaphore(%arg16 : memref<!tpu.dma_semaphore, #tpu.memory_space<semaphore_mem>>) src(%dma_wait3A_25 : memref<1000000x128xf32, #tpu.memory_space<hbm>>) dst(%arg12 : memref<128x128xf32, #tpu.memory_space<vmem>>)
      %dma_wait3A_26 = arith.constant 0 : i32
      %dma_wait3A_27 = arith.constant 0 : i32
      %dma_wait3A_28 = tpu.memref_slice %arg6[%dma_wait3A_26, %dma_wait3A_27] : memref<1000x128xf32, #tpu.memory_space<hbm>> -> memref<1000x128xf32, #tpu.memory_space<hbm>>
      tpu.wait_indirect_dma semaphore(%arg16 : memref<!tpu.dma_semaphore, #tpu.memory_space<semaphore_mem>>) src(%dma_wait3A_28 : memref<1000x128xf32, #tpu.memory_space<hbm>>) dst(%arg13 : memref<128x128xf32, #tpu.memory_space<vmem>>)
      %scan3A_29 = arith.constant 0 : i32
      %scan3A_30 = arith.constant 8 : i32
      %scan3A_31 = arith.addi %scan3A_29, %scan3A_30 : i32
      %scan3A_32 = arith.constant 1 : i32
      scf.for %scan3A_34 = %scan3A_29 to %scan3A_31 step %scan3A_32  : i32 {
        %mul3A_35 = arith.constant 16 : i32
        %mul3A_36 = arith.muli %scan3A_34, %mul3A_35 : i32
        %add3A_37 = arith.constant 0 : i32
        %add3A_38 = arith.addi %mul3A_36, %add3A_37 : i32
        %get3A = arith.index_cast %add3A_38 : i32 to index
        %get3A_39 = arith.constant 0 : index
        %get3A_40 = tpu.vector_load %arg11[%get3A, %get3A_39] {strides = array<i32>} : memref<128x128xf32, #tpu.memory_space<vmem>>, vector<16xf32>,
        %mul3A_41 = arith.constant 16 : i32
        %mul3A_42 = arith.muli %scan3A_34, %mul3A_41 : i32
        %add3A_43 = arith.constant 0 : i32
        %add3A_44 = arith.addi %mul3A_42, %add3A_43 : i32
        %get3A_45 = arith.index_cast %add3A_44 : i32 to index
        %get3A_46 = arith.constant 64 : index
        %get3A_47 = tpu.vector_load %arg11[%get3A_45, %get3A_46] {strides = array<i32>} : memref<128x128xf32, #tpu.memory_space<vmem>>, vector<16xf32>,
        %mul3A_48 = arith.constant 16 : i32
        %mul3A_49 = arith.muli %scan3A_34, %mul3A_48 : i32
        %add3A_50 = arith.constant 0 : i32
        %add3A_51 = arith.addi %mul3A_49, %add3A_50 : i32
        %get3A_52 = arith.index_cast %add3A_51 : i32 to index
        %get3A_53 = arith.constant 0 : index
        %get3A_54 = tpu.vector_load %arg12[%get3A_52, %get3A_53] {strides = array<i32>} : memref<128x128xf32, #tpu.memory_space<vmem>>, vector<16xf32>,
        %mul3A_55 = arith.constant 16 : i32
        %mul3A_56 = arith.muli %scan3A_34, %mul3A_55 : i32
        %add3A_57 = arith.constant 0 : i32
        %add3A_58 = arith.addi %mul3A_56, %add3A_57 : i32
        %get3A_59 = arith.index_cast %add3A_58 : i32 to index
        %get3A_60 = arith.constant 64 : index
        %get3A_61 = tpu.vector_load %arg12[%get3A_59, %get3A_60] {strides = array<i32>} : memref<128x128xf32, #tpu.memory_space<vmem>>, vector<16xf32>,
        %mul3A_62 = arith.constant 16 : i32
        %mul3A_63 = arith.muli %scan3A_34, %mul3A_62 : i32
        %add3A_64 = arith.constant 0 : i32
        %add3A_65 = arith.addi %mul3A_63, %add3A_64 : i32
        %get3A_66 = arith.index_cast %add3A_65 : i32 to index
        %get3A_67 = arith.constant 0 : index
        %get3A_68 = tpu.vector_load %arg13[%get3A_66, %get3A_67] {strides = array<i32>} : memref<128x128xf32, #tpu.memory_space<vmem>>, vector<16xf32>,
        %mul3A_69 = arith.constant 16 : i32
        %mul3A_70 = arith.muli %scan3A_34, %mul3A_69 : i32
        %add3A_71 = arith.constant 0 : i32
        %add3A_72 = arith.addi %mul3A_70, %add3A_71 : i32
        %get3A_73 = arith.index_cast %add3A_72 : i32 to index
        %get3A_74 = arith.constant 64 : index
        %get3A_75 = tpu.vector_load %arg13[%get3A_73, %get3A_74] {strides = array<i32>} : memref<128x128xf32, #tpu.memory_space<vmem>>, vector<16xf32>,
        %mul3A_76 = arith.mulf %get3A_68, %get3A_54 : vector<16xf32>
        %mul3A_77 = arith.mulf %get3A_75, %get3A_61 : vector<16xf32>
        %add3A_78 = arith.addf %mul3A_76, %mul3A_77 : vector<16xf32>
        %mul3A_79 = arith.mulf %get3A_40, %add3A_78 : vector<16xf32>
        %mul3A_80 = arith.mulf %get3A_68, %get3A_61 : vector<16xf32>
        %mul3A_81 = arith.mulf %get3A_75, %get3A_54 : vector<16xf32>
        %sub3A = arith.subf %mul3A_80, %mul3A_81 : vector<16xf32>
        %mul3A_82 = arith.mulf %get3A_47, %sub3A : vector<16xf32>
        %add3A_83 = arith.addf %mul3A_79, %mul3A_82 : vector<16xf32>
        %mul3A_84 = arith.constant 16 : i32
        %mul3A_85 = arith.muli %scan3A_34, %mul3A_84 : i32
        %add3A_86 = arith.constant 0 : i32
        %add3A_87 = arith.addi %mul3A_85, %add3A_86 : i32
        %get3A_88 = arith.index_cast %add3A_87 : i32 to index
        %get3A_89 = arith.constant 16 : index
        %get3A_90 = tpu.vector_load %arg11[%get3A_88, %get3A_89] {strides = array<i32>} : memref<128x128xf32, #tpu.memory_space<vmem>>, vector<16xf32>,
        %mul3A_91 = arith.constant 16 : i32
        %mul3A_92 = arith.muli %scan3A_34, %mul3A_91 : i32
        %add3A_93 = arith.constant 0 : i32
        %add3A_94 = arith.addi %mul3A_92, %add3A_93 : i32
        %get3A_95 = arith.index_cast %add3A_94 : i32 to index
        %get3A_96 = arith.constant 80 : index
        %get3A_97 = tpu.vector_load %arg11[%get3A_95, %get3A_96] {strides = array<i32>} : memref<128x128xf32, #tpu.memory_space<vmem>>, vector<16xf32>,
        %mul3A_98 = arith.constant 16 : i32
        %mul3A_99 = arith.muli %scan3A_34, %mul3A_98 : i32
        %add3A_100 = arith.constant 0 : i32
        %add3A_101 = arith.addi %mul3A_99, %add3A_100 : i32
        %get3A_102 = arith.index_cast %add3A_101 : i32 to index
        %get3A_103 = arith.constant 16 : index
        %get3A_104 = tpu.vector_load %arg12[%get3A_102, %get3A_103] {strides = array<i32>} : memref<128x128xf32, #tpu.memory_space<vmem>>, vector<16xf32>,
        %mul3A_105 = arith.constant 16 : i32
        %mul3A_106 = arith.muli %scan3A_34, %mul3A_105 : i32
        %add3A_107 = arith.constant 0 : i32
        %add3A_108 = arith.addi %mul3A_106, %add3A_107 : i32
        %get3A_109 = arith.index_cast %add3A_108 : i32 to index
        %get3A_110 = arith.constant 80 : index
        %get3A_111 = tpu.vector_load %arg12[%get3A_109, %get3A_110] {strides = array<i32>} : memref<128x128xf32, #tpu.memory_space<vmem>>, vector<16xf32>,
        %mul3A_112 = arith.constant 16 : i32
        %mul3A_113 = arith.muli %scan3A_34, %mul3A_112 : i32
        %add3A_114 = arith.constant 0 : i32
        %add3A_115 = arith.addi %mul3A_113, %add3A_114 : i32
        %get3A_116 = arith.index_cast %add3A_115 : i32 to index
        %get3A_117 = arith.constant 16 : index
        %get3A_118 = tpu.vector_load %arg13[%get3A_116, %get3A_117] {strides = array<i32>} : memref<128x128xf32, #tpu.memory_space<vmem>>, vector<16xf32>,
        %mul3A_119 = arith.constant 16 : i32
        %mul3A_120 = arith.muli %scan3A_34, %mul3A_119 : i32
        %add3A_121 = arith.constant 0 : i32
        %add3A_122 = arith.addi %mul3A_120, %add3A_121 : i32
        %get3A_123 = arith.index_cast %add3A_122 : i32 to index
        %get3A_124 = arith.constant 80 : index
        %get3A_125 = tpu.vector_load %arg13[%get3A_123, %get3A_124] {strides = array<i32>} : memref<128x128xf32, #tpu.memory_space<vmem>>, vector<16xf32>,
        %mul3A_126 = arith.mulf %get3A_118, %get3A_104 : vector<16xf32>
        %mul3A_127 = arith.mulf %get3A_125, %get3A_111 : vector<16xf32>
        %add3A_128 = arith.addf %mul3A_126, %mul3A_127 : vector<16xf32>
        %mul3A_129 = arith.mulf %get3A_90, %add3A_128 : vector<16xf32>
        %mul3A_130 = arith.mulf %get3A_118, %get3A_111 : vector<16xf32>
        %mul3A_131 = arith.mulf %get3A_125, %get3A_104 : vector<16xf32>
        %sub3A_132 = arith.subf %mul3A_130, %mul3A_131 : vector<16xf32>
        %mul3A_133 = arith.mulf %get3A_97, %sub3A_132 : vector<16xf32>
        %add3A_134 = arith.addf %mul3A_129, %mul3A_133 : vector<16xf32>
        %add3A_135 = arith.addf %add3A_83, %add3A_134 : vector<16xf32>
        %mul3A_136 = arith.constant 16 : i32
        %mul3A_137 = arith.muli %scan3A_34, %mul3A_136 : i32
        %add3A_138 = arith.constant 0 : i32
        %add3A_139 = arith.addi %mul3A_137, %add3A_138 : i32
        %get3A_140 = arith.index_cast %add3A_139 : i32 to index
        %get3A_141 = arith.constant 32 : index
        %get3A_142 = tpu.vector_load %arg11[%get3A_140, %get3A_141] {strides = array<i32>} : memref<128x128xf32, #tpu.memory_space<vmem>>, vector<16xf32>,
        %mul3A_143 = arith.constant 16 : i32
        %mul3A_144 = arith.muli %scan3A_34, %mul3A_143 : i32
        %add3A_145 = arith.constant 0 : i32
        %add3A_146 = arith.addi %mul3A_144, %add3A_145 : i32
        %get3A_147 = arith.index_cast %add3A_146 : i32 to index
        %get3A_148 = arith.constant 96 : index
        %get3A_149 = tpu.vector_load %arg11[%get3A_147, %get3A_148] {strides = array<i32>} : memref<128x128xf32, #tpu.memory_space<vmem>>, vector<16xf32>,
        %mul3A_150 = arith.constant 16 : i32
        %mul3A_151 = arith.muli %scan3A_34, %mul3A_150 : i32
        %add3A_152 = arith.constant 0 : i32
        %add3A_153 = arith.addi %mul3A_151, %add3A_152 : i32
        %get3A_154 = arith.index_cast %add3A_153 : i32 to index
        %get3A_155 = arith.constant 32 : index
        %get3A_156 = tpu.vector_load %arg12[%get3A_154, %get3A_155] {strides = array<i32>} : memref<128x128xf32, #tpu.memory_space<vmem>>, vector<16xf32>,
        %mul3A_157 = arith.constant 16 : i32
        %mul3A_158 = arith.muli %scan3A_34, %mul3A_157 : i32
        %add3A_159 = arith.constant 0 : i32
        %add3A_160 = arith.addi %mul3A_158, %add3A_159 : i32
        %get3A_161 = arith.index_cast %add3A_160 : i32 to index
        %get3A_162 = arith.constant 96 : index
        %get3A_163 = tpu.vector_load %arg12[%get3A_161, %get3A_162] {strides = array<i32>} : memref<128x128xf32, #tpu.memory_space<vmem>>, vector<16xf32>,
        %mul3A_164 = arith.constant 16 : i32
        %mul3A_165 = arith.muli %scan3A_34, %mul3A_164 : i32
        %add3A_166 = arith.constant 0 : i32
        %add3A_167 = arith.addi %mul3A_165, %add3A_166 : i32
        %get3A_168 = arith.index_cast %add3A_167 : i32 to index
        %get3A_169 = arith.constant 32 : index
        %get3A_170 = tpu.vector_load %arg13[%get3A_168, %get3A_169] {strides = array<i32>} : memref<128x128xf32, #tpu.memory_space<vmem>>, vector<16xf32>,
        %mul3A_171 = arith.constant 16 : i32
        %mul3A_172 = arith.muli %scan3A_34, %mul3A_171 : i32
        %add3A_173 = arith.constant 0 : i32
        %add3A_174 = arith.addi %mul3A_172, %add3A_173 : i32
        %get3A_175 = arith.index_cast %add3A_174 : i32 to index
        %get3A_176 = arith.constant 96 : index
        %get3A_177 = tpu.vector_load %arg13[%get3A_175, %get3A_176] {strides = array<i32>} : memref<128x128xf32, #tpu.memory_space<vmem>>, vector<16xf32>,
        %mul3A_178 = arith.mulf %get3A_170, %get3A_156 : vector<16xf32>
        %mul3A_179 = arith.mulf %get3A_177, %get3A_163 : vector<16xf32>
        %add3A_180 = arith.addf %mul3A_178, %mul3A_179 : vector<16xf32>
        %mul3A_181 = arith.mulf %get3A_142, %add3A_180 : vector<16xf32>
        %mul3A_182 = arith.mulf %get3A_170, %get3A_163 : vector<16xf32>
        %mul3A_183 = arith.mulf %get3A_177, %get3A_156 : vector<16xf32>
        %sub3A_184 = arith.subf %mul3A_182, %mul3A_183 : vector<16xf32>
        %mul3A_185 = arith.mulf %get3A_149, %sub3A_184 : vector<16xf32>
        %add3A_186 = arith.addf %mul3A_181, %mul3A_185 : vector<16xf32>
        %add3A_187 = arith.addf %add3A_135, %add3A_186 : vector<16xf32>
        %mul3A_188 = arith.constant 16 : i32
        %mul3A_189 = arith.muli %scan3A_34, %mul3A_188 : i32
        %add3A_190 = arith.constant 0 : i32
        %add3A_191 = arith.addi %mul3A_189, %add3A_190 : i32
        %get3A_192 = arith.index_cast %add3A_191 : i32 to index
        %get3A_193 = arith.constant 48 : index
        %get3A_194 = tpu.vector_load %arg11[%get3A_192, %get3A_193] {strides = array<i32>} : memref<128x128xf32, #tpu.memory_space<vmem>>, vector<16xf32>,
        %mul3A_195 = arith.constant 16 : i32
        %mul3A_196 = arith.muli %scan3A_34, %mul3A_195 : i32
        %add3A_197 = arith.constant 0 : i32
        %add3A_198 = arith.addi %mul3A_196, %add3A_197 : i32
        %get3A_199 = arith.index_cast %add3A_198 : i32 to index
        %get3A_200 = arith.constant 112 : index
        %get3A_201 = tpu.vector_load %arg11[%get3A_199, %get3A_200] {strides = array<i32>} : memref<128x128xf32, #tpu.memory_space<vmem>>, vector<16xf32>,
        %mul3A_202 = arith.constant 16 : i32
        %mul3A_203 = arith.muli %scan3A_34, %mul3A_202 : i32
        %add3A_204 = arith.constant 0 : i32
        %add3A_205 = arith.addi %mul3A_203, %add3A_204 : i32
        %get3A_206 = arith.index_cast %add3A_205 : i32 to index
        %get3A_207 = arith.constant 48 : index
        %get3A_208 = tpu.vector_load %arg12[%get3A_206, %get3A_207] {strides = array<i32>} : memref<128x128xf32, #tpu.memory_space<vmem>>, vector<16xf32>,
        %mul3A_209 = arith.constant 16 : i32
        %mul3A_210 = arith.muli %scan3A_34, %mul3A_209 : i32
        %add3A_211 = arith.constant 0 : i32
        %add3A_212 = arith.addi %mul3A_210, %add3A_211 : i32
        %get3A_213 = arith.index_cast %add3A_212 : i32 to index
        %get3A_214 = arith.constant 112 : index
        %get3A_215 = tpu.vector_load %arg12[%get3A_213, %get3A_214] {strides = array<i32>} : memref<128x128xf32, #tpu.memory_space<vmem>>, vector<16xf32>,
        %mul3A_216 = arith.constant 16 : i32
        %mul3A_217 = arith.muli %scan3A_34, %mul3A_216 : i32
        %add3A_218 = arith.constant 0 : i32
        %add3A_219 = arith.addi %mul3A_217, %add3A_218 : i32
        %get3A_220 = arith.index_cast %add3A_219 : i32 to index
        %get3A_221 = arith.constant 48 : index
        %get3A_222 = tpu.vector_load %arg13[%get3A_220, %get3A_221] {strides = array<i32>} : memref<128x128xf32, #tpu.memory_space<vmem>>, vector<16xf32>,
        %mul3A_223 = arith.constant 16 : i32
        %mul3A_224 = arith.muli %scan3A_34, %mul3A_223 : i32
        %add3A_225 = arith.constant 0 : i32
        %add3A_226 = arith.addi %mul3A_224, %add3A_225 : i32
        %get3A_227 = arith.index_cast %add3A_226 : i32 to index
        %get3A_228 = arith.constant 112 : index
        %get3A_229 = tpu.vector_load %arg13[%get3A_227, %get3A_228] {strides = array<i32>} : memref<128x128xf32, #tpu.memory_space<vmem>>, vector<16xf32>,
        %mul3A_230 = arith.mulf %get3A_222, %get3A_208 : vector<16xf32>
        %mul3A_231 = arith.mulf %get3A_229, %get3A_215 : vector<16xf32>
        %add3A_232 = arith.addf %mul3A_230, %mul3A_231 : vector<16xf32>
        %mul3A_233 = arith.mulf %get3A_194, %add3A_232 : vector<16xf32>
        %mul3A_234 = arith.mulf %get3A_222, %get3A_215 : vector<16xf32>
        %mul3A_235 = arith.mulf %get3A_229, %get3A_208 : vector<16xf32>
        %sub3A_236 = arith.subf %mul3A_234, %mul3A_235 : vector<16xf32>
        %mul3A_237 = arith.mulf %get3A_201, %sub3A_236 : vector<16xf32>
        %add3A_238 = arith.addf %mul3A_233, %mul3A_237 : vector<16xf32>
        %add3A_239 = arith.addf %add3A_187, %add3A_238 : vector<16xf32>
        %swap3A = arith.constant 0 : i32
        %swap3A_240 = arith.index_cast %swap3A : i32 to index
        %swap3A_241 = arith.constant 0 : index
        %swap3A_242 = tpu.vector_load %arg14[%swap3A_240, %swap3A_241] {strides = array<i32>} : memref<16x16xf32, #tpu.memory_space<vmem>>, vector<16xf32>,
        tpu.vector_store %arg14[%swap3A_240, %swap3A_241], %add3A_239 {strides = array<i32>} : memref<16x16xf32, #tpu.memory_space<vmem>>, vector<16xf32>,
        %mul3A_243 = arith.constant 16 : i32
        %mul3A_244 = arith.muli %scan3A_34, %mul3A_243 : i32
        %add3A_245 = arith.constant 1 : i32
        %add3A_246 = arith.addi %mul3A_244, %add3A_245 : i32
        %get3A_247 = arith.index_cast %add3A_246 : i32 to index
        %get3A_248 = arith.constant 0 : index
        %get3A_249 = tpu.vector_load %arg11[%get3A_247, %get3A_248] {strides = array<i32>} : memref<128x128xf32, #tpu.memory_space<vmem>>, vector<16xf32>,
        %mul3A_250 = arith.constant 16 : i32
        %mul3A_251 = arith.muli %scan3A_34, %mul3A_250 : i32
        %add3A_252 = arith.constant 1 : i32
        %add3A_253 = arith.addi %mul3A_251, %add3A_252 : i32
        %get3A_254 = arith.index_cast %add3A_253 : i32 to index
        %get3A_255 = arith.constant 64 : index
        %get3A_256 = tpu.vector_load %arg11[%get3A_254, %get3A_255] {strides = array<i32>} : memref<128x128xf32, #tpu.memory_space<vmem>>, vector<16xf32>,
        %mul3A_257 = arith.constant 16 : i32
        %mul3A_258 = arith.muli %scan3A_34, %mul3A_257 : i32
        %add3A_259 = arith.constant 1 : i32
        %add3A_260 = arith.addi %mul3A_258, %add3A_259 : i32
        %get3A_261 = arith.index_cast %add3A_260 : i32 to index
        %get3A_262 = arith.constant 0 : index
        %get3A_263 = tpu.vector_load %arg12[%get3A_261, %get3A_262] {strides = array<i32>} : memref<128x128xf32, #tpu.memory_space<vmem>>, vector<16xf32>,
        %mul3A_264 = arith.constant 16 : i32
        %mul3A_265 = arith.muli %scan3A_34, %mul3A_264 : i32
        %add3A_266 = arith.constant 1 : i32
        %add3A_267 = arith.addi %mul3A_265, %add3A_266 : i32
        %get3A_268 = arith.index_cast %add3A_267 : i32 to index
        %get3A_269 = arith.constant 64 : index
        %get3A_270 = tpu.vector_load %arg12[%get3A_268, %get3A_269] {strides = array<i32>} : memref<128x128xf32, #tpu.memory_space<vmem>>, vector<16xf32>,
        %mul3A_271 = arith.constant 16 : i32
        %mul3A_272 = arith.muli %scan3A_34, %mul3A_271 : i32
        %add3A_273 = arith.constant 1 : i32
        %add3A_274 = arith.addi %mul3A_272, %add3A_273 : i32
        %get3A_275 = arith.index_cast %add3A_274 : i32 to index
        %get3A_276 = arith.constant 0 : index
        %get3A_277 = tpu.vector_load %arg13[%get3A_275, %get3A_276] {strides = array<i32>} : memref<128x128xf32, #tpu.memory_space<vmem>>, vector<16xf32>,
        %mul3A_278 = arith.constant 16 : i32
        %mul3A_279 = arith.muli %scan3A_34, %mul3A_278 : i32
        %add3A_280 = arith.constant 1 : i32
        %add3A_281 = arith.addi %mul3A_279, %add3A_280 : i32
        %get3A_282 = arith.index_cast %add3A_281 : i32 to index
        %get3A_283 = arith.constant 64 : index
        %get3A_284 = tpu.vector_load %arg13[%get3A_282, %get3A_283] {strides = array<i32>} : memref<128x128xf32, #tpu.memory_space<vmem>>, vector<16xf32>,
        %mul3A_285 = arith.mulf %get3A_277, %get3A_263 : vector<16xf32>
        %mul3A_286 = arith.mulf %get3A_284, %get3A_270 : vector<16xf32>
        %add3A_287 = arith.addf %mul3A_285, %mul3A_286 : vector<16xf32>
        %mul3A_288 = arith.mulf %get3A_249, %add3A_287 : vector<16xf32>
        %mul3A_289 = arith.mulf %get3A_277, %get3A_270 : vector<16xf32>
        %mul3A_290 = arith.mulf %get3A_284, %get3A_263 : vector<16xf32>
        %sub3A_291 = arith.subf %mul3A_289, %mul3A_290 : vector<16xf32>
        %mul3A_292 = arith.mulf %get3A_256, %sub3A_291 : vector<16xf32>
        %add3A_293 = arith.addf %mul3A_288, %mul3A_292 : vector<16xf32>
        %mul3A_294 = arith.constant 16 : i32
        %mul3A_295 = arith.muli %scan3A_34, %mul3A_294 : i32
        %add3A_296 = arith.constant 1 : i32
        %add3A_297 = arith.addi %mul3A_295, %add3A_296 : i32
        %get3A_298 = arith.index_cast %add3A_297 : i32 to index
        %get3A_299 = arith.constant 16 : index
        %get3A_300 = tpu.vector_load %arg11[%get3A_298, %get3A_299] {strides = array<i32>} : memref<128x128xf32, #tpu.memory_space<vmem>>, vector<16xf32>,
        %mul3A_301 = arith.constant 16 : i32
        %mul3A_302 = arith.muli %scan3A_34, %mul3A_301 : i32
        %add3A_303 = arith.constant 1 : i32
        %add3A_304 = arith.addi %mul3A_302, %add3A_303 : i32
        %get3A_305 = arith.index_cast %add3A_304 : i32 to index
        %get3A_306 = arith.constant 80 : index
        %get3A_307 = tpu.vector_load %arg11[%get3A_305, %get3A_306] {strides = array<i32>} : memref<128x128xf32, #tpu.memory_space<vmem>>, vector<16xf32>,
        %mul3A_308 = arith.constant 16 : i32
        %mul3A_309 = arith.muli %scan3A_34, %mul3A_308 : i32
        %add3A_310 = arith.constant 1 : i32
        %add3A_311 = arith.addi %mul3A_309, %add3A_310 : i32
        %get3A_312 = arith.index_cast %add3A_311 : i32 to index
        %get3A_313 = arith.constant 16 : index
        %get3A_314 = tpu.vector_load %arg12[%get3A_312, %get3A_313] {strides = array<i32>} : memref<128x128xf32, #tpu.memory_space<vmem>>, vector<16xf32>,
        %mul3A_315 = arith.constant 16 : i32
        %mul3A_316 = arith.muli %scan3A_34, %mul3A_315 : i32
        %add3A_317 = arith.constant 1 : i32
        %add3A_318 = arith.addi %mul3A_316, %add3A_317 : i32
        %get3A_319 = arith.index_cast %add3A_318 : i32 to index
        %get3A_320 = arith.constant 80 : index
        %get3A_321 = tpu.vector_load %arg12[%get3A_319, %get3A_320] {strides = array<i32>} : memref<128x128xf32, #tpu.memory_space<vmem>>, vector<16xf32>,
        %mul3A_322 = arith.constant 16 : i32
        %mul3A_323 = arith.muli %scan3A_34, %mul3A_322 : i32
        %add3A_324 = arith.constant 1 : i32
        %add3A_325 = arith.addi %mul3A_323, %add3A_324 : i32
        %get3A_326 = arith.index_cast %add3A_325 : i32 to index
        %get3A_327 = arith.constant 16 : index
        %get3A_328 = tpu.vector_load %arg13[%get3A_326, %get3A_327] {strides = array<i32>} : memref<128x128xf32, #tpu.memory_space<vmem>>, vector<16xf32>,
        %mul3A_329 = arith.constant 16 : i32
        %mul3A_330 = arith.muli %scan3A_34, %mul3A_329 : i32
        %add3A_331 = arith.constant 1 : i32
        %add3A_332 = arith.addi %mul3A_330, %add3A_331 : i32
        %get3A_333 = arith.index_cast %add3A_332 : i32 to index
        %get3A_334 = arith.constant 80 : index
        %get3A_335 = tpu.vector_load %arg13[%get3A_333, %get3A_334] {strides = array<i32>} : memref<128x128xf32, #tpu.memory_space<vmem>>, vector<16xf32>,
        %mul3A_336 = arith.mulf %get3A_328, %get3A_314 : vector<16xf32>
        %mul3A_337 = arith.mulf %get3A_335, %get3A_321 : vector<16xf32>
        %add3A_338 = arith.addf %mul3A_336, %mul3A_337 : vector<16xf32>
        %mul3A_339 = arith.mulf %get3A_300, %add3A_338 : vector<16xf32>
        %mul3A_340 = arith.mulf %get3A_328, %get3A_321 : vector<16xf32>
        %mul3A_341 = arith.mulf %get3A_335, %get3A_314 : vector<16xf32>
        %sub3A_342 = arith.subf %mul3A_340, %mul3A_341 : vector<16xf32>
        %mul3A_343 = arith.mulf %get3A_307, %sub3A_342 : vector<16xf32>
        %add3A_344 = arith.addf %mul3A_339, %mul3A_343 : vector<16xf32>
        %add3A_345 = arith.addf %add3A_293, %add3A_344 : vector<16xf32>
        %mul3A_346 = arith.constant 16 : i32
        %mul3A_347 = arith.muli %scan3A_34, %mul3A_346 : i32
        %add3A_348 = arith.constant 1 : i32
        %add3A_349 = arith.addi %mul3A_347, %add3A_348 : i32
        %get3A_350 = arith.index_cast %add3A_349 : i32 to index
        %get3A_351 = arith.constant 32 : index
        %get3A_352 = tpu.vector_load %arg11[%get3A_350, %get3A_351] {strides = array<i32>} : memref<128x128xf32, #tpu.memory_space<vmem>>, vector<16xf32>,
        %mul3A_353 = arith.constant 16 : i32
        %mul3A_354 = arith.muli %scan3A_34, %mul3A_353 : i32
        %add3A_355 = arith.constant 1 : i32
        %add3A_356 = arith.addi %mul3A_354, %add3A_355 : i32
        %get3A_357 = arith.index_cast %add3A_356 : i32 to index
        %get3A_358 = arith.constant 96 : index
        %get3A_359 = tpu.vector_load %arg11[%get3A_357, %get3A_358] {strides = array<i32>} : memref<128x128xf32, #tpu.memory_space<vmem>>, vector<16xf32>,
        %mul3A_360 = arith.constant 16 : i32
        %mul3A_361 = arith.muli %scan3A_34, %mul3A_360 : i32
        %add3A_362 = arith.constant 1 : i32
        %add3A_363 = arith.addi %mul3A_361, %add3A_362 : i32
        %get3A_364 = arith.index_cast %add3A_363 : i32 to index
        %get3A_365 = arith.constant 32 : index
        %get3A_366 = tpu.vector_load %arg12[%get3A_364, %get3A_365] {strides = array<i32>} : memref<128x128xf32, #tpu.memory_space<vmem>>, vector<16xf32>,
        %mul3A_367 = arith.constant 16 : i32
        %mul3A_368 = arith.muli %scan3A_34, %mul3A_367 : i32
        %add3A_369 = arith.constant 1 : i32
        %add3A_370 = arith.addi %mul3A_368, %add3A_369 : i32
        %get3A_371 = arith.index_cast %add3A_370 : i32 to index
        %get3A_372 = arith.constant 96 : index
        %get3A_373 = tpu.vector_load %arg12[%get3A_371, %get3A_372] {strides = array<i32>} : memref<128x128xf32, #tpu.memory_space<vmem>>, vector<16xf32>,
        %mul3A_374 = arith.constant 16 : i32
        %mul3A_375 = arith.muli %scan3A_34, %mul3A_374 : i32
        %add3A_376 = arith.constant 1 : i32
        %add3A_377 = arith.addi %mul3A_375, %add3A_376 : i32
        %get3A_378 = arith.index_cast %add3A_377 : i32 to index
        %get3A_379 = arith.constant 32 : index
        %get3A_380 = tpu.vector_load %arg13[%get3A_378, %get3A_379] {strides = array<i32>} : memref<128x128xf32, #tpu.memory_space<vmem>>, vector<16xf32>,
        %mul3A_381 = arith.constant 16 : i32
        %mul3A_382 = arith.muli %scan3A_34, %mul3A_381 : i32
        %add3A_383 = arith.constant 1 : i32
        %add3A_384 = arith.addi %mul3A_382, %add3A_383 : i32
        %get3A_385 = arith.index_cast %add3A_384 : i32 to index
        %get3A_386 = arith.constant 96 : index
        %get3A_387 = tpu.vector_load %arg13[%get3A_385, %get3A_386] {strides = array<i32>} : memref<128x128xf32, #tpu.memory_space<vmem>>, vector<16xf32>,
        %mul3A_388 = arith.mulf %get3A_380, %get3A_366 : vector<16xf32>
        %mul3A_389 = arith.mulf %get3A_387, %get3A_373 : vector<16xf32>
        %add3A_390 = arith.addf %mul3A_388, %mul3A_389 : vector<16xf32>
        %mul3A_391 = arith.mulf %get3A_352, %add3A_390 : vector<16xf32>
        %mul3A_392 = arith.mulf %get3A_380, %get3A_373 : vector<16xf32>
        %mul3A_393 = arith.mulf %get3A_387, %get3A_366 : vector<16xf32>
        %sub3A_394 = arith.subf %mul3A_392, %mul3A_393 : vector<16xf32>
        %mul3A_395 = arith.mulf %get3A_359, %sub3A_394 : vector<16xf32>
        %add3A_396 = arith.addf %mul3A_391, %mul3A_395 : vector<16xf32>
        %add3A_397 = arith.addf %add3A_345, %add3A_396 : vector<16xf32>
        %mul3A_398 = arith.constant 16 : i32
        %mul3A_399 = arith.muli %scan3A_34, %mul3A_398 : i32
        %add3A_400 = arith.constant 1 : i32
        %add3A_401 = arith.addi %mul3A_399, %add3A_400 : i32
        %get3A_402 = arith.index_cast %add3A_401 : i32 to index
        %get3A_403 = arith.constant 48 : index
        %get3A_404 = tpu.vector_load %arg11[%get3A_402, %get3A_403] {strides = array<i32>} : memref<128x128xf32, #tpu.memory_space<vmem>>, vector<16xf32>,
        %mul3A_405 = arith.constant 16 : i32
        %mul3A_406 = arith.muli %scan3A_34, %mul3A_405 : i32
        %add3A_407 = arith.constant 1 : i32
        %add3A_408 = arith.addi %mul3A_406, %add3A_407 : i32
        %get3A_409 = arith.index_cast %add3A_408 : i32 to index
        %get3A_410 = arith.constant 112 : index
        %get3A_411 = tpu.vector_load %arg11[%get3A_409, %get3A_410] {strides = array<i32>} : memref<128x128xf32, #tpu.memory_space<vmem>>, vector<16xf32>,
        %mul3A_412 = arith.constant 16 : i32
        %mul3A_413 = arith.muli %scan3A_34, %mul3A_412 : i32
        %add3A_414 = arith.constant 1 : i32
        %add3A_415 = arith.addi %mul3A_413, %add3A_414 : i32
        %get3A_416 = arith.index_cast %add3A_415 : i32 to index
        %get3A_417 = arith.constant 48 : index
        %get3A_418 = tpu.vector_load %arg12[%get3A_416, %get3A_417] {strides = array<i32>} : memref<128x128xf32, #tpu.memory_space<vmem>>, vector<16xf32>,
        %mul3A_419 = arith.constant 16 : i32
        %mul3A_420 = arith.muli %scan3A_34, %mul3A_419 : i32
        %add3A_421 = arith.constant 1 : i32
        %add3A_422 = arith.addi %mul3A_420, %add3A_421 : i32
        %get3A_423 = arith.index_cast %add3A_422 : i32 to index
        %get3A_424 = arith.constant 112 : index
        %get3A_425 = tpu.vector_load %arg12[%get3A_423, %get3A_424] {strides = array<i32>} : memref<128x128xf32, #tpu.memory_space<vmem>>, vector<16xf32>,
        %mul3A_426 = arith.constant 16 : i32
        %mul3A_427 = arith.muli %scan3A_34, %mul3A_426 : i32
        %add3A_428 = arith.constant 1 : i32
        %add3A_429 = arith.addi %mul3A_427, %add3A_428 : i32
        %get3A_430 = arith.index_cast %add3A_429 : i32 to index
        %get3A_431 = arith.constant 48 : index
        %get3A_432 = tpu.vector_load %arg13[%get3A_430, %get3A_431] {strides = array<i32>} : memref<128x128xf32, #tpu.memory_space<vmem>>, vector<16xf32>,
        %mul3A_433 = arith.constant 16 : i32
        %mul3A_434 = arith.muli %scan3A_34, %mul3A_433 : i32
        %add3A_435 = arith.constant 1 : i32
        %add3A_436 = arith.addi %mul3A_434, %add3A_435 : i32
        %get3A_437 = arith.index_cast %add3A_436 : i32 to index
        %get3A_438 = arith.constant 112 : index
        %get3A_439 = tpu.vector_load %arg13[%get3A_437, %get3A_438] {strides = array<i32>} : memref<128x128xf32, #tpu.memory_space<vmem>>, vector<16xf32>,
        %mul3A_440 = arith.mulf %get3A_432, %get3A_418 : vector<16xf32>
        %mul3A_441 = arith.mulf %get3A_439, %get3A_425 : vector<16xf32>
        %add3A_442 = arith.addf %mul3A_440, %mul3A_441 : vector<16xf32>
        %mul3A_443 = arith.mulf %get3A_404, %add3A_442 : vector<16xf32>
        %mul3A_444 = arith.mulf %get3A_432, %get3A_425 : vector<16xf32>
        %mul3A_445 = arith.mulf %get3A_439, %get3A_418 : vector<16xf32>
        %sub3A_446 = arith.subf %mul3A_444, %mul3A_445 : vector<16xf32>
        %mul3A_447 = arith.mulf %get3A_411, %sub3A_446 : vector<16xf32>
        %add3A_448 = arith.addf %mul3A_443, %mul3A_447 : vector<16xf32>
        %add3A_449 = arith.addf %add3A_397, %add3A_448 : vector<16xf32>
        %swap3A_450 = arith.constant 1 : i32
        %swap3A_451 = arith.index_cast %swap3A_450 : i32 to index
        %swap3A_452 = arith.constant 0 : index
        %swap3A_453 = tpu.vector_load %arg14[%swap3A_451, %swap3A_452] {strides = array<i32>} : memref<16x16xf32, #tpu.memory_space<vmem>>, vector<16xf32>,
        tpu.vector_store %arg14[%swap3A_451, %swap3A_452], %add3A_449 {strides = array<i32>} : memref<16x16xf32, #tpu.memory_space<vmem>>, vector<16xf32>,
        %mul3A_454 = arith.constant 16 : i32
        %mul3A_455 = arith.muli %scan3A_34, %mul3A_454 : i32
        %add3A_456 = arith.constant 2 : i32
        %add3A_457 = arith.addi %mul3A_455, %add3A_456 : i32
        %get3A_458 = arith.index_cast %add3A_457 : i32 to index
        %get3A_459 = arith.constant 0 : index
        %get3A_460 = tpu.vector_load %arg11[%get3A_458, %get3A_459] {strides = array<i32>} : memref<128x128xf32, #tpu.memory_space<vmem>>, vector<16xf32>,
        %mul3A_461 = arith.constant 16 : i32
        %mul3A_462 = arith.muli %scan3A_34, %mul3A_461 : i32
        %add3A_463 = arith.constant 2 : i32
        %add3A_464 = arith.addi %mul3A_462, %add3A_463 : i32
        %get3A_465 = arith.index_cast %add3A_464 : i32 to index
        %get3A_466 = arith.constant 64 : index
        %get3A_467 = tpu.vector_load %arg11[%get3A_465, %get3A_466] {strides = array<i32>} : memref<128x128xf32, #tpu.memory_space<vmem>>, vector<16xf32>,
        %mul3A_468 = arith.constant 16 : i32
        %mul3A_469 = arith.muli %scan3A_34, %mul3A_468 : i32
        %add3A_470 = arith.constant 2 : i32
        %add3A_471 = arith.addi %mul3A_469, %add3A_470 : i32
        %get3A_472 = arith.index_cast %add3A_471 : i32 to index
        %get3A_473 = arith.constant 0 : index
        %get3A_474 = tpu.vector_load %arg12[%get3A_472, %get3A_473] {strides = array<i32>} : memref<128x128xf32, #tpu.memory_space<vmem>>, vector<16xf32>,
        %mul3A_475 = arith.constant 16 : i32
        %mul3A_476 = arith.muli %scan3A_34, %mul3A_475 : i32
        %add3A_477 = arith.constant 2 : i32
        %add3A_478 = arith.addi %mul3A_476, %add3A_477 : i32
        %get3A_479 = arith.index_cast %add3A_478 : i32 to index
        %get3A_480 = arith.constant 64 : index
        %get3A_481 = tpu.vector_load %arg12[%get3A_479, %get3A_480] {strides = array<i32>} : memref<128x128xf32, #tpu.memory_space<vmem>>, vector<16xf32>,
        %mul3A_482 = arith.constant 16 : i32
        %mul3A_483 = arith.muli %scan3A_34, %mul3A_482 : i32
        %add3A_484 = arith.constant 2 : i32
        %add3A_485 = arith.addi %mul3A_483, %add3A_484 : i32
        %get3A_486 = arith.index_cast %add3A_485 : i32 to index
        %get3A_487 = arith.constant 0 : index
        %get3A_488 = tpu.vector_load %arg13[%get3A_486, %get3A_487] {strides = array<i32>} : memref<128x128xf32, #tpu.memory_space<vmem>>, vector<16xf32>,
        %mul3A_489 = arith.constant 16 : i32
        %mul3A_490 = arith.muli %scan3A_34, %mul3A_489 : i32
        %add3A_491 = arith.constant 2 : i32
        %add3A_492 = arith.addi %mul3A_490, %add3A_491 : i32
        %get3A_493 = arith.index_cast %add3A_492 : i32 to index
        %get3A_494 = arith.constant 64 : index
        %get3A_495 = tpu.vector_load %arg13[%get3A_493, %get3A_494] {strides = array<i32>} : memref<128x128xf32, #tpu.memory_space<vmem>>, vector<16xf32>,
        %mul3A_496 = arith.mulf %get3A_488, %get3A_474 : vector<16xf32>
        %mul3A_497 = arith.mulf %get3A_495, %get3A_481 : vector<16xf32>
        %add3A_498 = arith.addf %mul3A_496, %mul3A_497 : vector<16xf32>
        %mul3A_499 = arith.mulf %get3A_460, %add3A_498 : vector<16xf32>
        %mul3A_500 = arith.mulf %get3A_488, %get3A_481 : vector<16xf32>
        %mul3A_501 = arith.mulf %get3A_495, %get3A_474 : vector<16xf32>
        %sub3A_502 = arith.subf %mul3A_500, %mul3A_501 : vector<16xf32>
        %mul3A_503 = arith.mulf %get3A_467, %sub3A_502 : vector<16xf32>
        %add3A_504 = arith.addf %mul3A_499, %mul3A_503 : vector<16xf32>
        %mul3A_505 = arith.constant 16 : i32
        %mul3A_506 = arith.muli %scan3A_34, %mul3A_505 : i32
        %add3A_507 = arith.constant 2 : i32
        %add3A_508 = arith.addi %mul3A_506, %add3A_507 : i32
        %get3A_509 = arith.index_cast %add3A_508 : i32 to index
        %get3A_510 = arith.constant 16 : index
        %get3A_511 = tpu.vector_load %arg11[%get3A_509, %get3A_510] {strides = array<i32>} : memref<128x128xf32, #tpu.memory_space<vmem>>, vector<16xf32>,
        %mul3A_512 = arith.constant 16 : i32
        %mul3A_513 = arith.muli %scan3A_34, %mul3A_512 : i32
        %add3A_514 = arith.constant 2 : i32
        %add3A_515 = arith.addi %mul3A_513, %add3A_514 : i32
        %get3A_516 = arith.index_cast %add3A_515 : i32 to index
        %get3A_517 = arith.constant 80 : index
        %get3A_518 = tpu.vector_load %arg11[%get3A_516, %get3A_517] {strides = array<i32>} : memref<128x128xf32, #tpu.memory_space<vmem>>, vector<16xf32>,
        %mul3A_519 = arith.constant 16 : i32
        %mul3A_520 = arith.muli %scan3A_34, %mul3A_519 : i32
        %add3A_521 = arith.constant 2 : i32
        %add3A_522 = arith.addi %mul3A_520, %add3A_521 : i32
        %get3A_523 = arith.index_cast %add3A_522 : i32 to index
        %get3A_524 = arith.constant 16 : index
        %get3A_525 = tpu.vector_load %arg12[%get3A_523, %get3A_524] {strides = array<i32>} : memref<128x128xf32, #tpu.memory_space<vmem>>, vector<16xf32>,
        %mul3A_526 = arith.constant 16 : i32
        %mul3A_527 = arith.muli %scan3A_34, %mul3A_526 : i32
        %add3A_528 = arith.constant 2 : i32
        %add3A_529 = arith.addi %mul3A_527, %add3A_528 : i32
        %get3A_530 = arith.index_cast %add3A_529 : i32 to index
        %get3A_531 = arith.constant 80 : index
        %get3A_532 = tpu.vector_load %arg12[%get3A_530, %get3A_531] {strides = array<i32>} : memref<128x128xf32, #tpu.memory_space<vmem>>, vector<16xf32>,
        %mul3A_533 = arith.constant 16 : i32
        %mul3A_534 = arith.muli %scan3A_34, %mul3A_533 : i32
        %add3A_535 = arith.constant 2 : i32
        %add3A_536 = arith.addi %mul3A_534, %add3A_535 : i32
        %get3A_537 = arith.index_cast %add3A_536 : i32 to index
        %get3A_538 = arith.constant 16 : index
        %get3A_539 = tpu.vector_load %arg13[%get3A_537, %get3A_538] {strides = array<i32>} : memref<128x128xf32, #tpu.memory_space<vmem>>, vector<16xf32>,
        %mul3A_540 = arith.constant 16 : i32
        %mul3A_541 = arith.muli %scan3A_34, %mul3A_540 : i32
        %add3A_542 = arith.constant 2 : i32
        %add3A_543 = arith.addi %mul3A_541, %add3A_542 : i32
        %get3A_544 = arith.index_cast %add3A_543 : i32 to index
        %get3A_545 = arith.constant 80 : index
        %get3A_546 = tpu.vector_load %arg13[%get3A_544, %get3A_545] {strides = array<i32>} : memref<128x128xf32, #tpu.memory_space<vmem>>, vector<16xf32>,
        %mul3A_547 = arith.mulf %get3A_539, %get3A_525 : vector<16xf32>
        %mul3A_548 = arith.mulf %get3A_546, %get3A_532 : vector<16xf32>
        %add3A_549 = arith.addf %mul3A_547, %mul3A_548 : vector<16xf32>
        %mul3A_550 = arith.mulf %get3A_511, %add3A_549 : vector<16xf32>
        %mul3A_551 = arith.mulf %get3A_539, %get3A_532 : vector<16xf32>
        %mul3A_552 = arith.mulf %get3A_546, %get3A_525 : vector<16xf32>
        %sub3A_553 = arith.subf %mul3A_551, %mul3A_552 : vector<16xf32>
        %mul3A_554 = arith.mulf %get3A_518, %sub3A_553 : vector<16xf32>
        %add3A_555 = arith.addf %mul3A_550, %mul3A_554 : vector<16xf32>
        %add3A_556 = arith.addf %add3A_504, %add3A_555 : vector<16xf32>
        %mul3A_557 = arith.constant 16 : i32
        %mul3A_558 = arith.muli %scan3A_34, %mul3A_557 : i32
        %add3A_559 = arith.constant 2 : i32
        %add3A_560 = arith.addi %mul3A_558, %add3A_559 : i32
        %get3A_561 = arith.index_cast %add3A_560 : i32 to index
        %get3A_562 = arith.constant 32 : index
        %get3A_563 = tpu.vector_load %arg11[%get3A_561, %get3A_562] {strides = array<i32>} : memref<128x128xf32, #tpu.memory_space<vmem>>, vector<16xf32>,
        %mul3A_564 = arith.constant 16 : i32
        %mul3A_565 = arith.muli %scan3A_34, %mul3A_564 : i32
        %add3A_566 = arith.constant 2 : i32
        %add3A_567 = arith.addi %mul3A_565, %add3A_566 : i32
        %get3A_568 = arith.index_cast %add3A_567 : i32 to index
        %get3A_569 = arith.constant 96 : index
        %get3A_570 = tpu.vector_load %arg11[%get3A_568, %get3A_569] {strides = array<i32>} : memref<128x128xf32, #tpu.memory_space<vmem>>, vector<16xf32>,
        %mul3A_571 = arith.constant 16 : i32
        %mul3A_572 = arith.muli %scan3A_34, %mul3A_571 : i32
        %add3A_573 = arith.constant 2 : i32
        %add3A_574 = arith.addi %mul3A_572, %add3A_573 : i32
        %get3A_575 = arith.index_cast %add3A_574 : i32 to index
        %get3A_576 = arith.constant 32 : index
        %get3A_577 = tpu.vector_load %arg12[%get3A_575, %get3A_576] {strides = array<i32>} : memref<128x128xf32, #tpu.memory_space<vmem>>, vector<16xf32>,
        %mul3A_578 = arith.constant 16 : i32
        %mul3A_579 = arith.muli %scan3A_34, %mul3A_578 : i32
        %add3A_580 = arith.constant 2 : i32
        %add3A_581 = arith.addi %mul3A_579, %add3A_580 : i32
        %get3A_582 = arith.index_cast %add3A_581 : i32 to index
        %get3A_583 = arith.constant 96 : index
        %get3A_584 = tpu.vector_load %arg12[%get3A_582, %get3A_583] {strides = array<i32>} : memref<128x128xf32, #tpu.memory_space<vmem>>, vector<16xf32>,
        %mul3A_585 = arith.constant 16 : i32
        %mul3A_586 = arith.muli %scan3A_34, %mul3A_585 : i32
        %add3A_587 = arith.constant 2 : i32
        %add3A_588 = arith.addi %mul3A_586, %add3A_587 : i32
        %get3A_589 = arith.index_cast %add3A_588 : i32 to index
        %get3A_590 = arith.constant 32 : index
        %get3A_591 = tpu.vector_load %arg13[%get3A_589, %get3A_590] {strides = array<i32>} : memref<128x128xf32, #tpu.memory_space<vmem>>, vector<16xf32>,
        %mul3A_592 = arith.constant 16 : i32
        %mul3A_593 = arith.muli %scan3A_34, %mul3A_592 : i32
        %add3A_594 = arith.constant 2 : i32
        %add3A_595 = arith.addi %mul3A_593, %add3A_594 : i32
        %get3A_596 = arith.index_cast %add3A_595 : i32 to index
        %get3A_597 = arith.constant 96 : index
        %get3A_598 = tpu.vector_load %arg13[%get3A_596, %get3A_597] {strides = array<i32>} : memref<128x128xf32, #tpu.memory_space<vmem>>, vector<16xf32>,
        %mul3A_599 = arith.mulf %get3A_591, %get3A_577 : vector<16xf32>
        %mul3A_600 = arith.mulf %get3A_598, %get3A_584 : vector<16xf32>
        %add3A_601 = arith.addf %mul3A_599, %mul3A_600 : vector<16xf32>
        %mul3A_602 = arith.mulf %get3A_563, %add3A_601 : vector<16xf32>
        %mul3A_603 = arith.mulf %get3A_591, %get3A_584 : vector<16xf32>
        %mul3A_604 = arith.mulf %get3A_598, %get3A_577 : vector<16xf32>
        %sub3A_605 = arith.subf %mul3A_603, %mul3A_604 : vector<16xf32>
        %mul3A_606 = arith.mulf %get3A_570, %sub3A_605 : vector<16xf32>
        %add3A_607 = arith.addf %mul3A_602, %mul3A_606 : vector<16xf32>
        %add3A_608 = arith.addf %add3A_556, %add3A_607 : vector<16xf32>
        %mul3A_609 = arith.constant 16 : i32
        %mul3A_610 = arith.muli %scan3A_34, %mul3A_609 : i32
        %add3A_611 = arith.constant 2 : i32
        %add3A_612 = arith.addi %mul3A_610, %add3A_611 : i32
        %get3A_613 = arith.index_cast %add3A_612 : i32 to index
        %get3A_614 = arith.constant 48 : index
        %get3A_615 = tpu.vector_load %arg11[%get3A_613, %get3A_614] {strides = array<i32>} : memref<128x128xf32, #tpu.memory_space<vmem>>, vector<16xf32>,
        %mul3A_616 = arith.constant 16 : i32
        %mul3A_617 = arith.muli %scan3A_34, %mul3A_616 : i32
        %add3A_618 = arith.constant 2 : i32
        %add3A_619 = arith.addi %mul3A_617, %add3A_618 : i32
        %get3A_620 = arith.index_cast %add3A_619 : i32 to index
        %get3A_621 = arith.constant 112 : index
        %get3A_622 = tpu.vector_load %arg11[%get3A_620, %get3A_621] {strides = array<i32>} : memref<128x128xf32, #tpu.memory_space<vmem>>, vector<16xf32>,
        %mul3A_623 = arith.constant 16 : i32
        %mul3A_624 = arith.muli %scan3A_34, %mul3A_623 : i32
        %add3A_625 = arith.constant 2 : i32
        %add3A_626 = arith.addi %mul3A_624, %add3A_625 : i32
        %get3A_627 = arith.index_cast %add3A_626 : i32 to index
        %get3A_628 = arith.constant 48 : index
        %get3A_629 = tpu.vector_load %arg12[%get3A_627, %get3A_628] {strides = array<i32>} : memref<128x128xf32, #tpu.memory_space<vmem>>, vector<16xf32>,
        %mul3A_630 = arith.constant 16 : i32
        %mul3A_631 = arith.muli %scan3A_34, %mul3A_630 : i32
        %add3A_632 = arith.constant 2 : i32
        %add3A_633 = arith.addi %mul3A_631, %add3A_632 : i32
        %get3A_634 = arith.index_cast %add3A_633 : i32 to index
        %get3A_635 = arith.constant 112 : index
        %get3A_636 = tpu.vector_load %arg12[%get3A_634, %get3A_635] {strides = array<i32>} : memref<128x128xf32, #tpu.memory_space<vmem>>, vector<16xf32>,
        %mul3A_637 = arith.constant 16 : i32
        %mul3A_638 = arith.muli %scan3A_34, %mul3A_637 : i32
        %add3A_639 = arith.constant 2 : i32
        %add3A_640 = arith.addi %mul3A_638, %add3A_639 : i32
        %get3A_641 = arith.index_cast %add3A_640 : i32 to index
        %get3A_642 = arith.constant 48 : index
        %get3A_643 = tpu.vector_load %arg13[%get3A_641, %get3A_642] {strides = array<i32>} : memref<128x128xf32, #tpu.memory_space<vmem>>, vector<16xf32>,
        %mul3A_644 = arith.constant 16 : i32
        %mul3A_645 = arith.muli %scan3A_34, %mul3A_644 : i32
        %add3A_646 = arith.constant 2 : i32
        %add3A_647 = arith.addi %mul3A_645, %add3A_646 : i32
        %get3A_648 = arith.index_cast %add3A_647 : i32 to index
        %get3A_649 = arith.constant 112 : index
        %get3A_650 = tpu.vector_load %arg13[%get3A_648, %get3A_649] {strides = array<i32>} : memref<128x128xf32, #tpu.memory_space<vmem>>, vector<16xf32>,
        %mul3A_651 = arith.mulf %get3A_643, %get3A_629 : vector<16xf32>
        %mul3A_652 = arith.mulf %get3A_650, %get3A_636 : vector<16xf32>
        %add3A_653 = arith.addf %mul3A_651, %mul3A_652 : vector<16xf32>
        %mul3A_654 = arith.mulf %get3A_615, %add3A_653 : vector<16xf32>
        %mul3A_655 = arith.mulf %get3A_643, %get3A_636 : vector<16xf32>
        %mul3A_656 = arith.mulf %get3A_650, %get3A_629 : vector<16xf32>
        %sub3A_657 = arith.subf %mul3A_655, %mul3A_656 : vector<16xf32>
        %mul3A_658 = arith.mulf %get3A_622, %sub3A_657 : vector<16xf32>
        %add3A_659 = arith.addf %mul3A_654, %mul3A_658 : vector<16xf32>
        %add3A_660 = arith.addf %add3A_608, %add3A_659 : vector<16xf32>
        %swap3A_661 = arith.constant 2 : i32
        %swap3A_662 = arith.index_cast %swap3A_661 : i32 to index
        %swap3A_663 = arith.constant 0 : index
        %swap3A_664 = tpu.vector_load %arg14[%swap3A_662, %swap3A_663] {strides = array<i32>} : memref<16x16xf32, #tpu.memory_space<vmem>>, vector<16xf32>,
        tpu.vector_store %arg14[%swap3A_662, %swap3A_663], %add3A_660 {strides = array<i32>} : memref<16x16xf32, #tpu.memory_space<vmem>>, vector<16xf32>,
        %mul3A_665 = arith.constant 16 : i32
        %mul3A_666 = arith.muli %scan3A_34, %mul3A_665 : i32
        %add3A_667 = arith.constant 3 : i32
        %add3A_668 = arith.addi %mul3A_666, %add3A_667 : i32
        %get3A_669 = arith.index_cast %add3A_668 : i32 to index
        %get3A_670 = arith.constant 0 : index
        %get3A_671 = tpu.vector_load %arg11[%get3A_669, %get3A_670] {strides = array<i32>} : memref<128x128xf32, #tpu.memory_space<vmem>>, vector<16xf32>,
        %mul3A_672 = arith.constant 16 : i32
        %mul3A_673 = arith.muli %scan3A_34, %mul3A_672 : i32
        %add3A_674 = arith.constant 3 : i32
        %add3A_675 = arith.addi %mul3A_673, %add3A_674 : i32
        %get3A_676 = arith.index_cast %add3A_675 : i32 to index
        %get3A_677 = arith.constant 64 : index
        %get3A_678 = tpu.vector_load %arg11[%get3A_676, %get3A_677] {strides = array<i32>} : memref<128x128xf32, #tpu.memory_space<vmem>>, vector<16xf32>,
        %mul3A_679 = arith.constant 16 : i32
        %mul3A_680 = arith.muli %scan3A_34, %mul3A_679 : i32
        %add3A_681 = arith.constant 3 : i32
        %add3A_682 = arith.addi %mul3A_680, %add3A_681 : i32
        %get3A_683 = arith.index_cast %add3A_682 : i32 to index
        %get3A_684 = arith.constant 0 : index
        %get3A_685 = tpu.vector_load %arg12[%get3A_683, %get3A_684] {strides = array<i32>} : memref<128x128xf32, #tpu.memory_space<vmem>>, vector<16xf32>,
        %mul3A_686 = arith.constant 16 : i32
        %mul3A_687 = arith.muli %scan3A_34, %mul3A_686 : i32
        %add3A_688 = arith.constant 3 : i32
        %add3A_689 = arith.addi %mul3A_687, %add3A_688 : i32
        %get3A_690 = arith.index_cast %add3A_689 : i32 to index
        %get3A_691 = arith.constant 64 : index
        %get3A_692 = tpu.vector_load %arg12[%get3A_690, %get3A_691] {strides = array<i32>} : memref<128x128xf32, #tpu.memory_space<vmem>>, vector<16xf32>,
        %mul3A_693 = arith.constant 16 : i32
        %mul3A_694 = arith.muli %scan3A_34, %mul3A_693 : i32
        %add3A_695 = arith.constant 3 : i32
        %add3A_696 = arith.addi %mul3A_694, %add3A_695 : i32
        %get3A_697 = arith.index_cast %add3A_696 : i32 to index
        %get3A_698 = arith.constant 0 : index
        %get3A_699 = tpu.vector_load %arg13[%get3A_697, %get3A_698] {strides = array<i32>} : memref<128x128xf32, #tpu.memory_space<vmem>>, vector<16xf32>,
        %mul3A_700 = arith.constant 16 : i32
        %mul3A_701 = arith.muli %scan3A_34, %mul3A_700 : i32
        %add3A_702 = arith.constant 3 : i32
        %add3A_703 = arith.addi %mul3A_701, %add3A_702 : i32
        %get3A_704 = arith.index_cast %add3A_703 : i32 to index
        %get3A_705 = arith.constant 64 : index
        %get3A_706 = tpu.vector_load %arg13[%get3A_704, %get3A_705] {strides = array<i32>} : memref<128x128xf32, #tpu.memory_space<vmem>>, vector<16xf32>,
        %mul3A_707 = arith.mulf %get3A_699, %get3A_685 : vector<16xf32>
        %mul3A_708 = arith.mulf %get3A_706, %get3A_692 : vector<16xf32>
        %add3A_709 = arith.addf %mul3A_707, %mul3A_708 : vector<16xf32>
        %mul3A_710 = arith.mulf %get3A_671, %add3A_709 : vector<16xf32>
        %mul3A_711 = arith.mulf %get3A_699, %get3A_692 : vector<16xf32>
        %mul3A_712 = arith.mulf %get3A_706, %get3A_685 : vector<16xf32>
        %sub3A_713 = arith.subf %mul3A_711, %mul3A_712 : vector<16xf32>
        %mul3A_714 = arith.mulf %get3A_678, %sub3A_713 : vector<16xf32>
        %add3A_715 = arith.addf %mul3A_710, %mul3A_714 : vector<16xf32>
        %mul3A_716 = arith.constant 16 : i32
        %mul3A_717 = arith.muli %scan3A_34, %mul3A_716 : i32
        %add3A_718 = arith.constant 3 : i32
        %add3A_719 = arith.addi %mul3A_717, %add3A_718 : i32
        %get3A_720 = arith.index_cast %add3A_719 : i32 to index
        %get3A_721 = arith.constant 16 : index
        %get3A_722 = tpu.vector_load %arg11[%get3A_720, %get3A_721] {strides = array<i32>} : memref<128x128xf32, #tpu.memory_space<vmem>>, vector<16xf32>,
        %mul3A_723 = arith.constant 16 : i32
        %mul3A_724 = arith.muli %scan3A_34, %mul3A_723 : i32
        %add3A_725 = arith.constant 3 : i32
        %add3A_726 = arith.addi %mul3A_724, %add3A_725 : i32
        %get3A_727 = arith.index_cast %add3A_726 : i32 to index
        %get3A_728 = arith.constant 80 : index
        %get3A_729 = tpu.vector_load %arg11[%get3A_727, %get3A_728] {strides = array<i32>} : memref<128x128xf32, #tpu.memory_space<vmem>>, vector<16xf32>,
        %mul3A_730 = arith.constant 16 : i32
        %mul3A_731 = arith.muli %scan3A_34, %mul3A_730 : i32
        %add3A_732 = arith.constant 3 : i32
        %add3A_733 = arith.addi %mul3A_731, %add3A_732 : i32
        %get3A_734 = arith.index_cast %add3A_733 : i32 to index
        %get3A_735 = arith.constant 16 : index
        %get3A_736 = tpu.vector_load %arg12[%get3A_734, %get3A_735] {strides = array<i32>} : memref<128x128xf32, #tpu.memory_space<vmem>>, vector<16xf32>,
        %mul3A_737 = arith.constant 16 : i32
        %mul3A_738 = arith.muli %scan3A_34, %mul3A_737 : i32
        %add3A_739 = arith.constant 3 : i32
        %add3A_740 = arith.addi %mul3A_738, %add3A_739 : i32
        %get3A_741 = arith.index_cast %add3A_740 : i32 to index
        %get3A_742 = arith.constant 80 : index
        %get3A_743 = tpu.vector_load %arg12[%get3A_741, %get3A_742] {strides = array<i32>} : memref<128x128xf32, #tpu.memory_space<vmem>>, vector<16xf32>,
        %mul3A_744 = arith.constant 16 : i32
        %mul3A_745 = arith.muli %scan3A_34, %mul3A_744 : i32
        %add3A_746 = arith.constant 3 : i32
        %add3A_747 = arith.addi %mul3A_745, %add3A_746 : i32
        %get3A_748 = arith.index_cast %add3A_747 : i32 to index
        %get3A_749 = arith.constant 16 : index
        %get3A_750 = tpu.vector_load %arg13[%get3A_748, %get3A_749] {strides = array<i32>} : memref<128x128xf32, #tpu.memory_space<vmem>>, vector<16xf32>,
        %mul3A_751 = arith.constant 16 : i32
        %mul3A_752 = arith.muli %scan3A_34, %mul3A_751 : i32
        %add3A_753 = arith.constant 3 : i32
        %add3A_754 = arith.addi %mul3A_752, %add3A_753 : i32
        %get3A_755 = arith.index_cast %add3A_754 : i32 to index
        %get3A_756 = arith.constant 80 : index
        %get3A_757 = tpu.vector_load %arg13[%get3A_755, %get3A_756] {strides = array<i32>} : memref<128x128xf32, #tpu.memory_space<vmem>>, vector<16xf32>,
        %mul3A_758 = arith.mulf %get3A_750, %get3A_736 : vector<16xf32>
        %mul3A_759 = arith.mulf %get3A_757, %get3A_743 : vector<16xf32>
        %add3A_760 = arith.addf %mul3A_758, %mul3A_759 : vector<16xf32>
        %mul3A_761 = arith.mulf %get3A_722, %add3A_760 : vector<16xf32>
        %mul3A_762 = arith.mulf %get3A_750, %get3A_743 : vector<16xf32>
        %mul3A_763 = arith.mulf %get3A_757, %get3A_736 : vector<16xf32>
        %sub3A_764 = arith.subf %mul3A_762, %mul3A_763 : vector<16xf32>
        %mul3A_765 = arith.mulf %get3A_729, %sub3A_764 : vector<16xf32>
        %add3A_766 = arith.addf %mul3A_761, %mul3A_765 : vector<16xf32>
        %add3A_767 = arith.addf %add3A_715, %add3A_766 : vector<16xf32>
        %mul3A_768 = arith.constant 16 : i32
        %mul3A_769 = arith.muli %scan3A_34, %mul3A_768 : i32
        %add3A_770 = arith.constant 3 : i32
        %add3A_771 = arith.addi %mul3A_769, %add3A_770 : i32
        %get3A_772 = arith.index_cast %add3A_771 : i32 to index
        %get3A_773 = arith.constant 32 : index
        %get3A_774 = tpu.vector_load %arg11[%get3A_772, %get3A_773] {strides = array<i32>} : memref<128x128xf32, #tpu.memory_space<vmem>>, vector<16xf32>,
        %mul3A_775 = arith.constant 16 : i32
        %mul3A_776 = arith.muli %scan3A_34, %mul3A_775 : i32
        %add3A_777 = arith.constant 3 : i32
        %add3A_778 = arith.addi %mul3A_776, %add3A_777 : i32
        %get3A_779 = arith.index_cast %add3A_778 : i32 to index
        %get3A_780 = arith.constant 96 : index
        %get3A_781 = tpu.vector_load %arg11[%get3A_779, %get3A_780] {strides = array<i32>} : memref<128x128xf32, #tpu.memory_space<vmem>>, vector<16xf32>,
        %mul3A_782 = arith.constant 16 : i32
        %mul3A_783 = arith.muli %scan3A_34, %mul3A_782 : i32
        %add3A_784 = arith.constant 3 : i32
        %add3A_785 = arith.addi %mul3A_783, %add3A_784 : i32
        %get3A_786 = arith.index_cast %add3A_785 : i32 to index
        %get3A_787 = arith.constant 32 : index
        %get3A_788 = tpu.vector_load %arg12[%get3A_786, %get3A_787] {strides = array<i32>} : memref<128x128xf32, #tpu.memory_space<vmem>>, vector<16xf32>,
        %mul3A_789 = arith.constant 16 : i32
        %mul3A_790 = arith.muli %scan3A_34, %mul3A_789 : i32
        %add3A_791 = arith.constant 3 : i32
        %add3A_792 = arith.addi %mul3A_790, %add3A_791 : i32
        %get3A_793 = arith.index_cast %add3A_792 : i32 to index
        %get3A_794 = arith.constant 96 : index
        %get3A_795 = tpu.vector_load %arg12[%get3A_793, %get3A_794] {strides = array<i32>} : memref<128x128xf32, #tpu.memory_space<vmem>>, vector<16xf32>,
        %mul3A_796 = arith.constant 16 : i32
        %mul3A_797 = arith.muli %scan3A_34, %mul3A_796 : i32
        %add3A_798 = arith.constant 3 : i32
        %add3A_799 = arith.addi %mul3A_797, %add3A_798 : i32
        %get3A_800 = arith.index_cast %add3A_799 : i32 to index
        %get3A_801 = arith.constant 32 : index
        %get3A_802 = tpu.vector_load %arg13[%get3A_800, %get3A_801] {strides = array<i32>} : memref<128x128xf32, #tpu.memory_space<vmem>>, vector<16xf32>,
        %mul3A_803 = arith.constant 16 : i32
        %mul3A_804 = arith.muli %scan3A_34, %mul3A_803 : i32
        %add3A_805 = arith.constant 3 : i32
        %add3A_806 = arith.addi %mul3A_804, %add3A_805 : i32
        %get3A_807 = arith.index_cast %add3A_806 : i32 to index
        %get3A_808 = arith.constant 96 : index
        %get3A_809 = tpu.vector_load %arg13[%get3A_807, %get3A_808] {strides = array<i32>} : memref<128x128xf32, #tpu.memory_space<vmem>>, vector<16xf32>,
        %mul3A_810 = arith.mulf %get3A_802, %get3A_788 : vector<16xf32>
        %mul3A_811 = arith.mulf %get3A_809, %get3A_795 : vector<16xf32>
        %add3A_812 = arith.addf %mul3A_810, %mul3A_811 : vector<16xf32>
        %mul3A_813 = arith.mulf %get3A_774, %add3A_812 : vector<16xf32>
        %mul3A_814 = arith.mulf %get3A_802, %get3A_795 : vector<16xf32>
        %mul3A_815 = arith.mulf %get3A_809, %get3A_788 : vector<16xf32>
        %sub3A_816 = arith.subf %mul3A_814, %mul3A_815 : vector<16xf32>
        %mul3A_817 = arith.mulf %get3A_781, %sub3A_816 : vector<16xf32>
        %add3A_818 = arith.addf %mul3A_813, %mul3A_817 : vector<16xf32>
        %add3A_819 = arith.addf %add3A_767, %add3A_818 : vector<16xf32>
        %mul3A_820 = arith.constant 16 : i32
        %mul3A_821 = arith.muli %scan3A_34, %mul3A_820 : i32
        %add3A_822 = arith.constant 3 : i32
        %add3A_823 = arith.addi %mul3A_821, %add3A_822 : i32
        %get3A_824 = arith.index_cast %add3A_823 : i32 to index
        %get3A_825 = arith.constant 48 : index
        %get3A_826 = tpu.vector_load %arg11[%get3A_824, %get3A_825] {strides = array<i32>} : memref<128x128xf32, #tpu.memory_space<vmem>>, vector<16xf32>,
        %mul3A_827 = arith.constant 16 : i32
        %mul3A_828 = arith.muli %scan3A_34, %mul3A_827 : i32
        %add3A_829 = arith.constant 3 : i32
        %add3A_830 = arith.addi %mul3A_828, %add3A_829 : i32
        %get3A_831 = arith.index_cast %add3A_830 : i32 to index
        %get3A_832 = arith.constant 112 : index
        %get3A_833 = tpu.vector_load %arg11[%get3A_831, %get3A_832] {strides = array<i32>} : memref<128x128xf32, #tpu.memory_space<vmem>>, vector<16xf32>,
        %mul3A_834 = arith.constant 16 : i32
        %mul3A_835 = arith.muli %scan3A_34, %mul3A_834 : i32
        %add3A_836 = arith.constant 3 : i32
        %add3A_837 = arith.addi %mul3A_835, %add3A_836 : i32
        %get3A_838 = arith.index_cast %add3A_837 : i32 to index
        %get3A_839 = arith.constant 48 : index
        %get3A_840 = tpu.vector_load %arg12[%get3A_838, %get3A_839] {strides = array<i32>} : memref<128x128xf32, #tpu.memory_space<vmem>>, vector<16xf32>,
        %mul3A_841 = arith.constant 16 : i32
        %mul3A_842 = arith.muli %scan3A_34, %mul3A_841 : i32
        %add3A_843 = arith.constant 3 : i32
        %add3A_844 = arith.addi %mul3A_842, %add3A_843 : i32
        %get3A_845 = arith.index_cast %add3A_844 : i32 to index
        %get3A_846 = arith.constant 112 : index
        %get3A_847 = tpu.vector_load %arg12[%get3A_845, %get3A_846] {strides = array<i32>} : memref<128x128xf32, #tpu.memory_space<vmem>>, vector<16xf32>,
        %mul3A_848 = arith.constant 16 : i32
        %mul3A_849 = arith.muli %scan3A_34, %mul3A_848 : i32
        %add3A_850 = arith.constant 3 : i32
        %add3A_851 = arith.addi %mul3A_849, %add3A_850 : i32
        %get3A_852 = arith.index_cast %add3A_851 : i32 to index
        %get3A_853 = arith.constant 48 : index
        %get3A_854 = tpu.vector_load %arg13[%get3A_852, %get3A_853] {strides = array<i32>} : memref<128x128xf32, #tpu.memory_space<vmem>>, vector<16xf32>,
        %mul3A_855 = arith.constant 16 : i32
        %mul3A_856 = arith.muli %scan3A_34, %mul3A_855 : i32
        %add3A_857 = arith.constant 3 : i32
        %add3A_858 = arith.addi %mul3A_856, %add3A_857 : i32
        %get3A_859 = arith.index_cast %add3A_858 : i32 to index
        %get3A_860 = arith.constant 112 : index
        %get3A_861 = tpu.vector_load %arg13[%get3A_859, %get3A_860] {strides = array<i32>} : memref<128x128xf32, #tpu.memory_space<vmem>>, vector<16xf32>,
        %mul3A_862 = arith.mulf %get3A_854, %get3A_840 : vector<16xf32>
        %mul3A_863 = arith.mulf %get3A_861, %get3A_847 : vector<16xf32>
        %add3A_864 = arith.addf %mul3A_862, %mul3A_863 : vector<16xf32>
        %mul3A_865 = arith.mulf %get3A_826, %add3A_864 : vector<16xf32>
        %mul3A_866 = arith.mulf %get3A_854, %get3A_847 : vector<16xf32>
        %mul3A_867 = arith.mulf %get3A_861, %get3A_840 : vector<16xf32>
        %sub3A_868 = arith.subf %mul3A_866, %mul3A_867 : vector<16xf32>
        %mul3A_869 = arith.mulf %get3A_833, %sub3A_868 : vector<16xf32>
        %add3A_870 = arith.addf %mul3A_865, %mul3A_869 : vector<16xf32>
        %add3A_871 = arith.addf %add3A_819, %add3A_870 : vector<16xf32>
        %swap3A_872 = arith.constant 3 : i32
        %swap3A_873 = arith.index_cast %swap3A_872 : i32 to index
        %swap3A_874 = arith.constant 0 : index
        %swap3A_875 = tpu.vector_load %arg14[%swap3A_873, %swap3A_874] {strides = array<i32>} : memref<16x16xf32, #tpu.memory_space<vmem>>, vector<16xf32>,
        tpu.vector_store %arg14[%swap3A_873, %swap3A_874], %add3A_871 {strides = array<i32>} : memref<16x16xf32, #tpu.memory_space<vmem>>, vector<16xf32>,
        %mul3A_876 = arith.constant 16 : i32
        %mul3A_877 = arith.muli %scan3A_34, %mul3A_876 : i32
        %add3A_878 = arith.constant 4 : i32
        %add3A_879 = arith.addi %mul3A_877, %add3A_878 : i32
        %get3A_880 = arith.index_cast %add3A_879 : i32 to index
        %get3A_881 = arith.constant 0 : index
        %get3A_882 = tpu.vector_load %arg11[%get3A_880, %get3A_881] {strides = array<i32>} : memref<128x128xf32, #tpu.memory_space<vmem>>, vector<16xf32>,
        %mul3A_883 = arith.constant 16 : i32
        %mul3A_884 = arith.muli %scan3A_34, %mul3A_883 : i32
        %add3A_885 = arith.constant 4 : i32
        %add3A_886 = arith.addi %mul3A_884, %add3A_885 : i32
        %get3A_887 = arith.index_cast %add3A_886 : i32 to index
        %get3A_888 = arith.constant 64 : index
        %get3A_889 = tpu.vector_load %arg11[%get3A_887, %get3A_888] {strides = array<i32>} : memref<128x128xf32, #tpu.memory_space<vmem>>, vector<16xf32>,
        %mul3A_890 = arith.constant 16 : i32
        %mul3A_891 = arith.muli %scan3A_34, %mul3A_890 : i32
        %add3A_892 = arith.constant 4 : i32
        %add3A_893 = arith.addi %mul3A_891, %add3A_892 : i32
        %get3A_894 = arith.index_cast %add3A_893 : i32 to index
        %get3A_895 = arith.constant 0 : index
        %get3A_896 = tpu.vector_load %arg12[%get3A_894, %get3A_895] {strides = array<i32>} : memref<128x128xf32, #tpu.memory_space<vmem>>, vector<16xf32>,
        %mul3A_897 = arith.constant 16 : i32
        %mul3A_898 = arith.muli %scan3A_34, %mul3A_897 : i32
        %add3A_899 = arith.constant 4 : i32
        %add3A_900 = arith.addi %mul3A_898, %add3A_899 : i32
        %get3A_901 = arith.index_cast %add3A_900 : i32 to index
        %get3A_902 = arith.constant 64 : index
        %get3A_903 = tpu.vector_load %arg12[%get3A_901, %get3A_902] {strides = array<i32>} : memref<128x128xf32, #tpu.memory_space<vmem>>, vector<16xf32>,
        %mul3A_904 = arith.constant 16 : i32
        %mul3A_905 = arith.muli %scan3A_34, %mul3A_904 : i32
        %add3A_906 = arith.constant 4 : i32
        %add3A_907 = arith.addi %mul3A_905, %add3A_906 : i32
        %get3A_908 = arith.index_cast %add3A_907 : i32 to index
        %get3A_909 = arith.constant 0 : index
        %get3A_910 = tpu.vector_load %arg13[%get3A_908, %get3A_909] {strides = array<i32>} : memref<128x128xf32, #tpu.memory_space<vmem>>, vector<16xf32>,
        %mul3A_911 = arith.constant 16 : i32
        %mul3A_912 = arith.muli %scan3A_34, %mul3A_911 : i32
        %add3A_913 = arith.constant 4 : i32
        %add3A_914 = arith.addi %mul3A_912, %add3A_913 : i32
        %get3A_915 = arith.index_cast %add3A_914 : i32 to index
        %get3A_916 = arith.constant 64 : index
        %get3A_917 = tpu.vector_load %arg13[%get3A_915, %get3A_916] {strides = array<i32>} : memref<128x128xf32, #tpu.memory_space<vmem>>, vector<16xf32>,
        %mul3A_918 = arith.mulf %get3A_910, %get3A_896 : vector<16xf32>
        %mul3A_919 = arith.mulf %get3A_917, %get3A_903 : vector<16xf32>
        %add3A_920 = arith.addf %mul3A_918, %mul3A_919 : vector<16xf32>
        %mul3A_921 = arith.mulf %get3A_882, %add3A_920 : vector<16xf32>
        %mul3A_922 = arith.mulf %get3A_910, %get3A_903 : vector<16xf32>
        %mul3A_923 = arith.mulf %get3A_917, %get3A_896 : vector<16xf32>
        %sub3A_924 = arith.subf %mul3A_922, %mul3A_923 : vector<16xf32>
        %mul3A_925 = arith.mulf %get3A_889, %sub3A_924 : vector<16xf32>
        %add3A_926 = arith.addf %mul3A_921, %mul3A_925 : vector<16xf32>
        %mul3A_927 = arith.constant 16 : i32
        %mul3A_928 = arith.muli %scan3A_34, %mul3A_927 : i32
        %add3A_929 = arith.constant 4 : i32
        %add3A_930 = arith.addi %mul3A_928, %add3A_929 : i32
        %get3A_931 = arith.index_cast %add3A_930 : i32 to index
        %get3A_932 = arith.constant 16 : index
        %get3A_933 = tpu.vector_load %arg11[%get3A_931, %get3A_932] {strides = array<i32>} : memref<128x128xf32, #tpu.memory_space<vmem>>, vector<16xf32>,
        %mul3A_934 = arith.constant 16 : i32
        %mul3A_935 = arith.muli %scan3A_34, %mul3A_934 : i32
        %add3A_936 = arith.constant 4 : i32
        %add3A_937 = arith.addi %mul3A_935, %add3A_936 : i32
        %get3A_938 = arith.index_cast %add3A_937 : i32 to index
        %get3A_939 = arith.constant 80 : index
        %get3A_940 = tpu.vector_load %arg11[%get3A_938, %get3A_939] {strides = array<i32>} : memref<128x128xf32, #tpu.memory_space<vmem>>, vector<16xf32>,
        %mul3A_941 = arith.constant 16 : i32
        %mul3A_942 = arith.muli %scan3A_34, %mul3A_941 : i32
        %add3A_943 = arith.constant 4 : i32
        %add3A_944 = arith.addi %mul3A_942, %add3A_943 : i32
        %get3A_945 = arith.index_cast %add3A_944 : i32 to index
        %get3A_946 = arith.constant 16 : index
        %get3A_947 = tpu.vector_load %arg12[%get3A_945, %get3A_946] {strides = array<i32>} : memref<128x128xf32, #tpu.memory_space<vmem>>, vector<16xf32>,
        %mul3A_948 = arith.constant 16 : i32
        %mul3A_949 = arith.muli %scan3A_34, %mul3A_948 : i32
        %add3A_950 = arith.constant 4 : i32
        %add3A_951 = arith.addi %mul3A_949, %add3A_950 : i32
        %get3A_952 = arith.index_cast %add3A_951 : i32 to index
        %get3A_953 = arith.constant 80 : index
        %get3A_954 = tpu.vector_load %arg12[%get3A_952, %get3A_953] {strides = array<i32>} : memref<128x128xf32, #tpu.memory_space<vmem>>, vector<16xf32>,
        %mul3A_955 = arith.constant 16 : i32
        %mul3A_956 = arith.muli %scan3A_34, %mul3A_955 : i32
        %add3A_957 = arith.constant 4 : i32
        %add3A_958 = arith.addi %mul3A_956, %add3A_957 : i32
        %get3A_959 = arith.index_cast %add3A_958 : i32 to index
        %get3A_960 = arith.constant 16 : index
        %get3A_961 = tpu.vector_load %arg13[%get3A_959, %get3A_960] {strides = array<i32>} : memref<128x128xf32, #tpu.memory_space<vmem>>, vector<16xf32>,
        %mul3A_962 = arith.constant 16 : i32
        %mul3A_963 = arith.muli %scan3A_34, %mul3A_962 : i32
        %add3A_964 = arith.constant 4 : i32
        %add3A_965 = arith.addi %mul3A_963, %add3A_964 : i32
        %get3A_966 = arith.index_cast %add3A_965 : i32 to index
        %get3A_967 = arith.constant 80 : index
        %get3A_968 = tpu.vector_load %arg13[%get3A_966, %get3A_967] {strides = array<i32>} : memref<128x128xf32, #tpu.memory_space<vmem>>, vector<16xf32>,
        %mul3A_969 = arith.mulf %get3A_961, %get3A_947 : vector<16xf32>
        %mul3A_970 = arith.mulf %get3A_968, %get3A_954 : vector<16xf32>
        %add3A_971 = arith.addf %mul3A_969, %mul3A_970 : vector<16xf32>
        %mul3A_972 = arith.mulf %get3A_933, %add3A_971 : vector<16xf32>
        %mul3A_973 = arith.mulf %get3A_961, %get3A_954 : vector<16xf32>
        %mul3A_974 = arith.mulf %get3A_968, %get3A_947 : vector<16xf32>
        %sub3A_975 = arith.subf %mul3A_973, %mul3A_974 : vector<16xf32>
        %mul3A_976 = arith.mulf %get3A_940, %sub3A_975 : vector<16xf32>
        %add3A_977 = arith.addf %mul3A_972, %mul3A_976 : vector<16xf32>
        %add3A_978 = arith.addf %add3A_926, %add3A_977 : vector<16xf32>
        %mul3A_979 = arith.constant 16 : i32
        %mul3A_980 = arith.muli %scan3A_34, %mul3A_979 : i32
        %add3A_981 = arith.constant 4 : i32
        %add3A_982 = arith.addi %mul3A_980, %add3A_981 : i32
        %get3A_983 = arith.index_cast %add3A_982 : i32 to index
        %get3A_984 = arith.constant 32 : index
        %get3A_985 = tpu.vector_load %arg11[%get3A_983, %get3A_984] {strides = array<i32>} : memref<128x128xf32, #tpu.memory_space<vmem>>, vector<16xf32>,
        %mul3A_986 = arith.constant 16 : i32
        %mul3A_987 = arith.muli %scan3A_34, %mul3A_986 : i32
        %add3A_988 = arith.constant 4 : i32
        %add3A_989 = arith.addi %mul3A_987, %add3A_988 : i32
        %get3A_990 = arith.index_cast %add3A_989 : i32 to index
        %get3A_991 = arith.constant 96 : index
        %get3A_992 = tpu.vector_load %arg11[%get3A_990, %get3A_991] {strides = array<i32>} : memref<128x128xf32, #tpu.memory_space<vmem>>, vector<16xf32>,
        %mul3A_993 = arith.constant 16 : i32
        %mul3A_994 = arith.muli %scan3A_34, %mul3A_993 : i32
        %add3A_995 = arith.constant 4 : i32
        %add3A_996 = arith.addi %mul3A_994, %add3A_995 : i32
        %get3A_997 = arith.index_cast %add3A_996 : i32 to index
        %get3A_998 = arith.constant 32 : index
        %get3A_999 = tpu.vector_load %arg12[%get3A_997, %get3A_998] {strides = array<i32>} : memref<128x128xf32, #tpu.memory_space<vmem>>, vector<16xf32>,
        %mul3A_1000 = arith.constant 16 : i32
        %mul3A_1001 = arith.muli %scan3A_34, %mul3A_1000 : i32
        %add3A_1002 = arith.constant 4 : i32
        %add3A_1003 = arith.addi %mul3A_1001, %add3A_1002 : i32
        %get3A_1004 = arith.index_cast %add3A_1003 : i32 to index
        %get3A_1005 = arith.constant 96 : index
        %get3A_1006 = tpu.vector_load %arg12[%get3A_1004, %get3A_1005] {strides = array<i32>} : memref<128x128xf32, #tpu.memory_space<vmem>>, vector<16xf32>,
        %mul3A_1007 = arith.constant 16 : i32
        %mul3A_1008 = arith.muli %scan3A_34, %mul3A_1007 : i32
        %add3A_1009 = arith.constant 4 : i32
        %add3A_1010 = arith.addi %mul3A_1008, %add3A_1009 : i32
        %get3A_1011 = arith.index_cast %add3A_1010 : i32 to index
        %get3A_1012 = arith.constant 32 : index
        %get3A_1013 = tpu.vector_load %arg13[%get3A_1011, %get3A_1012] {strides = array<i32>} : memref<128x128xf32, #tpu.memory_space<vmem>>, vector<16xf32>,
        %mul3A_1014 = arith.constant 16 : i32
        %mul3A_1015 = arith.muli %scan3A_34, %mul3A_1014 : i32
        %add3A_1016 = arith.constant 4 : i32
        %add3A_1017 = arith.addi %mul3A_1015, %add3A_1016 : i32
        %get3A_1018 = arith.index_cast %add3A_1017 : i32 to index
        %get3A_1019 = arith.constant 96 : index
        %get3A_1020 = tpu.vector_load %arg13[%get3A_1018, %get3A_1019] {strides = array<i32>} : memref<128x128xf32, #tpu.memory_space<vmem>>, vector<16xf32>,
        %mul3A_1021 = arith.mulf %get3A_1013, %get3A_999 : vector<16xf32>
        %mul3A_1022 = arith.mulf %get3A_1020, %get3A_1006 : vector<16xf32>
        %add3A_1023 = arith.addf %mul3A_1021, %mul3A_1022 : vector<16xf32>
        %mul3A_1024 = arith.mulf %get3A_985, %add3A_1023 : vector<16xf32>
        %mul3A_1025 = arith.mulf %get3A_1013, %get3A_1006 : vector<16xf32>
        %mul3A_1026 = arith.mulf %get3A_1020, %get3A_999 : vector<16xf32>
        %sub3A_1027 = arith.subf %mul3A_1025, %mul3A_1026 : vector<16xf32>
        %mul3A_1028 = arith.mulf %get3A_992, %sub3A_1027 : vector<16xf32>
        %add3A_1029 = arith.addf %mul3A_1024, %mul3A_1028 : vector<16xf32>
        %add3A_1030 = arith.addf %add3A_978, %add3A_1029 : vector<16xf32>
        %mul3A_1031 = arith.constant 16 : i32
        %mul3A_1032 = arith.muli %scan3A_34, %mul3A_1031 : i32
        %add3A_1033 = arith.constant 4 : i32
        %add3A_1034 = arith.addi %mul3A_1032, %add3A_1033 : i32
        %get3A_1035 = arith.index_cast %add3A_1034 : i32 to index
        %get3A_1036 = arith.constant 48 : index
        %get3A_1037 = tpu.vector_load %arg11[%get3A_1035, %get3A_1036] {strides = array<i32>} : memref<128x128xf32, #tpu.memory_space<vmem>>, vector<16xf32>,
        %mul3A_1038 = arith.constant 16 : i32
        %mul3A_1039 = arith.muli %scan3A_34, %mul3A_1038 : i32
        %add3A_1040 = arith.constant 4 : i32
        %add3A_1041 = arith.addi %mul3A_1039, %add3A_1040 : i32
        %get3A_1042 = arith.index_cast %add3A_1041 : i32 to index
        %get3A_1043 = arith.constant 112 : index
        %get3A_1044 = tpu.vector_load %arg11[%get3A_1042, %get3A_1043] {strides = array<i32>} : memref<128x128xf32, #tpu.memory_space<vmem>>, vector<16xf32>,
        %mul3A_1045 = arith.constant 16 : i32
        %mul3A_1046 = arith.muli %scan3A_34, %mul3A_1045 : i32
        %add3A_1047 = arith.constant 4 : i32
        %add3A_1048 = arith.addi %mul3A_1046, %add3A_1047 : i32
        %get3A_1049 = arith.index_cast %add3A_1048 : i32 to index
        %get3A_1050 = arith.constant 48 : index
        %get3A_1051 = tpu.vector_load %arg12[%get3A_1049, %get3A_1050] {strides = array<i32>} : memref<128x128xf32, #tpu.memory_space<vmem>>, vector<16xf32>,
        %mul3A_1052 = arith.constant 16 : i32
        %mul3A_1053 = arith.muli %scan3A_34, %mul3A_1052 : i32
        %add3A_1054 = arith.constant 4 : i32
        %add3A_1055 = arith.addi %mul3A_1053, %add3A_1054 : i32
        %get3A_1056 = arith.index_cast %add3A_1055 : i32 to index
        %get3A_1057 = arith.constant 112 : index
        %get3A_1058 = tpu.vector_load %arg12[%get3A_1056, %get3A_1057] {strides = array<i32>} : memref<128x128xf32, #tpu.memory_space<vmem>>, vector<16xf32>,
        %mul3A_1059 = arith.constant 16 : i32
        %mul3A_1060 = arith.muli %scan3A_34, %mul3A_1059 : i32
        %add3A_1061 = arith.constant 4 : i32
        %add3A_1062 = arith.addi %mul3A_1060, %add3A_1061 : i32
        %get3A_1063 = arith.index_cast %add3A_1062 : i32 to index
        %get3A_1064 = arith.constant 48 : index
        %get3A_1065 = tpu.vector_load %arg13[%get3A_1063, %get3A_1064] {strides = array<i32>} : memref<128x128xf32, #tpu.memory_space<vmem>>, vector<16xf32>,
        %mul3A_1066 = arith.constant 16 : i32
        %mul3A_1067 = arith.muli %scan3A_34, %mul3A_1066 : i32
        %add3A_1068 = arith.constant 4 : i32
        %add3A_1069 = arith.addi %mul3A_1067, %add3A_1068 : i32
        %get3A_1070 = arith.index_cast %add3A_1069 : i32 to index
        %get3A_1071 = arith.constant 112 : index
        %get3A_1072 = tpu.vector_load %arg13[%get3A_1070, %get3A_1071] {strides = array<i32>} : memref<128x128xf32, #tpu.memory_space<vmem>>, vector<16xf32>,
        %mul3A_1073 = arith.mulf %get3A_1065, %get3A_1051 : vector<16xf32>
        %mul3A_1074 = arith.mulf %get3A_1072, %get3A_1058 : vector<16xf32>
        %add3A_1075 = arith.addf %mul3A_1073, %mul3A_1074 : vector<16xf32>
        %mul3A_1076 = arith.mulf %get3A_1037, %add3A_1075 : vector<16xf32>
        %mul3A_1077 = arith.mulf %get3A_1065, %get3A_1058 : vector<16xf32>
        %mul3A_1078 = arith.mulf %get3A_1072, %get3A_1051 : vector<16xf32>
        %sub3A_1079 = arith.subf %mul3A_1077, %mul3A_1078 : vector<16xf32>
        %mul3A_1080 = arith.mulf %get3A_1044, %sub3A_1079 : vector<16xf32>
        %add3A_1081 = arith.addf %mul3A_1076, %mul3A_1080 : vector<16xf32>
        %add3A_1082 = arith.addf %add3A_1030, %add3A_1081 : vector<16xf32>
        %swap3A_1083 = arith.constant 4 : i32
        %swap3A_1084 = arith.index_cast %swap3A_1083 : i32 to index
        %swap3A_1085 = arith.constant 0 : index
        %swap3A_1086 = tpu.vector_load %arg14[%swap3A_1084, %swap3A_1085] {strides = array<i32>} : memref<16x16xf32, #tpu.memory_space<vmem>>, vector<16xf32>,
        tpu.vector_store %arg14[%swap3A_1084, %swap3A_1085], %add3A_1082 {strides = array<i32>} : memref<16x16xf32, #tpu.memory_space<vmem>>, vector<16xf32>,
        %mul3A_1087 = arith.constant 16 : i32
        %mul3A_1088 = arith.muli %scan3A_34, %mul3A_1087 : i32
        %add3A_1089 = arith.constant 5 : i32
        %add3A_1090 = arith.addi %mul3A_1088, %add3A_1089 : i32
        %get3A_1091 = arith.index_cast %add3A_1090 : i32 to index
        %get3A_1092 = arith.constant 0 : index
        %get3A_1093 = tpu.vector_load %arg11[%get3A_1091, %get3A_1092] {strides = array<i32>} : memref<128x128xf32, #tpu.memory_space<vmem>>, vector<16xf32>,
        %mul3A_1094 = arith.constant 16 : i32
        %mul3A_1095 = arith.muli %scan3A_34, %mul3A_1094 : i32
        %add3A_1096 = arith.constant 5 : i32
        %add3A_1097 = arith.addi %mul3A_1095, %add3A_1096 : i32
        %get3A_1098 = arith.index_cast %add3A_1097 : i32 to index
        %get3A_1099 = arith.constant 64 : index
        %get3A_1100 = tpu.vector_load %arg11[%get3A_1098, %get3A_1099] {strides = array<i32>} : memref<128x128xf32, #tpu.memory_space<vmem>>, vector<16xf32>,
        %mul3A_1101 = arith.constant 16 : i32
        %mul3A_1102 = arith.muli %scan3A_34, %mul3A_1101 : i32
        %add3A_1103 = arith.constant 5 : i32
        %add3A_1104 = arith.addi %mul3A_1102, %add3A_1103 : i32
        %get3A_1105 = arith.index_cast %add3A_1104 : i32 to index
        %get3A_1106 = arith.constant 0 : index
        %get3A_1107 = tpu.vector_load %arg12[%get3A_1105, %get3A_1106] {strides = array<i32>} : memref<128x128xf32, #tpu.memory_space<vmem>>, vector<16xf32>,
        %mul3A_1108 = arith.constant 16 : i32
        %mul3A_1109 = arith.muli %scan3A_34, %mul3A_1108 : i32
        %add3A_1110 = arith.constant 5 : i32
        %add3A_1111 = arith.addi %mul3A_1109, %add3A_1110 : i32
        %get3A_1112 = arith.index_cast %add3A_1111 : i32 to index
        %get3A_1113 = arith.constant 64 : index
        %get3A_1114 = tpu.vector_load %arg12[%get3A_1112, %get3A_1113] {strides = array<i32>} : memref<128x128xf32, #tpu.memory_space<vmem>>, vector<16xf32>,
        %mul3A_1115 = arith.constant 16 : i32
        %mul3A_1116 = arith.muli %scan3A_34, %mul3A_1115 : i32
        %add3A_1117 = arith.constant 5 : i32
        %add3A_1118 = arith.addi %mul3A_1116, %add3A_1117 : i32
        %get3A_1119 = arith.index_cast %add3A_1118 : i32 to index
        %get3A_1120 = arith.constant 0 : index
        %get3A_1121 = tpu.vector_load %arg13[%get3A_1119, %get3A_1120] {strides = array<i32>} : memref<128x128xf32, #tpu.memory_space<vmem>>, vector<16xf32>,
        %mul3A_1122 = arith.constant 16 : i32
        %mul3A_1123 = arith.muli %scan3A_34, %mul3A_1122 : i32
        %add3A_1124 = arith.constant 5 : i32
        %add3A_1125 = arith.addi %mul3A_1123, %add3A_1124 : i32
        %get3A_1126 = arith.index_cast %add3A_1125 : i32 to index
        %get3A_1127 = arith.constant 64 : index
        %get3A_1128 = tpu.vector_load %arg13[%get3A_1126, %get3A_1127] {strides = array<i32>} : memref<128x128xf32, #tpu.memory_space<vmem>>, vector<16xf32>,
        %mul3A_1129 = arith.mulf %get3A_1121, %get3A_1107 : vector<16xf32>
        %mul3A_1130 = arith.mulf %get3A_1128, %get3A_1114 : vector<16xf32>
        %add3A_1131 = arith.addf %mul3A_1129, %mul3A_1130 : vector<16xf32>
        %mul3A_1132 = arith.mulf %get3A_1093, %add3A_1131 : vector<16xf32>
        %mul3A_1133 = arith.mulf %get3A_1121, %get3A_1114 : vector<16xf32>
        %mul3A_1134 = arith.mulf %get3A_1128, %get3A_1107 : vector<16xf32>
        %sub3A_1135 = arith.subf %mul3A_1133, %mul3A_1134 : vector<16xf32>
        %mul3A_1136 = arith.mulf %get3A_1100, %sub3A_1135 : vector<16xf32>
        %add3A_1137 = arith.addf %mul3A_1132, %mul3A_1136 : vector<16xf32>
        %mul3A_1138 = arith.constant 16 : i32
        %mul3A_1139 = arith.muli %scan3A_34, %mul3A_1138 : i32
        %add3A_1140 = arith.constant 5 : i32
        %add3A_1141 = arith.addi %mul3A_1139, %add3A_1140 : i32
        %get3A_1142 = arith.index_cast %add3A_1141 : i32 to index
        %get3A_1143 = arith.constant 16 : index
        %get3A_1144 = tpu.vector_load %arg11[%get3A_1142, %get3A_1143] {strides = array<i32>} : memref<128x128xf32, #tpu.memory_space<vmem>>, vector<16xf32>,
        %mul3A_1145 = arith.constant 16 : i32
        %mul3A_1146 = arith.muli %scan3A_34, %mul3A_1145 : i32
        %add3A_1147 = arith.constant 5 : i32
        %add3A_1148 = arith.addi %mul3A_1146, %add3A_1147 : i32
        %get3A_1149 = arith.index_cast %add3A_1148 : i32 to index
        %get3A_1150 = arith.constant 80 : index
        %get3A_1151 = tpu.vector_load %arg11[%get3A_1149, %get3A_1150] {strides = array<i32>} : memref<128x128xf32, #tpu.memory_space<vmem>>, vector<16xf32>,
        %mul3A_1152 = arith.constant 16 : i32
        %mul3A_1153 = arith.muli %scan3A_34, %mul3A_1152 : i32
        %add3A_1154 = arith.constant 5 : i32
        %add3A_1155 = arith.addi %mul3A_1153, %add3A_1154 : i32
        %get3A_1156 = arith.index_cast %add3A_1155 : i32 to index
        %get3A_1157 = arith.constant 16 : index
        %get3A_1158 = tpu.vector_load %arg12[%get3A_1156, %get3A_1157] {strides = array<i32>} : memref<128x128xf32, #tpu.memory_space<vmem>>, vector<16xf32>,
        %mul3A_1159 = arith.constant 16 : i32
        %mul3A_1160 = arith.muli %scan3A_34, %mul3A_1159 : i32
        %add3A_1161 = arith.constant 5 : i32
        %add3A_1162 = arith.addi %mul3A_1160, %add3A_1161 : i32
        %get3A_1163 = arith.index_cast %add3A_1162 : i32 to index
        %get3A_1164 = arith.constant 80 : index
        %get3A_1165 = tpu.vector_load %arg12[%get3A_1163, %get3A_1164] {strides = array<i32>} : memref<128x128xf32, #tpu.memory_space<vmem>>, vector<16xf32>,
        %mul3A_1166 = arith.constant 16 : i32
        %mul3A_1167 = arith.muli %scan3A_34, %mul3A_1166 : i32
        %add3A_1168 = arith.constant 5 : i32
        %add3A_1169 = arith.addi %mul3A_1167, %add3A_1168 : i32
        %get3A_1170 = arith.index_cast %add3A_1169 : i32 to index
        %get3A_1171 = arith.constant 16 : index
        %get3A_1172 = tpu.vector_load %arg13[%get3A_1170, %get3A_1171] {strides = array<i32>} : memref<128x128xf32, #tpu.memory_space<vmem>>, vector<16xf32>,
        %mul3A_1173 = arith.constant 16 : i32
        %mul3A_1174 = arith.muli %scan3A_34, %mul3A_1173 : i32
        %add3A_1175 = arith.constant 5 : i32
        %add3A_1176 = arith.addi %mul3A_1174, %add3A_1175 : i32
        %get3A_1177 = arith.index_cast %add3A_1176 : i32 to index
        %get3A_1178 = arith.constant 80 : index
        %get3A_1179 = tpu.vector_load %arg13[%get3A_1177, %get3A_1178] {strides = array<i32>} : memref<128x128xf32, #tpu.memory_space<vmem>>, vector<16xf32>,
        %mul3A_1180 = arith.mulf %get3A_1172, %get3A_1158 : vector<16xf32>
        %mul3A_1181 = arith.mulf %get3A_1179, %get3A_1165 : vector<16xf32>
        %add3A_1182 = arith.addf %mul3A_1180, %mul3A_1181 : vector<16xf32>
        %mul3A_1183 = arith.mulf %get3A_1144, %add3A_1182 : vector<16xf32>
        %mul3A_1184 = arith.mulf %get3A_1172, %get3A_1165 : vector<16xf32>
        %mul3A_1185 = arith.mulf %get3A_1179, %get3A_1158 : vector<16xf32>
        %sub3A_1186 = arith.subf %mul3A_1184, %mul3A_1185 : vector<16xf32>
        %mul3A_1187 = arith.mulf %get3A_1151, %sub3A_1186 : vector<16xf32>
        %add3A_1188 = arith.addf %mul3A_1183, %mul3A_1187 : vector<16xf32>
        %add3A_1189 = arith.addf %add3A_1137, %add3A_1188 : vector<16xf32>
        %mul3A_1190 = arith.constant 16 : i32
        %mul3A_1191 = arith.muli %scan3A_34, %mul3A_1190 : i32
        %add3A_1192 = arith.constant 5 : i32
        %add3A_1193 = arith.addi %mul3A_1191, %add3A_1192 : i32
        %get3A_1194 = arith.index_cast %add3A_1193 : i32 to index
        %get3A_1195 = arith.constant 32 : index
        %get3A_1196 = tpu.vector_load %arg11[%get3A_1194, %get3A_1195] {strides = array<i32>} : memref<128x128xf32, #tpu.memory_space<vmem>>, vector<16xf32>,
        %mul3A_1197 = arith.constant 16 : i32
        %mul3A_1198 = arith.muli %scan3A_34, %mul3A_1197 : i32
        %add3A_1199 = arith.constant 5 : i32
        %add3A_1200 = arith.addi %mul3A_1198, %add3A_1199 : i32
        %get3A_1201 = arith.index_cast %add3A_1200 : i32 to index
        %get3A_1202 = arith.constant 96 : index
        %get3A_1203 = tpu.vector_load %arg11[%get3A_1201, %get3A_1202] {strides = array<i32>} : memref<128x128xf32, #tpu.memory_space<vmem>>, vector<16xf32>,
        %mul3A_1204 = arith.constant 16 : i32
        %mul3A_1205 = arith.muli %scan3A_34, %mul3A_1204 : i32
        %add3A_1206 = arith.constant 5 : i32
        %add3A_1207 = arith.addi %mul3A_1205, %add3A_1206 : i32
        %get3A_1208 = arith.index_cast %add3A_1207 : i32 to index
        %get3A_1209 = arith.constant 32 : index
        %get3A_1210 = tpu.vector_load %arg12[%get3A_1208, %get3A_1209] {strides = array<i32>} : memref<128x128xf32, #tpu.memory_space<vmem>>, vector<16xf32>,
        %mul3A_1211 = arith.constant 16 : i32
        %mul3A_1212 = arith.muli %scan3A_34, %mul3A_1211 : i32
        %add3A_1213 = arith.constant 5 : i32
        %add3A_1214 = arith.addi %mul3A_1212, %add3A_1213 : i32
        %get3A_1215 = arith.index_cast %add3A_1214 : i32 to index
        %get3A_1216 = arith.constant 96 : index
        %get3A_1217 = tpu.vector_load %arg12[%get3A_1215, %get3A_1216] {strides = array<i32>} : memref<128x128xf32, #tpu.memory_space<vmem>>, vector<16xf32>,
        %mul3A_1218 = arith.constant 16 : i32
        %mul3A_1219 = arith.muli %scan3A_34, %mul3A_1218 : i32
        %add3A_1220 = arith.constant 5 : i32
        %add3A_1221 = arith.addi %mul3A_1219, %add3A_1220 : i32
        %get3A_1222 = arith.index_cast %add3A_1221 : i32 to index
        %get3A_1223 = arith.constant 32 : index
        %get3A_1224 = tpu.vector_load %arg13[%get3A_1222, %get3A_1223] {strides = array<i32>} : memref<128x128xf32, #tpu.memory_space<vmem>>, vector<16xf32>,
        %mul3A_1225 = arith.constant 16 : i32
        %mul3A_1226 = arith.muli %scan3A_34, %mul3A_1225 : i32
        %add3A_1227 = arith.constant 5 : i32
        %add3A_1228 = arith.addi %mul3A_1226, %add3A_1227 : i32
        %get3A_1229 = arith.index_cast %add3A_1228 : i32 to index
        %get3A_1230 = arith.constant 96 : index
        %get3A_1231 = tpu.vector_load %arg13[%get3A_1229, %get3A_1230] {strides = array<i32>} : memref<128x128xf32, #tpu.memory_space<vmem>>, vector<16xf32>,
        %mul3A_1232 = arith.mulf %get3A_1224, %get3A_1210 : vector<16xf32>
        %mul3A_1233 = arith.mulf %get3A_1231, %get3A_1217 : vector<16xf32>
        %add3A_1234 = arith.addf %mul3A_1232, %mul3A_1233 : vector<16xf32>
        %mul3A_1235 = arith.mulf %get3A_1196, %add3A_1234 : vector<16xf32>
        %mul3A_1236 = arith.mulf %get3A_1224, %get3A_1217 : vector<16xf32>
        %mul3A_1237 = arith.mulf %get3A_1231, %get3A_1210 : vector<16xf32>
        %sub3A_1238 = arith.subf %mul3A_1236, %mul3A_1237 : vector<16xf32>
        %mul3A_1239 = arith.mulf %get3A_1203, %sub3A_1238 : vector<16xf32>
        %add3A_1240 = arith.addf %mul3A_1235, %mul3A_1239 : vector<16xf32>
        %add3A_1241 = arith.addf %add3A_1189, %add3A_1240 : vector<16xf32>
        %mul3A_1242 = arith.constant 16 : i32
        %mul3A_1243 = arith.muli %scan3A_34, %mul3A_1242 : i32
        %add3A_1244 = arith.constant 5 : i32
        %add3A_1245 = arith.addi %mul3A_1243, %add3A_1244 : i32
        %get3A_1246 = arith.index_cast %add3A_1245 : i32 to index
        %get3A_1247 = arith.constant 48 : index
        %get3A_1248 = tpu.vector_load %arg11[%get3A_1246, %get3A_1247] {strides = array<i32>} : memref<128x128xf32, #tpu.memory_space<vmem>>, vector<16xf32>,
        %mul3A_1249 = arith.constant 16 : i32
        %mul3A_1250 = arith.muli %scan3A_34, %mul3A_1249 : i32
        %add3A_1251 = arith.constant 5 : i32
        %add3A_1252 = arith.addi %mul3A_1250, %add3A_1251 : i32
        %get3A_1253 = arith.index_cast %add3A_1252 : i32 to index
        %get3A_1254 = arith.constant 112 : index
        %get3A_1255 = tpu.vector_load %arg11[%get3A_1253, %get3A_1254] {strides = array<i32>} : memref<128x128xf32, #tpu.memory_space<vmem>>, vector<16xf32>,
        %mul3A_1256 = arith.constant 16 : i32
        %mul3A_1257 = arith.muli %scan3A_34, %mul3A_1256 : i32
        %add3A_1258 = arith.constant 5 : i32
        %add3A_1259 = arith.addi %mul3A_1257, %add3A_1258 : i32
        %get3A_1260 = arith.index_cast %add3A_1259 : i32 to index
        %get3A_1261 = arith.constant 48 : index
        %get3A_1262 = tpu.vector_load %arg12[%get3A_1260, %get3A_1261] {strides = array<i32>} : memref<128x128xf32, #tpu.memory_space<vmem>>, vector<16xf32>,
        %mul3A_1263 = arith.constant 16 : i32
        %mul3A_1264 = arith.muli %scan3A_34, %mul3A_1263 : i32
        %add3A_1265 = arith.constant 5 : i32
        %add3A_1266 = arith.addi %mul3A_1264, %add3A_1265 : i32
        %get3A_1267 = arith.index_cast %add3A_1266 : i32 to index
        %get3A_1268 = arith.constant 112 : index
        %get3A_1269 = tpu.vector_load %arg12[%get3A_1267, %get3A_1268] {strides = array<i32>} : memref<128x128xf32, #tpu.memory_space<vmem>>, vector<16xf32>,
        %mul3A_1270 = arith.constant 16 : i32
        %mul3A_1271 = arith.muli %scan3A_34, %mul3A_1270 : i32
        %add3A_1272 = arith.constant 5 : i32
        %add3A_1273 = arith.addi %mul3A_1271, %add3A_1272 : i32
        %get3A_1274 = arith.index_cast %add3A_1273 : i32 to index
        %get3A_1275 = arith.constant 48 : index
        %get3A_1276 = tpu.vector_load %arg13[%get3A_1274, %get3A_1275] {strides = array<i32>} : memref<128x128xf32, #tpu.memory_space<vmem>>, vector<16xf32>,
        %mul3A_1277 = arith.constant 16 : i32
        %mul3A_1278 = arith.muli %scan3A_34, %mul3A_1277 : i32
        %add3A_1279 = arith.constant 5 : i32
        %add3A_1280 = arith.addi %mul3A_1278, %add3A_1279 : i32
        %get3A_1281 = arith.index_cast %add3A_1280 : i32 to index
        %get3A_1282 = arith.constant 112 : index
        %get3A_1283 = tpu.vector_load %arg13[%get3A_1281, %get3A_1282] {strides = array<i32>} : memref<128x128xf32, #tpu.memory_space<vmem>>, vector<16xf32>,
        %mul3A_1284 = arith.mulf %get3A_1276, %get3A_1262 : vector<16xf32>
        %mul3A_1285 = arith.mulf %get3A_1283, %get3A_1269 : vector<16xf32>
        %add3A_1286 = arith.addf %mul3A_1284, %mul3A_1285 : vector<16xf32>
        %mul3A_1287 = arith.mulf %get3A_1248, %add3A_1286 : vector<16xf32>
        %mul3A_1288 = arith.mulf %get3A_1276, %get3A_1269 : vector<16xf32>
        %mul3A_1289 = arith.mulf %get3A_1283, %get3A_1262 : vector<16xf32>
        %sub3A_1290 = arith.subf %mul3A_1288, %mul3A_1289 : vector<16xf32>
        %mul3A_1291 = arith.mulf %get3A_1255, %sub3A_1290 : vector<16xf32>
        %add3A_1292 = arith.addf %mul3A_1287, %mul3A_1291 : vector<16xf32>
        %add3A_1293 = arith.addf %add3A_1241, %add3A_1292 : vector<16xf32>
        %swap3A_1294 = arith.constant 5 : i32
        %swap3A_1295 = arith.index_cast %swap3A_1294 : i32 to index
        %swap3A_1296 = arith.constant 0 : index
        %swap3A_1297 = tpu.vector_load %arg14[%swap3A_1295, %swap3A_1296] {strides = array<i32>} : memref<16x16xf32, #tpu.memory_space<vmem>>, vector<16xf32>,
        tpu.vector_store %arg14[%swap3A_1295, %swap3A_1296], %add3A_1293 {strides = array<i32>} : memref<16x16xf32, #tpu.memory_space<vmem>>, vector<16xf32>,
        %mul3A_1298 = arith.constant 16 : i32
        %mul3A_1299 = arith.muli %scan3A_34, %mul3A_1298 : i32
        %add3A_1300 = arith.constant 6 : i32
        %add3A_1301 = arith.addi %mul3A_1299, %add3A_1300 : i32
        %get3A_1302 = arith.index_cast %add3A_1301 : i32 to index
        %get3A_1303 = arith.constant 0 : index
        %get3A_1304 = tpu.vector_load %arg11[%get3A_1302, %get3A_1303] {strides = array<i32>} : memref<128x128xf32, #tpu.memory_space<vmem>>, vector<16xf32>,
        %mul3A_1305 = arith.constant 16 : i32
        %mul3A_1306 = arith.muli %scan3A_34, %mul3A_1305 : i32
        %add3A_1307 = arith.constant 6 : i32
        %add3A_1308 = arith.addi %mul3A_1306, %add3A_1307 : i32
        %get3A_1309 = arith.index_cast %add3A_1308 : i32 to index
        %get3A_1310 = arith.constant 64 : index
        %get3A_1311 = tpu.vector_load %arg11[%get3A_1309, %get3A_1310] {strides = array<i32>} : memref<128x128xf32, #tpu.memory_space<vmem>>, vector<16xf32>,
        %mul3A_1312 = arith.constant 16 : i32
        %mul3A_1313 = arith.muli %scan3A_34, %mul3A_1312 : i32
        %add3A_1314 = arith.constant 6 : i32
        %add3A_1315 = arith.addi %mul3A_1313, %add3A_1314 : i32
        %get3A_1316 = arith.index_cast %add3A_1315 : i32 to index
        %get3A_1317 = arith.constant 0 : index
        %get3A_1318 = tpu.vector_load %arg12[%get3A_1316, %get3A_1317] {strides = array<i32>} : memref<128x128xf32, #tpu.memory_space<vmem>>, vector<16xf32>,
        %mul3A_1319 = arith.constant 16 : i32
        %mul3A_1320 = arith.muli %scan3A_34, %mul3A_1319 : i32
        %add3A_1321 = arith.constant 6 : i32
        %add3A_1322 = arith.addi %mul3A_1320, %add3A_1321 : i32
        %get3A_1323 = arith.index_cast %add3A_1322 : i32 to index
        %get3A_1324 = arith.constant 64 : index
        %get3A_1325 = tpu.vector_load %arg12[%get3A_1323, %get3A_1324] {strides = array<i32>} : memref<128x128xf32, #tpu.memory_space<vmem>>, vector<16xf32>,
        %mul3A_1326 = arith.constant 16 : i32
        %mul3A_1327 = arith.muli %scan3A_34, %mul3A_1326 : i32
        %add3A_1328 = arith.constant 6 : i32
        %add3A_1329 = arith.addi %mul3A_1327, %add3A_1328 : i32
        %get3A_1330 = arith.index_cast %add3A_1329 : i32 to index
        %get3A_1331 = arith.constant 0 : index
        %get3A_1332 = tpu.vector_load %arg13[%get3A_1330, %get3A_1331] {strides = array<i32>} : memref<128x128xf32, #tpu.memory_space<vmem>>, vector<16xf32>,
        %mul3A_1333 = arith.constant 16 : i32
        %mul3A_1334 = arith.muli %scan3A_34, %mul3A_1333 : i32
        %add3A_1335 = arith.constant 6 : i32
        %add3A_1336 = arith.addi %mul3A_1334, %add3A_1335 : i32
        %get3A_1337 = arith.index_cast %add3A_1336 : i32 to index
        %get3A_1338 = arith.constant 64 : index
        %get3A_1339 = tpu.vector_load %arg13[%get3A_1337, %get3A_1338] {strides = array<i32>} : memref<128x128xf32, #tpu.memory_space<vmem>>, vector<16xf32>,
        %mul3A_1340 = arith.mulf %get3A_1332, %get3A_1318 : vector<16xf32>
        %mul3A_1341 = arith.mulf %get3A_1339, %get3A_1325 : vector<16xf32>
        %add3A_1342 = arith.addf %mul3A_1340, %mul3A_1341 : vector<16xf32>
        %mul3A_1343 = arith.mulf %get3A_1304, %add3A_1342 : vector<16xf32>
        %mul3A_1344 = arith.mulf %get3A_1332, %get3A_1325 : vector<16xf32>
        %mul3A_1345 = arith.mulf %get3A_1339, %get3A_1318 : vector<16xf32>
        %sub3A_1346 = arith.subf %mul3A_1344, %mul3A_1345 : vector<16xf32>
        %mul3A_1347 = arith.mulf %get3A_1311, %sub3A_1346 : vector<16xf32>
        %add3A_1348 = arith.addf %mul3A_1343, %mul3A_1347 : vector<16xf32>
        %mul3A_1349 = arith.constant 16 : i32
        %mul3A_1350 = arith.muli %scan3A_34, %mul3A_1349 : i32
        %add3A_1351 = arith.constant 6 : i32
        %add3A_1352 = arith.addi %mul3A_1350, %add3A_1351 : i32
        %get3A_1353 = arith.index_cast %add3A_1352 : i32 to index
        %get3A_1354 = arith.constant 16 : index
        %get3A_1355 = tpu.vector_load %arg11[%get3A_1353, %get3A_1354] {strides = array<i32>} : memref<128x128xf32, #tpu.memory_space<vmem>>, vector<16xf32>,
        %mul3A_1356 = arith.constant 16 : i32
        %mul3A_1357 = arith.muli %scan3A_34, %mul3A_1356 : i32
        %add3A_1358 = arith.constant 6 : i32
        %add3A_1359 = arith.addi %mul3A_1357, %add3A_1358 : i32
        %get3A_1360 = arith.index_cast %add3A_1359 : i32 to index
        %get3A_1361 = arith.constant 80 : index
        %get3A_1362 = tpu.vector_load %arg11[%get3A_1360, %get3A_1361] {strides = array<i32>} : memref<128x128xf32, #tpu.memory_space<vmem>>, vector<16xf32>,
        %mul3A_1363 = arith.constant 16 : i32
        %mul3A_1364 = arith.muli %scan3A_34, %mul3A_1363 : i32
        %add3A_1365 = arith.constant 6 : i32
        %add3A_1366 = arith.addi %mul3A_1364, %add3A_1365 : i32
        %get3A_1367 = arith.index_cast %add3A_1366 : i32 to index
        %get3A_1368 = arith.constant 16 : index
        %get3A_1369 = tpu.vector_load %arg12[%get3A_1367, %get3A_1368] {strides = array<i32>} : memref<128x128xf32, #tpu.memory_space<vmem>>, vector<16xf32>,
        %mul3A_1370 = arith.constant 16 : i32
        %mul3A_1371 = arith.muli %scan3A_34, %mul3A_1370 : i32
        %add3A_1372 = arith.constant 6 : i32
        %add3A_1373 = arith.addi %mul3A_1371, %add3A_1372 : i32
        %get3A_1374 = arith.index_cast %add3A_1373 : i32 to index
        %get3A_1375 = arith.constant 80 : index
        %get3A_1376 = tpu.vector_load %arg12[%get3A_1374, %get3A_1375] {strides = array<i32>} : memref<128x128xf32, #tpu.memory_space<vmem>>, vector<16xf32>,
        %mul3A_1377 = arith.constant 16 : i32
        %mul3A_1378 = arith.muli %scan3A_34, %mul3A_1377 : i32
        %add3A_1379 = arith.constant 6 : i32
        %add3A_1380 = arith.addi %mul3A_1378, %add3A_1379 : i32
        %get3A_1381 = arith.index_cast %add3A_1380 : i32 to index
        %get3A_1382 = arith.constant 16 : index
        %get3A_1383 = tpu.vector_load %arg13[%get3A_1381, %get3A_1382] {strides = array<i32>} : memref<128x128xf32, #tpu.memory_space<vmem>>, vector<16xf32>,
        %mul3A_1384 = arith.constant 16 : i32
        %mul3A_1385 = arith.muli %scan3A_34, %mul3A_1384 : i32
        %add3A_1386 = arith.constant 6 : i32
        %add3A_1387 = arith.addi %mul3A_1385, %add3A_1386 : i32
        %get3A_1388 = arith.index_cast %add3A_1387 : i32 to index
        %get3A_1389 = arith.constant 80 : index
        %get3A_1390 = tpu.vector_load %arg13[%get3A_1388, %get3A_1389] {strides = array<i32>} : memref<128x128xf32, #tpu.memory_space<vmem>>, vector<16xf32>,
        %mul3A_1391 = arith.mulf %get3A_1383, %get3A_1369 : vector<16xf32>
        %mul3A_1392 = arith.mulf %get3A_1390, %get3A_1376 : vector<16xf32>
        %add3A_1393 = arith.addf %mul3A_1391, %mul3A_1392 : vector<16xf32>
        %mul3A_1394 = arith.mulf %get3A_1355, %add3A_1393 : vector<16xf32>
        %mul3A_1395 = arith.mulf %get3A_1383, %get3A_1376 : vector<16xf32>
        %mul3A_1396 = arith.mulf %get3A_1390, %get3A_1369 : vector<16xf32>
        %sub3A_1397 = arith.subf %mul3A_1395, %mul3A_1396 : vector<16xf32>
        %mul3A_1398 = arith.mulf %get3A_1362, %sub3A_1397 : vector<16xf32>
        %add3A_1399 = arith.addf %mul3A_1394, %mul3A_1398 : vector<16xf32>
        %add3A_1400 = arith.addf %add3A_1348, %add3A_1399 : vector<16xf32>
        %mul3A_1401 = arith.constant 16 : i32
        %mul3A_1402 = arith.muli %scan3A_34, %mul3A_1401 : i32
        %add3A_1403 = arith.constant 6 : i32
        %add3A_1404 = arith.addi %mul3A_1402, %add3A_1403 : i32
        %get3A_1405 = arith.index_cast %add3A_1404 : i32 to index
        %get3A_1406 = arith.constant 32 : index
        %get3A_1407 = tpu.vector_load %arg11[%get3A_1405, %get3A_1406] {strides = array<i32>} : memref<128x128xf32, #tpu.memory_space<vmem>>, vector<16xf32>,
        %mul3A_1408 = arith.constant 16 : i32
        %mul3A_1409 = arith.muli %scan3A_34, %mul3A_1408 : i32
        %add3A_1410 = arith.constant 6 : i32
        %add3A_1411 = arith.addi %mul3A_1409, %add3A_1410 : i32
        %get3A_1412 = arith.index_cast %add3A_1411 : i32 to index
        %get3A_1413 = arith.constant 96 : index
        %get3A_1414 = tpu.vector_load %arg11[%get3A_1412, %get3A_1413] {strides = array<i32>} : memref<128x128xf32, #tpu.memory_space<vmem>>, vector<16xf32>,
        %mul3A_1415 = arith.constant 16 : i32
        %mul3A_1416 = arith.muli %scan3A_34, %mul3A_1415 : i32
        %add3A_1417 = arith.constant 6 : i32
        %add3A_1418 = arith.addi %mul3A_1416, %add3A_1417 : i32
        %get3A_1419 = arith.index_cast %add3A_1418 : i32 to index
        %get3A_1420 = arith.constant 32 : index
        %get3A_1421 = tpu.vector_load %arg12[%get3A_1419, %get3A_1420] {strides = array<i32>} : memref<128x128xf32, #tpu.memory_space<vmem>>, vector<16xf32>,
        %mul3A_1422 = arith.constant 16 : i32
        %mul3A_1423 = arith.muli %scan3A_34, %mul3A_1422 : i32
        %add3A_1424 = arith.constant 6 : i32
        %add3A_1425 = arith.addi %mul3A_1423, %add3A_1424 : i32
        %get3A_1426 = arith.index_cast %add3A_1425 : i32 to index
        %get3A_1427 = arith.constant 96 : index
        %get3A_1428 = tpu.vector_load %arg12[%get3A_1426, %get3A_1427] {strides = array<i32>} : memref<128x128xf32, #tpu.memory_space<vmem>>, vector<16xf32>,
        %mul3A_1429 = arith.constant 16 : i32
        %mul3A_1430 = arith.muli %scan3A_34, %mul3A_1429 : i32
        %add3A_1431 = arith.constant 6 : i32
        %add3A_1432 = arith.addi %mul3A_1430, %add3A_1431 : i32
        %get3A_1433 = arith.index_cast %add3A_1432 : i32 to index
        %get3A_1434 = arith.constant 32 : index
        %get3A_1435 = tpu.vector_load %arg13[%get3A_1433, %get3A_1434] {strides = array<i32>} : memref<128x128xf32, #tpu.memory_space<vmem>>, vector<16xf32>,
        %mul3A_1436 = arith.constant 16 : i32
        %mul3A_1437 = arith.muli %scan3A_34, %mul3A_1436 : i32
        %add3A_1438 = arith.constant 6 : i32
        %add3A_1439 = arith.addi %mul3A_1437, %add3A_1438 : i32
        %get3A_1440 = arith.index_cast %add3A_1439 : i32 to index
        %get3A_1441 = arith.constant 96 : index
        %get3A_1442 = tpu.vector_load %arg13[%get3A_1440, %get3A_1441] {strides = array<i32>} : memref<128x128xf32, #tpu.memory_space<vmem>>, vector<16xf32>,
        %mul3A_1443 = arith.mulf %get3A_1435, %get3A_1421 : vector<16xf32>
        %mul3A_1444 = arith.mulf %get3A_1442, %get3A_1428 : vector<16xf32>
        %add3A_1445 = arith.addf %mul3A_1443, %mul3A_1444 : vector<16xf32>
        %mul3A_1446 = arith.mulf %get3A_1407, %add3A_1445 : vector<16xf32>
        %mul3A_1447 = arith.mulf %get3A_1435, %get3A_1428 : vector<16xf32>
        %mul3A_1448 = arith.mulf %get3A_1442, %get3A_1421 : vector<16xf32>
        %sub3A_1449 = arith.subf %mul3A_1447, %mul3A_1448 : vector<16xf32>
        %mul3A_1450 = arith.mulf %get3A_1414, %sub3A_1449 : vector<16xf32>
        %add3A_1451 = arith.addf %mul3A_1446, %mul3A_1450 : vector<16xf32>
        %add3A_1452 = arith.addf %add3A_1400, %add3A_1451 : vector<16xf32>
        %mul3A_1453 = arith.constant 16 : i32
        %mul3A_1454 = arith.muli %scan3A_34, %mul3A_1453 : i32
        %add3A_1455 = arith.constant 6 : i32
        %add3A_1456 = arith.addi %mul3A_1454, %add3A_1455 : i32
        %get3A_1457 = arith.index_cast %add3A_1456 : i32 to index
        %get3A_1458 = arith.constant 48 : index
        %get3A_1459 = tpu.vector_load %arg11[%get3A_1457, %get3A_1458] {strides = array<i32>} : memref<128x128xf32, #tpu.memory_space<vmem>>, vector<16xf32>,
        %mul3A_1460 = arith.constant 16 : i32
        %mul3A_1461 = arith.muli %scan3A_34, %mul3A_1460 : i32
        %add3A_1462 = arith.constant 6 : i32
        %add3A_1463 = arith.addi %mul3A_1461, %add3A_1462 : i32
        %get3A_1464 = arith.index_cast %add3A_1463 : i32 to index
        %get3A_1465 = arith.constant 112 : index
        %get3A_1466 = tpu.vector_load %arg11[%get3A_1464, %get3A_1465] {strides = array<i32>} : memref<128x128xf32, #tpu.memory_space<vmem>>, vector<16xf32>,
        %mul3A_1467 = arith.constant 16 : i32
        %mul3A_1468 = arith.muli %scan3A_34, %mul3A_1467 : i32
        %add3A_1469 = arith.constant 6 : i32
        %add3A_1470 = arith.addi %mul3A_1468, %add3A_1469 : i32
        %get3A_1471 = arith.index_cast %add3A_1470 : i32 to index
        %get3A_1472 = arith.constant 48 : index
        %get3A_1473 = tpu.vector_load %arg12[%get3A_1471, %get3A_1472] {strides = array<i32>} : memref<128x128xf32, #tpu.memory_space<vmem>>, vector<16xf32>,
        %mul3A_1474 = arith.constant 16 : i32
        %mul3A_1475 = arith.muli %scan3A_34, %mul3A_1474 : i32
        %add3A_1476 = arith.constant 6 : i32
        %add3A_1477 = arith.addi %mul3A_1475, %add3A_1476 : i32
        %get3A_1478 = arith.index_cast %add3A_1477 : i32 to index
        %get3A_1479 = arith.constant 112 : index
        %get3A_1480 = tpu.vector_load %arg12[%get3A_1478, %get3A_1479] {strides = array<i32>} : memref<128x128xf32, #tpu.memory_space<vmem>>, vector<16xf32>,
        %mul3A_1481 = arith.constant 16 : i32
        %mul3A_1482 = arith.muli %scan3A_34, %mul3A_1481 : i32
        %add3A_1483 = arith.constant 6 : i32
        %add3A_1484 = arith.addi %mul3A_1482, %add3A_1483 : i32
        %get3A_1485 = arith.index_cast %add3A_1484 : i32 to index
        %get3A_1486 = arith.constant 48 : index
        %get3A_1487 = tpu.vector_load %arg13[%get3A_1485, %get3A_1486] {strides = array<i32>} : memref<128x128xf32, #tpu.memory_space<vmem>>, vector<16xf32>,
        %mul3A_1488 = arith.constant 16 : i32
        %mul3A_1489 = arith.muli %scan3A_34, %mul3A_1488 : i32
        %add3A_1490 = arith.constant 6 : i32
        %add3A_1491 = arith.addi %mul3A_1489, %add3A_1490 : i32
        %get3A_1492 = arith.index_cast %add3A_1491 : i32 to index
        %get3A_1493 = arith.constant 112 : index
        %get3A_1494 = tpu.vector_load %arg13[%get3A_1492, %get3A_1493] {strides = array<i32>} : memref<128x128xf32, #tpu.memory_space<vmem>>, vector<16xf32>,
        %mul3A_1495 = arith.mulf %get3A_1487, %get3A_1473 : vector<16xf32>
        %mul3A_1496 = arith.mulf %get3A_1494, %get3A_1480 : vector<16xf32>
        %add3A_1497 = arith.addf %mul3A_1495, %mul3A_1496 : vector<16xf32>
        %mul3A_1498 = arith.mulf %get3A_1459, %add3A_1497 : vector<16xf32>
        %mul3A_1499 = arith.mulf %get3A_1487, %get3A_1480 : vector<16xf32>
        %mul3A_1500 = arith.mulf %get3A_1494, %get3A_1473 : vector<16xf32>
        %sub3A_1501 = arith.subf %mul3A_1499, %mul3A_1500 : vector<16xf32>
        %mul3A_1502 = arith.mulf %get3A_1466, %sub3A_1501 : vector<16xf32>
        %add3A_1503 = arith.addf %mul3A_1498, %mul3A_1502 : vector<16xf32>
        %add3A_1504 = arith.addf %add3A_1452, %add3A_1503 : vector<16xf32>
        %swap3A_1505 = arith.constant 6 : i32
        %swap3A_1506 = arith.index_cast %swap3A_1505 : i32 to index
        %swap3A_1507 = arith.constant 0 : index
        %swap3A_1508 = tpu.vector_load %arg14[%swap3A_1506, %swap3A_1507] {strides = array<i32>} : memref<16x16xf32, #tpu.memory_space<vmem>>, vector<16xf32>,
        tpu.vector_store %arg14[%swap3A_1506, %swap3A_1507], %add3A_1504 {strides = array<i32>} : memref<16x16xf32, #tpu.memory_space<vmem>>, vector<16xf32>,
        %mul3A_1509 = arith.constant 16 : i32
        %mul3A_1510 = arith.muli %scan3A_34, %mul3A_1509 : i32
        %add3A_1511 = arith.constant 7 : i32
        %add3A_1512 = arith.addi %mul3A_1510, %add3A_1511 : i32
        %get3A_1513 = arith.index_cast %add3A_1512 : i32 to index
        %get3A_1514 = arith.constant 0 : index
        %get3A_1515 = tpu.vector_load %arg11[%get3A_1513, %get3A_1514] {strides = array<i32>} : memref<128x128xf32, #tpu.memory_space<vmem>>, vector<16xf32>,
        %mul3A_1516 = arith.constant 16 : i32
        %mul3A_1517 = arith.muli %scan3A_34, %mul3A_1516 : i32
        %add3A_1518 = arith.constant 7 : i32
        %add3A_1519 = arith.addi %mul3A_1517, %add3A_1518 : i32
        %get3A_1520 = arith.index_cast %add3A_1519 : i32 to index
        %get3A_1521 = arith.constant 64 : index
        %get3A_1522 = tpu.vector_load %arg11[%get3A_1520, %get3A_1521] {strides = array<i32>} : memref<128x128xf32, #tpu.memory_space<vmem>>, vector<16xf32>,
        %mul3A_1523 = arith.constant 16 : i32
        %mul3A_1524 = arith.muli %scan3A_34, %mul3A_1523 : i32
        %add3A_1525 = arith.constant 7 : i32
        %add3A_1526 = arith.addi %mul3A_1524, %add3A_1525 : i32
        %get3A_1527 = arith.index_cast %add3A_1526 : i32 to index
        %get3A_1528 = arith.constant 0 : index
        %get3A_1529 = tpu.vector_load %arg12[%get3A_1527, %get3A_1528] {strides = array<i32>} : memref<128x128xf32, #tpu.memory_space<vmem>>, vector<16xf32>,
        %mul3A_1530 = arith.constant 16 : i32
        %mul3A_1531 = arith.muli %scan3A_34, %mul3A_1530 : i32
        %add3A_1532 = arith.constant 7 : i32
        %add3A_1533 = arith.addi %mul3A_1531, %add3A_1532 : i32
        %get3A_1534 = arith.index_cast %add3A_1533 : i32 to index
        %get3A_1535 = arith.constant 64 : index
        %get3A_1536 = tpu.vector_load %arg12[%get3A_1534, %get3A_1535] {strides = array<i32>} : memref<128x128xf32, #tpu.memory_space<vmem>>, vector<16xf32>,
        %mul3A_1537 = arith.constant 16 : i32
        %mul3A_1538 = arith.muli %scan3A_34, %mul3A_1537 : i32
        %add3A_1539 = arith.constant 7 : i32
        %add3A_1540 = arith.addi %mul3A_1538, %add3A_1539 : i32
        %get3A_1541 = arith.index_cast %add3A_1540 : i32 to index
        %get3A_1542 = arith.constant 0 : index
        %get3A_1543 = tpu.vector_load %arg13[%get3A_1541, %get3A_1542] {strides = array<i32>} : memref<128x128xf32, #tpu.memory_space<vmem>>, vector<16xf32>,
        %mul3A_1544 = arith.constant 16 : i32
        %mul3A_1545 = arith.muli %scan3A_34, %mul3A_1544 : i32
        %add3A_1546 = arith.constant 7 : i32
        %add3A_1547 = arith.addi %mul3A_1545, %add3A_1546 : i32
        %get3A_1548 = arith.index_cast %add3A_1547 : i32 to index
        %get3A_1549 = arith.constant 64 : index
        %get3A_1550 = tpu.vector_load %arg13[%get3A_1548, %get3A_1549] {strides = array<i32>} : memref<128x128xf32, #tpu.memory_space<vmem>>, vector<16xf32>,
        %mul3A_1551 = arith.mulf %get3A_1543, %get3A_1529 : vector<16xf32>
        %mul3A_1552 = arith.mulf %get3A_1550, %get3A_1536 : vector<16xf32>
        %add3A_1553 = arith.addf %mul3A_1551, %mul3A_1552 : vector<16xf32>
        %mul3A_1554 = arith.mulf %get3A_1515, %add3A_1553 : vector<16xf32>
        %mul3A_1555 = arith.mulf %get3A_1543, %get3A_1536 : vector<16xf32>
        %mul3A_1556 = arith.mulf %get3A_1550, %get3A_1529 : vector<16xf32>
        %sub3A_1557 = arith.subf %mul3A_1555, %mul3A_1556 : vector<16xf32>
        %mul3A_1558 = arith.mulf %get3A_1522, %sub3A_1557 : vector<16xf32>
        %add3A_1559 = arith.addf %mul3A_1554, %mul3A_1558 : vector<16xf32>
        %mul3A_1560 = arith.constant 16 : i32
        %mul3A_1561 = arith.muli %scan3A_34, %mul3A_1560 : i32
        %add3A_1562 = arith.constant 7 : i32
        %add3A_1563 = arith.addi %mul3A_1561, %add3A_1562 : i32
        %get3A_1564 = arith.index_cast %add3A_1563 : i32 to index
        %get3A_1565 = arith.constant 16 : index
        %get3A_1566 = tpu.vector_load %arg11[%get3A_1564, %get3A_1565] {strides = array<i32>} : memref<128x128xf32, #tpu.memory_space<vmem>>, vector<16xf32>,
        %mul3A_1567 = arith.constant 16 : i32
        %mul3A_1568 = arith.muli %scan3A_34, %mul3A_1567 : i32
        %add3A_1569 = arith.constant 7 : i32
        %add3A_1570 = arith.addi %mul3A_1568, %add3A_1569 : i32
        %get3A_1571 = arith.index_cast %add3A_1570 : i32 to index
        %get3A_1572 = arith.constant 80 : index
        %get3A_1573 = tpu.vector_load %arg11[%get3A_1571, %get3A_1572] {strides = array<i32>} : memref<128x128xf32, #tpu.memory_space<vmem>>, vector<16xf32>,
        %mul3A_1574 = arith.constant 16 : i32
        %mul3A_1575 = arith.muli %scan3A_34, %mul3A_1574 : i32
        %add3A_1576 = arith.constant 7 : i32
        %add3A_1577 = arith.addi %mul3A_1575, %add3A_1576 : i32
        %get3A_1578 = arith.index_cast %add3A_1577 : i32 to index
        %get3A_1579 = arith.constant 16 : index
        %get3A_1580 = tpu.vector_load %arg12[%get3A_1578, %get3A_1579] {strides = array<i32>} : memref<128x128xf32, #tpu.memory_space<vmem>>, vector<16xf32>,
        %mul3A_1581 = arith.constant 16 : i32
        %mul3A_1582 = arith.muli %scan3A_34, %mul3A_1581 : i32
        %add3A_1583 = arith.constant 7 : i32
        %add3A_1584 = arith.addi %mul3A_1582, %add3A_1583 : i32
        %get3A_1585 = arith.index_cast %add3A_1584 : i32 to index
        %get3A_1586 = arith.constant 80 : index
        %get3A_1587 = tpu.vector_load %arg12[%get3A_1585, %get3A_1586] {strides = array<i32>} : memref<128x128xf32, #tpu.memory_space<vmem>>, vector<16xf32>,
        %mul3A_1588 = arith.constant 16 : i32
        %mul3A_1589 = arith.muli %scan3A_34, %mul3A_1588 : i32
        %add3A_1590 = arith.constant 7 : i32
        %add3A_1591 = arith.addi %mul3A_1589, %add3A_1590 : i32
        %get3A_1592 = arith.index_cast %add3A_1591 : i32 to index
        %get3A_1593 = arith.constant 16 : index
        %get3A_1594 = tpu.vector_load %arg13[%get3A_1592, %get3A_1593] {strides = array<i32>} : memref<128x128xf32, #tpu.memory_space<vmem>>, vector<16xf32>,
        %mul3A_1595 = arith.constant 16 : i32
        %mul3A_1596 = arith.muli %scan3A_34, %mul3A_1595 : i32
        %add3A_1597 = arith.constant 7 : i32
        %add3A_1598 = arith.addi %mul3A_1596, %add3A_1597 : i32
        %get3A_1599 = arith.index_cast %add3A_1598 : i32 to index
        %get3A_1600 = arith.constant 80 : index
        %get3A_1601 = tpu.vector_load %arg13[%get3A_1599, %get3A_1600] {strides = array<i32>} : memref<128x128xf32, #tpu.memory_space<vmem>>, vector<16xf32>,
        %mul3A_1602 = arith.mulf %get3A_1594, %get3A_1580 : vector<16xf32>
        %mul3A_1603 = arith.mulf %get3A_1601, %get3A_1587 : vector<16xf32>
        %add3A_1604 = arith.addf %mul3A_1602, %mul3A_1603 : vector<16xf32>
        %mul3A_1605 = arith.mulf %get3A_1566, %add3A_1604 : vector<16xf32>
        %mul3A_1606 = arith.mulf %get3A_1594, %get3A_1587 : vector<16xf32>
        %mul3A_1607 = arith.mulf %get3A_1601, %get3A_1580 : vector<16xf32>
        %sub3A_1608 = arith.subf %mul3A_1606, %mul3A_1607 : vector<16xf32>
        %mul3A_1609 = arith.mulf %get3A_1573, %sub3A_1608 : vector<16xf32>
        %add3A_1610 = arith.addf %mul3A_1605, %mul3A_1609 : vector<16xf32>
        %add3A_1611 = arith.addf %add3A_1559, %add3A_1610 : vector<16xf32>
        %mul3A_1612 = arith.constant 16 : i32
        %mul3A_1613 = arith.muli %scan3A_34, %mul3A_1612 : i32
        %add3A_1614 = arith.constant 7 : i32
        %add3A_1615 = arith.addi %mul3A_1613, %add3A_1614 : i32
        %get3A_1616 = arith.index_cast %add3A_1615 : i32 to index
        %get3A_1617 = arith.constant 32 : index
        %get3A_1618 = tpu.vector_load %arg11[%get3A_1616, %get3A_1617] {strides = array<i32>} : memref<128x128xf32, #tpu.memory_space<vmem>>, vector<16xf32>,
        %mul3A_1619 = arith.constant 16 : i32
        %mul3A_1620 = arith.muli %scan3A_34, %mul3A_1619 : i32
        %add3A_1621 = arith.constant 7 : i32
        %add3A_1622 = arith.addi %mul3A_1620, %add3A_1621 : i32
        %get3A_1623 = arith.index_cast %add3A_1622 : i32 to index
        %get3A_1624 = arith.constant 96 : index
        %get3A_1625 = tpu.vector_load %arg11[%get3A_1623, %get3A_1624] {strides = array<i32>} : memref<128x128xf32, #tpu.memory_space<vmem>>, vector<16xf32>,
        %mul3A_1626 = arith.constant 16 : i32
        %mul3A_1627 = arith.muli %scan3A_34, %mul3A_1626 : i32
        %add3A_1628 = arith.constant 7 : i32
        %add3A_1629 = arith.addi %mul3A_1627, %add3A_1628 : i32
        %get3A_1630 = arith.index_cast %add3A_1629 : i32 to index
        %get3A_1631 = arith.constant 32 : index
        %get3A_1632 = tpu.vector_load %arg12[%get3A_1630, %get3A_1631] {strides = array<i32>} : memref<128x128xf32, #tpu.memory_space<vmem>>, vector<16xf32>,
        %mul3A_1633 = arith.constant 16 : i32
        %mul3A_1634 = arith.muli %scan3A_34, %mul3A_1633 : i32
        %add3A_1635 = arith.constant 7 : i32
        %add3A_1636 = arith.addi %mul3A_1634, %add3A_1635 : i32
        %get3A_1637 = arith.index_cast %add3A_1636 : i32 to index
        %get3A_1638 = arith.constant 96 : index
        %get3A_1639 = tpu.vector_load %arg12[%get3A_1637, %get3A_1638] {strides = array<i32>} : memref<128x128xf32, #tpu.memory_space<vmem>>, vector<16xf32>,
        %mul3A_1640 = arith.constant 16 : i32
        %mul3A_1641 = arith.muli %scan3A_34, %mul3A_1640 : i32
        %add3A_1642 = arith.constant 7 : i32
        %add3A_1643 = arith.addi %mul3A_1641, %add3A_1642 : i32
        %get3A_1644 = arith.index_cast %add3A_1643 : i32 to index
        %get3A_1645 = arith.constant 32 : index
        %get3A_1646 = tpu.vector_load %arg13[%get3A_1644, %get3A_1645] {strides = array<i32>} : memref<128x128xf32, #tpu.memory_space<vmem>>, vector<16xf32>,
        %mul3A_1647 = arith.constant 16 : i32
        %mul3A_1648 = arith.muli %scan3A_34, %mul3A_1647 : i32
        %add3A_1649 = arith.constant 7 : i32
        %add3A_1650 = arith.addi %mul3A_1648, %add3A_1649 : i32
        %get3A_1651 = arith.index_cast %add3A_1650 : i32 to index
        %get3A_1652 = arith.constant 96 : index
        %get3A_1653 = tpu.vector_load %arg13[%get3A_1651, %get3A_1652] {strides = array<i32>} : memref<128x128xf32, #tpu.memory_space<vmem>>, vector<16xf32>,
        %mul3A_1654 = arith.mulf %get3A_1646, %get3A_1632 : vector<16xf32>
        %mul3A_1655 = arith.mulf %get3A_1653, %get3A_1639 : vector<16xf32>
        %add3A_1656 = arith.addf %mul3A_1654, %mul3A_1655 : vector<16xf32>
        %mul3A_1657 = arith.mulf %get3A_1618, %add3A_1656 : vector<16xf32>
        %mul3A_1658 = arith.mulf %get3A_1646, %get3A_1639 : vector<16xf32>
        %mul3A_1659 = arith.mulf %get3A_1653, %get3A_1632 : vector<16xf32>
        %sub3A_1660 = arith.subf %mul3A_1658, %mul3A_1659 : vector<16xf32>
        %mul3A_1661 = arith.mulf %get3A_1625, %sub3A_1660 : vector<16xf32>
        %add3A_1662 = arith.addf %mul3A_1657, %mul3A_1661 : vector<16xf32>
        %add3A_1663 = arith.addf %add3A_1611, %add3A_1662 : vector<16xf32>
        %mul3A_1664 = arith.constant 16 : i32
        %mul3A_1665 = arith.muli %scan3A_34, %mul3A_1664 : i32
        %add3A_1666 = arith.constant 7 : i32
        %add3A_1667 = arith.addi %mul3A_1665, %add3A_1666 : i32
        %get3A_1668 = arith.index_cast %add3A_1667 : i32 to index
        %get3A_1669 = arith.constant 48 : index
        %get3A_1670 = tpu.vector_load %arg11[%get3A_1668, %get3A_1669] {strides = array<i32>} : memref<128x128xf32, #tpu.memory_space<vmem>>, vector<16xf32>,
        %mul3A_1671 = arith.constant 16 : i32
        %mul3A_1672 = arith.muli %scan3A_34, %mul3A_1671 : i32
        %add3A_1673 = arith.constant 7 : i32
        %add3A_1674 = arith.addi %mul3A_1672, %add3A_1673 : i32
        %get3A_1675 = arith.index_cast %add3A_1674 : i32 to index
        %get3A_1676 = arith.constant 112 : index
        %get3A_1677 = tpu.vector_load %arg11[%get3A_1675, %get3A_1676] {strides = array<i32>} : memref<128x128xf32, #tpu.memory_space<vmem>>, vector<16xf32>,
        %mul3A_1678 = arith.constant 16 : i32
        %mul3A_1679 = arith.muli %scan3A_34, %mul3A_1678 : i32
        %add3A_1680 = arith.constant 7 : i32
        %add3A_1681 = arith.addi %mul3A_1679, %add3A_1680 : i32
        %get3A_1682 = arith.index_cast %add3A_1681 : i32 to index
        %get3A_1683 = arith.constant 48 : index
        %get3A_1684 = tpu.vector_load %arg12[%get3A_1682, %get3A_1683] {strides = array<i32>} : memref<128x128xf32, #tpu.memory_space<vmem>>, vector<16xf32>,
        %mul3A_1685 = arith.constant 16 : i32
        %mul3A_1686 = arith.muli %scan3A_34, %mul3A_1685 : i32
        %add3A_1687 = arith.constant 7 : i32
        %add3A_1688 = arith.addi %mul3A_1686, %add3A_1687 : i32
        %get3A_1689 = arith.index_cast %add3A_1688 : i32 to index
        %get3A_1690 = arith.constant 112 : index
        %get3A_1691 = tpu.vector_load %arg12[%get3A_1689, %get3A_1690] {strides = array<i32>} : memref<128x128xf32, #tpu.memory_space<vmem>>, vector<16xf32>,
        %mul3A_1692 = arith.constant 16 : i32
        %mul3A_1693 = arith.muli %scan3A_34, %mul3A_1692 : i32
        %add3A_1694 = arith.constant 7 : i32
        %add3A_1695 = arith.addi %mul3A_1693, %add3A_1694 : i32
        %get3A_1696 = arith.index_cast %add3A_1695 : i32 to index
        %get3A_1697 = arith.constant 48 : index
        %get3A_1698 = tpu.vector_load %arg13[%get3A_1696, %get3A_1697] {strides = array<i32>} : memref<128x128xf32, #tpu.memory_space<vmem>>, vector<16xf32>,
        %mul3A_1699 = arith.constant 16 : i32
        %mul3A_1700 = arith.muli %scan3A_34, %mul3A_1699 : i32
        %add3A_1701 = arith.constant 7 : i32
        %add3A_1702 = arith.addi %mul3A_1700, %add3A_1701 : i32
        %get3A_1703 = arith.index_cast %add3A_1702 : i32 to index
        %get3A_1704 = arith.constant 112 : index
        %get3A_1705 = tpu.vector_load %arg13[%get3A_1703, %get3A_1704] {strides = array<i32>} : memref<128x128xf32, #tpu.memory_space<vmem>>, vector<16xf32>,
        %mul3A_1706 = arith.mulf %get3A_1698, %get3A_1684 : vector<16xf32>
        %mul3A_1707 = arith.mulf %get3A_1705, %get3A_1691 : vector<16xf32>
        %add3A_1708 = arith.addf %mul3A_1706, %mul3A_1707 : vector<16xf32>
        %mul3A_1709 = arith.mulf %get3A_1670, %add3A_1708 : vector<16xf32>
        %mul3A_1710 = arith.mulf %get3A_1698, %get3A_1691 : vector<16xf32>
        %mul3A_1711 = arith.mulf %get3A_1705, %get3A_1684 : vector<16xf32>
        %sub3A_1712 = arith.subf %mul3A_1710, %mul3A_1711 : vector<16xf32>
        %mul3A_1713 = arith.mulf %get3A_1677, %sub3A_1712 : vector<16xf32>
        %add3A_1714 = arith.addf %mul3A_1709, %mul3A_1713 : vector<16xf32>
        %add3A_1715 = arith.addf %add3A_1663, %add3A_1714 : vector<16xf32>
        %swap3A_1716 = arith.constant 7 : i32
        %swap3A_1717 = arith.index_cast %swap3A_1716 : i32 to index
        %swap3A_1718 = arith.constant 0 : index
        %swap3A_1719 = tpu.vector_load %arg14[%swap3A_1717, %swap3A_1718] {strides = array<i32>} : memref<16x16xf32, #tpu.memory_space<vmem>>, vector<16xf32>,
        tpu.vector_store %arg14[%swap3A_1717, %swap3A_1718], %add3A_1715 {strides = array<i32>} : memref<16x16xf32, #tpu.memory_space<vmem>>, vector<16xf32>,
        %mul3A_1720 = arith.constant 16 : i32
        %mul3A_1721 = arith.muli %scan3A_34, %mul3A_1720 : i32
        %add3A_1722 = arith.constant 8 : i32
        %add3A_1723 = arith.addi %mul3A_1721, %add3A_1722 : i32
        %get3A_1724 = arith.index_cast %add3A_1723 : i32 to index
        %get3A_1725 = arith.constant 0 : index
        %get3A_1726 = tpu.vector_load %arg11[%get3A_1724, %get3A_1725] {strides = array<i32>} : memref<128x128xf32, #tpu.memory_space<vmem>>, vector<16xf32>,
        %mul3A_1727 = arith.constant 16 : i32
        %mul3A_1728 = arith.muli %scan3A_34, %mul3A_1727 : i32
        %add3A_1729 = arith.constant 8 : i32
        %add3A_1730 = arith.addi %mul3A_1728, %add3A_1729 : i32
        %get3A_1731 = arith.index_cast %add3A_1730 : i32 to index
        %get3A_1732 = arith.constant 64 : index
        %get3A_1733 = tpu.vector_load %arg11[%get3A_1731, %get3A_1732] {strides = array<i32>} : memref<128x128xf32, #tpu.memory_space<vmem>>, vector<16xf32>,
        %mul3A_1734 = arith.constant 16 : i32
        %mul3A_1735 = arith.muli %scan3A_34, %mul3A_1734 : i32
        %add3A_1736 = arith.constant 8 : i32
        %add3A_1737 = arith.addi %mul3A_1735, %add3A_1736 : i32
        %get3A_1738 = arith.index_cast %add3A_1737 : i32 to index
        %get3A_1739 = arith.constant 0 : index
        %get3A_1740 = tpu.vector_load %arg12[%get3A_1738, %get3A_1739] {strides = array<i32>} : memref<128x128xf32, #tpu.memory_space<vmem>>, vector<16xf32>,
        %mul3A_1741 = arith.constant 16 : i32
        %mul3A_1742 = arith.muli %scan3A_34, %mul3A_1741 : i32
        %add3A_1743 = arith.constant 8 : i32
        %add3A_1744 = arith.addi %mul3A_1742, %add3A_1743 : i32
        %get3A_1745 = arith.index_cast %add3A_1744 : i32 to index
        %get3A_1746 = arith.constant 64 : index
        %get3A_1747 = tpu.vector_load %arg12[%get3A_1745, %get3A_1746] {strides = array<i32>} : memref<128x128xf32, #tpu.memory_space<vmem>>, vector<16xf32>,
        %mul3A_1748 = arith.constant 16 : i32
        %mul3A_1749 = arith.muli %scan3A_34, %mul3A_1748 : i32
        %add3A_1750 = arith.constant 8 : i32
        %add3A_1751 = arith.addi %mul3A_1749, %add3A_1750 : i32
        %get3A_1752 = arith.index_cast %add3A_1751 : i32 to index
        %get3A_1753 = arith.constant 0 : index
        %get3A_1754 = tpu.vector_load %arg13[%get3A_1752, %get3A_1753] {strides = array<i32>} : memref<128x128xf32, #tpu.memory_space<vmem>>, vector<16xf32>,
        %mul3A_1755 = arith.constant 16 : i32
        %mul3A_1756 = arith.muli %scan3A_34, %mul3A_1755 : i32
        %add3A_1757 = arith.constant 8 : i32
        %add3A_1758 = arith.addi %mul3A_1756, %add3A_1757 : i32
        %get3A_1759 = arith.index_cast %add3A_1758 : i32 to index
        %get3A_1760 = arith.constant 64 : index
        %get3A_1761 = tpu.vector_load %arg13[%get3A_1759, %get3A_1760] {strides = array<i32>} : memref<128x128xf32, #tpu.memory_space<vmem>>, vector<16xf32>,
        %mul3A_1762 = arith.mulf %get3A_1754, %get3A_1740 : vector<16xf32>
        %mul3A_1763 = arith.mulf %get3A_1761, %get3A_1747 : vector<16xf32>
        %add3A_1764 = arith.addf %mul3A_1762, %mul3A_1763 : vector<16xf32>
        %mul3A_1765 = arith.mulf %get3A_1726, %add3A_1764 : vector<16xf32>
        %mul3A_1766 = arith.mulf %get3A_1754, %get3A_1747 : vector<16xf32>
        %mul3A_1767 = arith.mulf %get3A_1761, %get3A_1740 : vector<16xf32>
        %sub3A_1768 = arith.subf %mul3A_1766, %mul3A_1767 : vector<16xf32>
        %mul3A_1769 = arith.mulf %get3A_1733, %sub3A_1768 : vector<16xf32>
        %add3A_1770 = arith.addf %mul3A_1765, %mul3A_1769 : vector<16xf32>
        %mul3A_1771 = arith.constant 16 : i32
        %mul3A_1772 = arith.muli %scan3A_34, %mul3A_1771 : i32
        %add3A_1773 = arith.constant 8 : i32
        %add3A_1774 = arith.addi %mul3A_1772, %add3A_1773 : i32
        %get3A_1775 = arith.index_cast %add3A_1774 : i32 to index
        %get3A_1776 = arith.constant 16 : index
        %get3A_1777 = tpu.vector_load %arg11[%get3A_1775, %get3A_1776] {strides = array<i32>} : memref<128x128xf32, #tpu.memory_space<vmem>>, vector<16xf32>,
        %mul3A_1778 = arith.constant 16 : i32
        %mul3A_1779 = arith.muli %scan3A_34, %mul3A_1778 : i32
        %add3A_1780 = arith.constant 8 : i32
        %add3A_1781 = arith.addi %mul3A_1779, %add3A_1780 : i32
        %get3A_1782 = arith.index_cast %add3A_1781 : i32 to index
        %get3A_1783 = arith.constant 80 : index
        %get3A_1784 = tpu.vector_load %arg11[%get3A_1782, %get3A_1783] {strides = array<i32>} : memref<128x128xf32, #tpu.memory_space<vmem>>, vector<16xf32>,
        %mul3A_1785 = arith.constant 16 : i32
        %mul3A_1786 = arith.muli %scan3A_34, %mul3A_1785 : i32
        %add3A_1787 = arith.constant 8 : i32
        %add3A_1788 = arith.addi %mul3A_1786, %add3A_1787 : i32
        %get3A_1789 = arith.index_cast %add3A_1788 : i32 to index
        %get3A_1790 = arith.constant 16 : index
        %get3A_1791 = tpu.vector_load %arg12[%get3A_1789, %get3A_1790] {strides = array<i32>} : memref<128x128xf32, #tpu.memory_space<vmem>>, vector<16xf32>,
        %mul3A_1792 = arith.constant 16 : i32
        %mul3A_1793 = arith.muli %scan3A_34, %mul3A_1792 : i32
        %add3A_1794 = arith.constant 8 : i32
        %add3A_1795 = arith.addi %mul3A_1793, %add3A_1794 : i32
        %get3A_1796 = arith.index_cast %add3A_1795 : i32 to index
        %get3A_1797 = arith.constant 80 : index
        %get3A_1798 = tpu.vector_load %arg12[%get3A_1796, %get3A_1797] {strides = array<i32>} : memref<128x128xf32, #tpu.memory_space<vmem>>, vector<16xf32>,
        %mul3A_1799 = arith.constant 16 : i32
        %mul3A_1800 = arith.muli %scan3A_34, %mul3A_1799 : i32
        %add3A_1801 = arith.constant 8 : i32
        %add3A_1802 = arith.addi %mul3A_1800, %add3A_1801 : i32
        %get3A_1803 = arith.index_cast %add3A_1802 : i32 to index
        %get3A_1804 = arith.constant 16 : index
        %get3A_1805 = tpu.vector_load %arg13[%get3A_1803, %get3A_1804] {strides = array<i32>} : memref<128x128xf32, #tpu.memory_space<vmem>>, vector<16xf32>,
        %mul3A_1806 = arith.constant 16 : i32
        %mul3A_1807 = arith.muli %scan3A_34, %mul3A_1806 : i32
        %add3A_1808 = arith.constant 8 : i32
        %add3A_1809 = arith.addi %mul3A_1807, %add3A_1808 : i32
        %get3A_1810 = arith.index_cast %add3A_1809 : i32 to index
        %get3A_1811 = arith.constant 80 : index
        %get3A_1812 = tpu.vector_load %arg13[%get3A_1810, %get3A_1811] {strides = array<i32>} : memref<128x128xf32, #tpu.memory_space<vmem>>, vector<16xf32>,
        %mul3A_1813 = arith.mulf %get3A_1805, %get3A_1791 : vector<16xf32>
        %mul3A_1814 = arith.mulf %get3A_1812, %get3A_1798 : vector<16xf32>
        %add3A_1815 = arith.addf %mul3A_1813, %mul3A_1814 : vector<16xf32>
        %mul3A_1816 = arith.mulf %get3A_1777, %add3A_1815 : vector<16xf32>
        %mul3A_1817 = arith.mulf %get3A_1805, %get3A_1798 : vector<16xf32>
        %mul3A_1818 = arith.mulf %get3A_1812, %get3A_1791 : vector<16xf32>
        %sub3A_1819 = arith.subf %mul3A_1817, %mul3A_1818 : vector<16xf32>
        %mul3A_1820 = arith.mulf %get3A_1784, %sub3A_1819 : vector<16xf32>
        %add3A_1821 = arith.addf %mul3A_1816, %mul3A_1820 : vector<16xf32>
        %add3A_1822 = arith.addf %add3A_1770, %add3A_1821 : vector<16xf32>
        %mul3A_1823 = arith.constant 16 : i32
        %mul3A_1824 = arith.muli %scan3A_34, %mul3A_1823 : i32
        %add3A_1825 = arith.constant 8 : i32
        %add3A_1826 = arith.addi %mul3A_1824, %add3A_1825 : i32
        %get3A_1827 = arith.index_cast %add3A_1826 : i32 to index
        %get3A_1828 = arith.constant 32 : index
        %get3A_1829 = tpu.vector_load %arg11[%get3A_1827, %get3A_1828] {strides = array<i32>} : memref<128x128xf32, #tpu.memory_space<vmem>>, vector<16xf32>,
        %mul3A_1830 = arith.constant 16 : i32
        %mul3A_1831 = arith.muli %scan3A_34, %mul3A_1830 : i32
        %add3A_1832 = arith.constant 8 : i32
        %add3A_1833 = arith.addi %mul3A_1831, %add3A_1832 : i32
        %get3A_1834 = arith.index_cast %add3A_1833 : i32 to index
        %get3A_1835 = arith.constant 96 : index
        %get3A_1836 = tpu.vector_load %arg11[%get3A_1834, %get3A_1835] {strides = array<i32>} : memref<128x128xf32, #tpu.memory_space<vmem>>, vector<16xf32>,
        %mul3A_1837 = arith.constant 16 : i32
        %mul3A_1838 = arith.muli %scan3A_34, %mul3A_1837 : i32
        %add3A_1839 = arith.constant 8 : i32
        %add3A_1840 = arith.addi %mul3A_1838, %add3A_1839 : i32
        %get3A_1841 = arith.index_cast %add3A_1840 : i32 to index
        %get3A_1842 = arith.constant 32 : index
        %get3A_1843 = tpu.vector_load %arg12[%get3A_1841, %get3A_1842] {strides = array<i32>} : memref<128x128xf32, #tpu.memory_space<vmem>>, vector<16xf32>,
        %mul3A_1844 = arith.constant 16 : i32
        %mul3A_1845 = arith.muli %scan3A_34, %mul3A_1844 : i32
        %add3A_1846 = arith.constant 8 : i32
        %add3A_1847 = arith.addi %mul3A_1845, %add3A_1846 : i32
        %get3A_1848 = arith.index_cast %add3A_1847 : i32 to index
        %get3A_1849 = arith.constant 96 : index
        %get3A_1850 = tpu.vector_load %arg12[%get3A_1848, %get3A_1849] {strides = array<i32>} : memref<128x128xf32, #tpu.memory_space<vmem>>, vector<16xf32>,
        %mul3A_1851 = arith.constant 16 : i32
        %mul3A_1852 = arith.muli %scan3A_34, %mul3A_1851 : i32
        %add3A_1853 = arith.constant 8 : i32
        %add3A_1854 = arith.addi %mul3A_1852, %add3A_1853 : i32
        %get3A_1855 = arith.index_cast %add3A_1854 : i32 to index
        %get3A_1856 = arith.constant 32 : index
        %get3A_1857 = tpu.vector_load %arg13[%get3A_1855, %get3A_1856] {strides = array<i32>} : memref<128x128xf32, #tpu.memory_space<vmem>>, vector<16xf32>,
        %mul3A_1858 = arith.constant 16 : i32
        %mul3A_1859 = arith.muli %scan3A_34, %mul3A_1858 : i32
        %add3A_1860 = arith.constant 8 : i32
        %add3A_1861 = arith.addi %mul3A_1859, %add3A_1860 : i32
        %get3A_1862 = arith.index_cast %add3A_1861 : i32 to index
        %get3A_1863 = arith.constant 96 : index
        %get3A_1864 = tpu.vector_load %arg13[%get3A_1862, %get3A_1863] {strides = array<i32>} : memref<128x128xf32, #tpu.memory_space<vmem>>, vector<16xf32>,
        %mul3A_1865 = arith.mulf %get3A_1857, %get3A_1843 : vector<16xf32>
        %mul3A_1866 = arith.mulf %get3A_1864, %get3A_1850 : vector<16xf32>
        %add3A_1867 = arith.addf %mul3A_1865, %mul3A_1866 : vector<16xf32>
        %mul3A_1868 = arith.mulf %get3A_1829, %add3A_1867 : vector<16xf32>
        %mul3A_1869 = arith.mulf %get3A_1857, %get3A_1850 : vector<16xf32>
        %mul3A_1870 = arith.mulf %get3A_1864, %get3A_1843 : vector<16xf32>
        %sub3A_1871 = arith.subf %mul3A_1869, %mul3A_1870 : vector<16xf32>
        %mul3A_1872 = arith.mulf %get3A_1836, %sub3A_1871 : vector<16xf32>
        %add3A_1873 = arith.addf %mul3A_1868, %mul3A_1872 : vector<16xf32>
        %add3A_1874 = arith.addf %add3A_1822, %add3A_1873 : vector<16xf32>
        %mul3A_1875 = arith.constant 16 : i32
        %mul3A_1876 = arith.muli %scan3A_34, %mul3A_1875 : i32
        %add3A_1877 = arith.constant 8 : i32
        %add3A_1878 = arith.addi %mul3A_1876, %add3A_1877 : i32
        %get3A_1879 = arith.index_cast %add3A_1878 : i32 to index
        %get3A_1880 = arith.constant 48 : index
        %get3A_1881 = tpu.vector_load %arg11[%get3A_1879, %get3A_1880] {strides = array<i32>} : memref<128x128xf32, #tpu.memory_space<vmem>>, vector<16xf32>,
        %mul3A_1882 = arith.constant 16 : i32
        %mul3A_1883 = arith.muli %scan3A_34, %mul3A_1882 : i32
        %add3A_1884 = arith.constant 8 : i32
        %add3A_1885 = arith.addi %mul3A_1883, %add3A_1884 : i32
        %get3A_1886 = arith.index_cast %add3A_1885 : i32 to index
        %get3A_1887 = arith.constant 112 : index
        %get3A_1888 = tpu.vector_load %arg11[%get3A_1886, %get3A_1887] {strides = array<i32>} : memref<128x128xf32, #tpu.memory_space<vmem>>, vector<16xf32>,
        %mul3A_1889 = arith.constant 16 : i32
        %mul3A_1890 = arith.muli %scan3A_34, %mul3A_1889 : i32
        %add3A_1891 = arith.constant 8 : i32
        %add3A_1892 = arith.addi %mul3A_1890, %add3A_1891 : i32
        %get3A_1893 = arith.index_cast %add3A_1892 : i32 to index
        %get3A_1894 = arith.constant 48 : index
        %get3A_1895 = tpu.vector_load %arg12[%get3A_1893, %get3A_1894] {strides = array<i32>} : memref<128x128xf32, #tpu.memory_space<vmem>>, vector<16xf32>,
        %mul3A_1896 = arith.constant 16 : i32
        %mul3A_1897 = arith.muli %scan3A_34, %mul3A_1896 : i32
        %add3A_1898 = arith.constant 8 : i32
        %add3A_1899 = arith.addi %mul3A_1897, %add3A_1898 : i32
        %get3A_1900 = arith.index_cast %add3A_1899 : i32 to index
        %get3A_1901 = arith.constant 112 : index
        %get3A_1902 = tpu.vector_load %arg12[%get3A_1900, %get3A_1901] {strides = array<i32>} : memref<128x128xf32, #tpu.memory_space<vmem>>, vector<16xf32>,
        %mul3A_1903 = arith.constant 16 : i32
        %mul3A_1904 = arith.muli %scan3A_34, %mul3A_1903 : i32
        %add3A_1905 = arith.constant 8 : i32
        %add3A_1906 = arith.addi %mul3A_1904, %add3A_1905 : i32
        %get3A_1907 = arith.index_cast %add3A_1906 : i32 to index
        %get3A_1908 = arith.constant 48 : index
        %get3A_1909 = tpu.vector_load %arg13[%get3A_1907, %get3A_1908] {strides = array<i32>} : memref<128x128xf32, #tpu.memory_space<vmem>>, vector<16xf32>,
        %mul3A_1910 = arith.constant 16 : i32
        %mul3A_1911 = arith.muli %scan3A_34, %mul3A_1910 : i32
        %add3A_1912 = arith.constant 8 : i32
        %add3A_1913 = arith.addi %mul3A_1911, %add3A_1912 : i32
        %get3A_1914 = arith.index_cast %add3A_1913 : i32 to index
        %get3A_1915 = arith.constant 112 : index
        %get3A_1916 = tpu.vector_load %arg13[%get3A_1914, %get3A_1915] {strides = array<i32>} : memref<128x128xf32, #tpu.memory_space<vmem>>, vector<16xf32>,
        %mul3A_1917 = arith.mulf %get3A_1909, %get3A_1895 : vector<16xf32>
        %mul3A_1918 = arith.mulf %get3A_1916, %get3A_1902 : vector<16xf32>
        %add3A_1919 = arith.addf %mul3A_1917, %mul3A_1918 : vector<16xf32>
        %mul3A_1920 = arith.mulf %get3A_1881, %add3A_1919 : vector<16xf32>
        %mul3A_1921 = arith.mulf %get3A_1909, %get3A_1902 : vector<16xf32>
        %mul3A_1922 = arith.mulf %get3A_1916, %get3A_1895 : vector<16xf32>
        %sub3A_1923 = arith.subf %mul3A_1921, %mul3A_1922 : vector<16xf32>
        %mul3A_1924 = arith.mulf %get3A_1888, %sub3A_1923 : vector<16xf32>
        %add3A_1925 = arith.addf %mul3A_1920, %mul3A_1924 : vector<16xf32>
        %add3A_1926 = arith.addf %add3A_1874, %add3A_1925 : vector<16xf32>
        %swap3A_1927 = arith.constant 8 : i32
        %swap3A_1928 = arith.index_cast %swap3A_1927 : i32 to index
        %swap3A_1929 = arith.constant 0 : index
        %swap3A_1930 = tpu.vector_load %arg14[%swap3A_1928, %swap3A_1929] {strides = array<i32>} : memref<16x16xf32, #tpu.memory_space<vmem>>, vector<16xf32>,
        tpu.vector_store %arg14[%swap3A_1928, %swap3A_1929], %add3A_1926 {strides = array<i32>} : memref<16x16xf32, #tpu.memory_space<vmem>>, vector<16xf32>,
        %mul3A_1931 = arith.constant 16 : i32
        %mul3A_1932 = arith.muli %scan3A_34, %mul3A_1931 : i32
        %add3A_1933 = arith.constant 9 : i32
        %add3A_1934 = arith.addi %mul3A_1932, %add3A_1933 : i32
        %get3A_1935 = arith.index_cast %add3A_1934 : i32 to index
        %get3A_1936 = arith.constant 0 : index
        %get3A_1937 = tpu.vector_load %arg11[%get3A_1935, %get3A_1936] {strides = array<i32>} : memref<128x128xf32, #tpu.memory_space<vmem>>, vector<16xf32>,
        %mul3A_1938 = arith.constant 16 : i32
        %mul3A_1939 = arith.muli %scan3A_34, %mul3A_1938 : i32
        %add3A_1940 = arith.constant 9 : i32
        %add3A_1941 = arith.addi %mul3A_1939, %add3A_1940 : i32
        %get3A_1942 = arith.index_cast %add3A_1941 : i32 to index
        %get3A_1943 = arith.constant 64 : index
        %get3A_1944 = tpu.vector_load %arg11[%get3A_1942, %get3A_1943] {strides = array<i32>} : memref<128x128xf32, #tpu.memory_space<vmem>>, vector<16xf32>,
        %mul3A_1945 = arith.constant 16 : i32
        %mul3A_1946 = arith.muli %scan3A_34, %mul3A_1945 : i32
        %add3A_1947 = arith.constant 9 : i32
        %add3A_1948 = arith.addi %mul3A_1946, %add3A_1947 : i32
        %get3A_1949 = arith.index_cast %add3A_1948 : i32 to index
        %get3A_1950 = arith.constant 0 : index
        %get3A_1951 = tpu.vector_load %arg12[%get3A_1949, %get3A_1950] {strides = array<i32>} : memref<128x128xf32, #tpu.memory_space<vmem>>, vector<16xf32>,
        %mul3A_1952 = arith.constant 16 : i32
        %mul3A_1953 = arith.muli %scan3A_34, %mul3A_1952 : i32
        %add3A_1954 = arith.constant 9 : i32
        %add3A_1955 = arith.addi %mul3A_1953, %add3A_1954 : i32
        %get3A_1956 = arith.index_cast %add3A_1955 : i32 to index
        %get3A_1957 = arith.constant 64 : index
        %get3A_1958 = tpu.vector_load %arg12[%get3A_1956, %get3A_1957] {strides = array<i32>} : memref<128x128xf32, #tpu.memory_space<vmem>>, vector<16xf32>,
        %mul3A_1959 = arith.constant 16 : i32
        %mul3A_1960 = arith.muli %scan3A_34, %mul3A_1959 : i32
        %add3A_1961 = arith.constant 9 : i32
        %add3A_1962 = arith.addi %mul3A_1960, %add3A_1961 : i32
        %get3A_1963 = arith.index_cast %add3A_1962 : i32 to index
        %get3A_1964 = arith.constant 0 : index
        %get3A_1965 = tpu.vector_load %arg13[%get3A_1963, %get3A_1964] {strides = array<i32>} : memref<128x128xf32, #tpu.memory_space<vmem>>, vector<16xf32>,
        %mul3A_1966 = arith.constant 16 : i32
        %mul3A_1967 = arith.muli %scan3A_34, %mul3A_1966 : i32
        %add3A_1968 = arith.constant 9 : i32
        %add3A_1969 = arith.addi %mul3A_1967, %add3A_1968 : i32
        %get3A_1970 = arith.index_cast %add3A_1969 : i32 to index
        %get3A_1971 = arith.constant 64 : index
        %get3A_1972 = tpu.vector_load %arg13[%get3A_1970, %get3A_1971] {strides = array<i32>} : memref<128x128xf32, #tpu.memory_space<vmem>>, vector<16xf32>,
        %mul3A_1973 = arith.mulf %get3A_1965, %get3A_1951 : vector<16xf32>
        %mul3A_1974 = arith.mulf %get3A_1972, %get3A_1958 : vector<16xf32>
        %add3A_1975 = arith.addf %mul3A_1973, %mul3A_1974 : vector<16xf32>
        %mul3A_1976 = arith.mulf %get3A_1937, %add3A_1975 : vector<16xf32>
        %mul3A_1977 = arith.mulf %get3A_1965, %get3A_1958 : vector<16xf32>
        %mul3A_1978 = arith.mulf %get3A_1972, %get3A_1951 : vector<16xf32>
        %sub3A_1979 = arith.subf %mul3A_1977, %mul3A_1978 : vector<16xf32>
        %mul3A_1980 = arith.mulf %get3A_1944, %sub3A_1979 : vector<16xf32>
        %add3A_1981 = arith.addf %mul3A_1976, %mul3A_1980 : vector<16xf32>
        %mul3A_1982 = arith.constant 16 : i32
        %mul3A_1983 = arith.muli %scan3A_34, %mul3A_1982 : i32
        %add3A_1984 = arith.constant 9 : i32
        %add3A_1985 = arith.addi %mul3A_1983, %add3A_1984 : i32
        %get3A_1986 = arith.index_cast %add3A_1985 : i32 to index
        %get3A_1987 = arith.constant 16 : index
        %get3A_1988 = tpu.vector_load %arg11[%get3A_1986, %get3A_1987] {strides = array<i32>} : memref<128x128xf32, #tpu.memory_space<vmem>>, vector<16xf32>,
        %mul3A_1989 = arith.constant 16 : i32
        %mul3A_1990 = arith.muli %scan3A_34, %mul3A_1989 : i32
        %add3A_1991 = arith.constant 9 : i32
        %add3A_1992 = arith.addi %mul3A_1990, %add3A_1991 : i32
        %get3A_1993 = arith.index_cast %add3A_1992 : i32 to index
        %get3A_1994 = arith.constant 80 : index
        %get3A_1995 = tpu.vector_load %arg11[%get3A_1993, %get3A_1994] {strides = array<i32>} : memref<128x128xf32, #tpu.memory_space<vmem>>, vector<16xf32>,
        %mul3A_1996 = arith.constant 16 : i32
        %mul3A_1997 = arith.muli %scan3A_34, %mul3A_1996 : i32
        %add3A_1998 = arith.constant 9 : i32
        %add3A_1999 = arith.addi %mul3A_1997, %add3A_1998 : i32
        %get3A_2000 = arith.index_cast %add3A_1999 : i32 to index
        %get3A_2001 = arith.constant 16 : index
        %get3A_2002 = tpu.vector_load %arg12[%get3A_2000, %get3A_2001] {strides = array<i32>} : memref<128x128xf32, #tpu.memory_space<vmem>>, vector<16xf32>,
        %mul3A_2003 = arith.constant 16 : i32
        %mul3A_2004 = arith.muli %scan3A_34, %mul3A_2003 : i32
        %add3A_2005 = arith.constant 9 : i32
        %add3A_2006 = arith.addi %mul3A_2004, %add3A_2005 : i32
        %get3A_2007 = arith.index_cast %add3A_2006 : i32 to index
        %get3A_2008 = arith.constant 80 : index
        %get3A_2009 = tpu.vector_load %arg12[%get3A_2007, %get3A_2008] {strides = array<i32>} : memref<128x128xf32, #tpu.memory_space<vmem>>, vector<16xf32>,
        %mul3A_2010 = arith.constant 16 : i32
        %mul3A_2011 = arith.muli %scan3A_34, %mul3A_2010 : i32
        %add3A_2012 = arith.constant 9 : i32
        %add3A_2013 = arith.addi %mul3A_2011, %add3A_2012 : i32
        %get3A_2014 = arith.index_cast %add3A_2013 : i32 to index
        %get3A_2015 = arith.constant 16 : index
        %get3A_2016 = tpu.vector_load %arg13[%get3A_2014, %get3A_2015] {strides = array<i32>} : memref<128x128xf32, #tpu.memory_space<vmem>>, vector<16xf32>,
        %mul3A_2017 = arith.constant 16 : i32
        %mul3A_2018 = arith.muli %scan3A_34, %mul3A_2017 : i32
        %add3A_2019 = arith.constant 9 : i32
        %add3A_2020 = arith.addi %mul3A_2018, %add3A_2019 : i32
        %get3A_2021 = arith.index_cast %add3A_2020 : i32 to index
        %get3A_2022 = arith.constant 80 : index
        %get3A_2023 = tpu.vector_load %arg13[%get3A_2021, %get3A_2022] {strides = array<i32>} : memref<128x128xf32, #tpu.memory_space<vmem>>, vector<16xf32>,
        %mul3A_2024 = arith.mulf %get3A_2016, %get3A_2002 : vector<16xf32>
        %mul3A_2025 = arith.mulf %get3A_2023, %get3A_2009 : vector<16xf32>
        %add3A_2026 = arith.addf %mul3A_2024, %mul3A_2025 : vector<16xf32>
        %mul3A_2027 = arith.mulf %get3A_1988, %add3A_2026 : vector<16xf32>
        %mul3A_2028 = arith.mulf %get3A_2016, %get3A_2009 : vector<16xf32>
        %mul3A_2029 = arith.mulf %get3A_2023, %get3A_2002 : vector<16xf32>
        %sub3A_2030 = arith.subf %mul3A_2028, %mul3A_2029 : vector<16xf32>
        %mul3A_2031 = arith.mulf %get3A_1995, %sub3A_2030 : vector<16xf32>
        %add3A_2032 = arith.addf %mul3A_2027, %mul3A_2031 : vector<16xf32>
        %add3A_2033 = arith.addf %add3A_1981, %add3A_2032 : vector<16xf32>
        %mul3A_2034 = arith.constant 16 : i32
        %mul3A_2035 = arith.muli %scan3A_34, %mul3A_2034 : i32
        %add3A_2036 = arith.constant 9 : i32
        %add3A_2037 = arith.addi %mul3A_2035, %add3A_2036 : i32
        %get3A_2038 = arith.index_cast %add3A_2037 : i32 to index
        %get3A_2039 = arith.constant 32 : index
        %get3A_2040 = tpu.vector_load %arg11[%get3A_2038, %get3A_2039] {strides = array<i32>} : memref<128x128xf32, #tpu.memory_space<vmem>>, vector<16xf32>,
        %mul3A_2041 = arith.constant 16 : i32
        %mul3A_2042 = arith.muli %scan3A_34, %mul3A_2041 : i32
        %add3A_2043 = arith.constant 9 : i32
        %add3A_2044 = arith.addi %mul3A_2042, %add3A_2043 : i32
        %get3A_2045 = arith.index_cast %add3A_2044 : i32 to index
        %get3A_2046 = arith.constant 96 : index
        %get3A_2047 = tpu.vector_load %arg11[%get3A_2045, %get3A_2046] {strides = array<i32>} : memref<128x128xf32, #tpu.memory_space<vmem>>, vector<16xf32>,
        %mul3A_2048 = arith.constant 16 : i32
        %mul3A_2049 = arith.muli %scan3A_34, %mul3A_2048 : i32
        %add3A_2050 = arith.constant 9 : i32
        %add3A_2051 = arith.addi %mul3A_2049, %add3A_2050 : i32
        %get3A_2052 = arith.index_cast %add3A_2051 : i32 to index
        %get3A_2053 = arith.constant 32 : index
        %get3A_2054 = tpu.vector_load %arg12[%get3A_2052, %get3A_2053] {strides = array<i32>} : memref<128x128xf32, #tpu.memory_space<vmem>>, vector<16xf32>,
        %mul3A_2055 = arith.constant 16 : i32
        %mul3A_2056 = arith.muli %scan3A_34, %mul3A_2055 : i32
        %add3A_2057 = arith.constant 9 : i32
        %add3A_2058 = arith.addi %mul3A_2056, %add3A_2057 : i32
        %get3A_2059 = arith.index_cast %add3A_2058 : i32 to index
        %get3A_2060 = arith.constant 96 : index
        %get3A_2061 = tpu.vector_load %arg12[%get3A_2059, %get3A_2060] {strides = array<i32>} : memref<128x128xf32, #tpu.memory_space<vmem>>, vector<16xf32>,
        %mul3A_2062 = arith.constant 16 : i32
        %mul3A_2063 = arith.muli %scan3A_34, %mul3A_2062 : i32
        %add3A_2064 = arith.constant 9 : i32
        %add3A_2065 = arith.addi %mul3A_2063, %add3A_2064 : i32
        %get3A_2066 = arith.index_cast %add3A_2065 : i32 to index
        %get3A_2067 = arith.constant 32 : index
        %get3A_2068 = tpu.vector_load %arg13[%get3A_2066, %get3A_2067] {strides = array<i32>} : memref<128x128xf32, #tpu.memory_space<vmem>>, vector<16xf32>,
        %mul3A_2069 = arith.constant 16 : i32
        %mul3A_2070 = arith.muli %scan3A_34, %mul3A_2069 : i32
        %add3A_2071 = arith.constant 9 : i32
        %add3A_2072 = arith.addi %mul3A_2070, %add3A_2071 : i32
        %get3A_2073 = arith.index_cast %add3A_2072 : i32 to index
        %get3A_2074 = arith.constant 96 : index
        %get3A_2075 = tpu.vector_load %arg13[%get3A_2073, %get3A_2074] {strides = array<i32>} : memref<128x128xf32, #tpu.memory_space<vmem>>, vector<16xf32>,
        %mul3A_2076 = arith.mulf %get3A_2068, %get3A_2054 : vector<16xf32>
        %mul3A_2077 = arith.mulf %get3A_2075, %get3A_2061 : vector<16xf32>
        %add3A_2078 = arith.addf %mul3A_2076, %mul3A_2077 : vector<16xf32>
        %mul3A_2079 = arith.mulf %get3A_2040, %add3A_2078 : vector<16xf32>
        %mul3A_2080 = arith.mulf %get3A_2068, %get3A_2061 : vector<16xf32>
        %mul3A_2081 = arith.mulf %get3A_2075, %get3A_2054 : vector<16xf32>
        %sub3A_2082 = arith.subf %mul3A_2080, %mul3A_2081 : vector<16xf32>
        %mul3A_2083 = arith.mulf %get3A_2047, %sub3A_2082 : vector<16xf32>
        %add3A_2084 = arith.addf %mul3A_2079, %mul3A_2083 : vector<16xf32>
        %add3A_2085 = arith.addf %add3A_2033, %add3A_2084 : vector<16xf32>
        %mul3A_2086 = arith.constant 16 : i32
        %mul3A_2087 = arith.muli %scan3A_34, %mul3A_2086 : i32
        %add3A_2088 = arith.constant 9 : i32
        %add3A_2089 = arith.addi %mul3A_2087, %add3A_2088 : i32
        %get3A_2090 = arith.index_cast %add3A_2089 : i32 to index
        %get3A_2091 = arith.constant 48 : index
        %get3A_2092 = tpu.vector_load %arg11[%get3A_2090, %get3A_2091] {strides = array<i32>} : memref<128x128xf32, #tpu.memory_space<vmem>>, vector<16xf32>,
        %mul3A_2093 = arith.constant 16 : i32
        %mul3A_2094 = arith.muli %scan3A_34, %mul3A_2093 : i32
        %add3A_2095 = arith.constant 9 : i32
        %add3A_2096 = arith.addi %mul3A_2094, %add3A_2095 : i32
        %get3A_2097 = arith.index_cast %add3A_2096 : i32 to index
        %get3A_2098 = arith.constant 112 : index
        %get3A_2099 = tpu.vector_load %arg11[%get3A_2097, %get3A_2098] {strides = array<i32>} : memref<128x128xf32, #tpu.memory_space<vmem>>, vector<16xf32>,
        %mul3A_2100 = arith.constant 16 : i32
        %mul3A_2101 = arith.muli %scan3A_34, %mul3A_2100 : i32
        %add3A_2102 = arith.constant 9 : i32
        %add3A_2103 = arith.addi %mul3A_2101, %add3A_2102 : i32
        %get3A_2104 = arith.index_cast %add3A_2103 : i32 to index
        %get3A_2105 = arith.constant 48 : index
        %get3A_2106 = tpu.vector_load %arg12[%get3A_2104, %get3A_2105] {strides = array<i32>} : memref<128x128xf32, #tpu.memory_space<vmem>>, vector<16xf32>,
        %mul3A_2107 = arith.constant 16 : i32
        %mul3A_2108 = arith.muli %scan3A_34, %mul3A_2107 : i32
        %add3A_2109 = arith.constant 9 : i32
        %add3A_2110 = arith.addi %mul3A_2108, %add3A_2109 : i32
        %get3A_2111 = arith.index_cast %add3A_2110 : i32 to index
        %get3A_2112 = arith.constant 112 : index
        %get3A_2113 = tpu.vector_load %arg12[%get3A_2111, %get3A_2112] {strides = array<i32>} : memref<128x128xf32, #tpu.memory_space<vmem>>, vector<16xf32>,
        %mul3A_2114 = arith.constant 16 : i32
        %mul3A_2115 = arith.muli %scan3A_34, %mul3A_2114 : i32
        %add3A_2116 = arith.constant 9 : i32
        %add3A_2117 = arith.addi %mul3A_2115, %add3A_2116 : i32
        %get3A_2118 = arith.index_cast %add3A_2117 : i32 to index
        %get3A_2119 = arith.constant 48 : index
        %get3A_2120 = tpu.vector_load %arg13[%get3A_2118, %get3A_2119] {strides = array<i32>} : memref<128x128xf32, #tpu.memory_space<vmem>>, vector<16xf32>,
        %mul3A_2121 = arith.constant 16 : i32
        %mul3A_2122 = arith.muli %scan3A_34, %mul3A_2121 : i32
        %add3A_2123 = arith.constant 9 : i32
        %add3A_2124 = arith.addi %mul3A_2122, %add3A_2123 : i32
        %get3A_2125 = arith.index_cast %add3A_2124 : i32 to index
        %get3A_2126 = arith.constant 112 : index
        %get3A_2127 = tpu.vector_load %arg13[%get3A_2125, %get3A_2126] {strides = array<i32>} : memref<128x128xf32, #tpu.memory_space<vmem>>, vector<16xf32>,
        %mul3A_2128 = arith.mulf %get3A_2120, %get3A_2106 : vector<16xf32>
        %mul3A_2129 = arith.mulf %get3A_2127, %get3A_2113 : vector<16xf32>
        %add3A_2130 = arith.addf %mul3A_2128, %mul3A_2129 : vector<16xf32>
        %mul3A_2131 = arith.mulf %get3A_2092, %add3A_2130 : vector<16xf32>
        %mul3A_2132 = arith.mulf %get3A_2120, %get3A_2113 : vector<16xf32>
        %mul3A_2133 = arith.mulf %get3A_2127, %get3A_2106 : vector<16xf32>
        %sub3A_2134 = arith.subf %mul3A_2132, %mul3A_2133 : vector<16xf32>
        %mul3A_2135 = arith.mulf %get3A_2099, %sub3A_2134 : vector<16xf32>
        %add3A_2136 = arith.addf %mul3A_2131, %mul3A_2135 : vector<16xf32>
        %add3A_2137 = arith.addf %add3A_2085, %add3A_2136 : vector<16xf32>
        %swap3A_2138 = arith.constant 9 : i32
        %swap3A_2139 = arith.index_cast %swap3A_2138 : i32 to index
        %swap3A_2140 = arith.constant 0 : index
        %swap3A_2141 = tpu.vector_load %arg14[%swap3A_2139, %swap3A_2140] {strides = array<i32>} : memref<16x16xf32, #tpu.memory_space<vmem>>, vector<16xf32>,
        tpu.vector_store %arg14[%swap3A_2139, %swap3A_2140], %add3A_2137 {strides = array<i32>} : memref<16x16xf32, #tpu.memory_space<vmem>>, vector<16xf32>,
        %mul3A_2142 = arith.constant 16 : i32
        %mul3A_2143 = arith.muli %scan3A_34, %mul3A_2142 : i32
        %add3A_2144 = arith.constant 10 : i32
        %add3A_2145 = arith.addi %mul3A_2143, %add3A_2144 : i32
        %get3A_2146 = arith.index_cast %add3A_2145 : i32 to index
        %get3A_2147 = arith.constant 0 : index
        %get3A_2148 = tpu.vector_load %arg11[%get3A_2146, %get3A_2147] {strides = array<i32>} : memref<128x128xf32, #tpu.memory_space<vmem>>, vector<16xf32>,
        %mul3A_2149 = arith.constant 16 : i32
        %mul3A_2150 = arith.muli %scan3A_34, %mul3A_2149 : i32
        %add3A_2151 = arith.constant 10 : i32
        %add3A_2152 = arith.addi %mul3A_2150, %add3A_2151 : i32
        %get3A_2153 = arith.index_cast %add3A_2152 : i32 to index
        %get3A_2154 = arith.constant 64 : index
        %get3A_2155 = tpu.vector_load %arg11[%get3A_2153, %get3A_2154] {strides = array<i32>} : memref<128x128xf32, #tpu.memory_space<vmem>>, vector<16xf32>,
        %mul3A_2156 = arith.constant 16 : i32
        %mul3A_2157 = arith.muli %scan3A_34, %mul3A_2156 : i32
        %add3A_2158 = arith.constant 10 : i32
        %add3A_2159 = arith.addi %mul3A_2157, %add3A_2158 : i32
        %get3A_2160 = arith.index_cast %add3A_2159 : i32 to index
        %get3A_2161 = arith.constant 0 : index
        %get3A_2162 = tpu.vector_load %arg12[%get3A_2160, %get3A_2161] {strides = array<i32>} : memref<128x128xf32, #tpu.memory_space<vmem>>, vector<16xf32>,
        %mul3A_2163 = arith.constant 16 : i32
        %mul3A_2164 = arith.muli %scan3A_34, %mul3A_2163 : i32
        %add3A_2165 = arith.constant 10 : i32
        %add3A_2166 = arith.addi %mul3A_2164, %add3A_2165 : i32
        %get3A_2167 = arith.index_cast %add3A_2166 : i32 to index
        %get3A_2168 = arith.constant 64 : index
        %get3A_2169 = tpu.vector_load %arg12[%get3A_2167, %get3A_2168] {strides = array<i32>} : memref<128x128xf32, #tpu.memory_space<vmem>>, vector<16xf32>,
        %mul3A_2170 = arith.constant 16 : i32
        %mul3A_2171 = arith.muli %scan3A_34, %mul3A_2170 : i32
        %add3A_2172 = arith.constant 10 : i32
        %add3A_2173 = arith.addi %mul3A_2171, %add3A_2172 : i32
        %get3A_2174 = arith.index_cast %add3A_2173 : i32 to index
        %get3A_2175 = arith.constant 0 : index
        %get3A_2176 = tpu.vector_load %arg13[%get3A_2174, %get3A_2175] {strides = array<i32>} : memref<128x128xf32, #tpu.memory_space<vmem>>, vector<16xf32>,
        %mul3A_2177 = arith.constant 16 : i32
        %mul3A_2178 = arith.muli %scan3A_34, %mul3A_2177 : i32
        %add3A_2179 = arith.constant 10 : i32
        %add3A_2180 = arith.addi %mul3A_2178, %add3A_2179 : i32
        %get3A_2181 = arith.index_cast %add3A_2180 : i32 to index
        %get3A_2182 = arith.constant 64 : index
        %get3A_2183 = tpu.vector_load %arg13[%get3A_2181, %get3A_2182] {strides = array<i32>} : memref<128x128xf32, #tpu.memory_space<vmem>>, vector<16xf32>,
        %mul3A_2184 = arith.mulf %get3A_2176, %get3A_2162 : vector<16xf32>
        %mul3A_2185 = arith.mulf %get3A_2183, %get3A_2169 : vector<16xf32>
        %add3A_2186 = arith.addf %mul3A_2184, %mul3A_2185 : vector<16xf32>
        %mul3A_2187 = arith.mulf %get3A_2148, %add3A_2186 : vector<16xf32>
        %mul3A_2188 = arith.mulf %get3A_2176, %get3A_2169 : vector<16xf32>
        %mul3A_2189 = arith.mulf %get3A_2183, %get3A_2162 : vector<16xf32>
        %sub3A_2190 = arith.subf %mul3A_2188, %mul3A_2189 : vector<16xf32>
        %mul3A_2191 = arith.mulf %get3A_2155, %sub3A_2190 : vector<16xf32>
        %add3A_2192 = arith.addf %mul3A_2187, %mul3A_2191 : vector<16xf32>
        %mul3A_2193 = arith.constant 16 : i32
        %mul3A_2194 = arith.muli %scan3A_34, %mul3A_2193 : i32
        %add3A_2195 = arith.constant 10 : i32
        %add3A_2196 = arith.addi %mul3A_2194, %add3A_2195 : i32
        %get3A_2197 = arith.index_cast %add3A_2196 : i32 to index
        %get3A_2198 = arith.constant 16 : index
        %get3A_2199 = tpu.vector_load %arg11[%get3A_2197, %get3A_2198] {strides = array<i32>} : memref<128x128xf32, #tpu.memory_space<vmem>>, vector<16xf32>,
        %mul3A_2200 = arith.constant 16 : i32
        %mul3A_2201 = arith.muli %scan3A_34, %mul3A_2200 : i32
        %add3A_2202 = arith.constant 10 : i32
        %add3A_2203 = arith.addi %mul3A_2201, %add3A_2202 : i32
        %get3A_2204 = arith.index_cast %add3A_2203 : i32 to index
        %get3A_2205 = arith.constant 80 : index
        %get3A_2206 = tpu.vector_load %arg11[%get3A_2204, %get3A_2205] {strides = array<i32>} : memref<128x128xf32, #tpu.memory_space<vmem>>, vector<16xf32>,
        %mul3A_2207 = arith.constant 16 : i32
        %mul3A_2208 = arith.muli %scan3A_34, %mul3A_2207 : i32
        %add3A_2209 = arith.constant 10 : i32
        %add3A_2210 = arith.addi %mul3A_2208, %add3A_2209 : i32
        %get3A_2211 = arith.index_cast %add3A_2210 : i32 to index
        %get3A_2212 = arith.constant 16 : index
        %get3A_2213 = tpu.vector_load %arg12[%get3A_2211, %get3A_2212] {strides = array<i32>} : memref<128x128xf32, #tpu.memory_space<vmem>>, vector<16xf32>,
        %mul3A_2214 = arith.constant 16 : i32
        %mul3A_2215 = arith.muli %scan3A_34, %mul3A_2214 : i32
        %add3A_2216 = arith.constant 10 : i32
        %add3A_2217 = arith.addi %mul3A_2215, %add3A_2216 : i32
        %get3A_2218 = arith.index_cast %add3A_2217 : i32 to index
        %get3A_2219 = arith.constant 80 : index
        %get3A_2220 = tpu.vector_load %arg12[%get3A_2218, %get3A_2219] {strides = array<i32>} : memref<128x128xf32, #tpu.memory_space<vmem>>, vector<16xf32>,
        %mul3A_2221 = arith.constant 16 : i32
        %mul3A_2222 = arith.muli %scan3A_34, %mul3A_2221 : i32
        %add3A_2223 = arith.constant 10 : i32
        %add3A_2224 = arith.addi %mul3A_2222, %add3A_2223 : i32
        %get3A_2225 = arith.index_cast %add3A_2224 : i32 to index
        %get3A_2226 = arith.constant 16 : index
        %get3A_2227 = tpu.vector_load %arg13[%get3A_2225, %get3A_2226] {strides = array<i32>} : memref<128x128xf32, #tpu.memory_space<vmem>>, vector<16xf32>,
        %mul3A_2228 = arith.constant 16 : i32
        %mul3A_2229 = arith.muli %scan3A_34, %mul3A_2228 : i32
        %add3A_2230 = arith.constant 10 : i32
        %add3A_2231 = arith.addi %mul3A_2229, %add3A_2230 : i32
        %get3A_2232 = arith.index_cast %add3A_2231 : i32 to index
        %get3A_2233 = arith.constant 80 : index
        %get3A_2234 = tpu.vector_load %arg13[%get3A_2232, %get3A_2233] {strides = array<i32>} : memref<128x128xf32, #tpu.memory_space<vmem>>, vector<16xf32>,
        %mul3A_2235 = arith.mulf %get3A_2227, %get3A_2213 : vector<16xf32>
        %mul3A_2236 = arith.mulf %get3A_2234, %get3A_2220 : vector<16xf32>
        %add3A_2237 = arith.addf %mul3A_2235, %mul3A_2236 : vector<16xf32>
        %mul3A_2238 = arith.mulf %get3A_2199, %add3A_2237 : vector<16xf32>
        %mul3A_2239 = arith.mulf %get3A_2227, %get3A_2220 : vector<16xf32>
        %mul3A_2240 = arith.mulf %get3A_2234, %get3A_2213 : vector<16xf32>
        %sub3A_2241 = arith.subf %mul3A_2239, %mul3A_2240 : vector<16xf32>
        %mul3A_2242 = arith.mulf %get3A_2206, %sub3A_2241 : vector<16xf32>
        %add3A_2243 = arith.addf %mul3A_2238, %mul3A_2242 : vector<16xf32>
        %add3A_2244 = arith.addf %add3A_2192, %add3A_2243 : vector<16xf32>
        %mul3A_2245 = arith.constant 16 : i32
        %mul3A_2246 = arith.muli %scan3A_34, %mul3A_2245 : i32
        %add3A_2247 = arith.constant 10 : i32
        %add3A_2248 = arith.addi %mul3A_2246, %add3A_2247 : i32
        %get3A_2249 = arith.index_cast %add3A_2248 : i32 to index
        %get3A_2250 = arith.constant 32 : index
        %get3A_2251 = tpu.vector_load %arg11[%get3A_2249, %get3A_2250] {strides = array<i32>} : memref<128x128xf32, #tpu.memory_space<vmem>>, vector<16xf32>,
        %mul3A_2252 = arith.constant 16 : i32
        %mul3A_2253 = arith.muli %scan3A_34, %mul3A_2252 : i32
        %add3A_2254 = arith.constant 10 : i32
        %add3A_2255 = arith.addi %mul3A_2253, %add3A_2254 : i32
        %get3A_2256 = arith.index_cast %add3A_2255 : i32 to index
        %get3A_2257 = arith.constant 96 : index
        %get3A_2258 = tpu.vector_load %arg11[%get3A_2256, %get3A_2257] {strides = array<i32>} : memref<128x128xf32, #tpu.memory_space<vmem>>, vector<16xf32>,
        %mul3A_2259 = arith.constant 16 : i32
        %mul3A_2260 = arith.muli %scan3A_34, %mul3A_2259 : i32
        %add3A_2261 = arith.constant 10 : i32
        %add3A_2262 = arith.addi %mul3A_2260, %add3A_2261 : i32
        %get3A_2263 = arith.index_cast %add3A_2262 : i32 to index
        %get3A_2264 = arith.constant 32 : index
        %get3A_2265 = tpu.vector_load %arg12[%get3A_2263, %get3A_2264] {strides = array<i32>} : memref<128x128xf32, #tpu.memory_space<vmem>>, vector<16xf32>,
        %mul3A_2266 = arith.constant 16 : i32
        %mul3A_2267 = arith.muli %scan3A_34, %mul3A_2266 : i32
        %add3A_2268 = arith.constant 10 : i32
        %add3A_2269 = arith.addi %mul3A_2267, %add3A_2268 : i32
        %get3A_2270 = arith.index_cast %add3A_2269 : i32 to index
        %get3A_2271 = arith.constant 96 : index
        %get3A_2272 = tpu.vector_load %arg12[%get3A_2270, %get3A_2271] {strides = array<i32>} : memref<128x128xf32, #tpu.memory_space<vmem>>, vector<16xf32>,
        %mul3A_2273 = arith.constant 16 : i32
        %mul3A_2274 = arith.muli %scan3A_34, %mul3A_2273 : i32
        %add3A_2275 = arith.constant 10 : i32
        %add3A_2276 = arith.addi %mul3A_2274, %add3A_2275 : i32
        %get3A_2277 = arith.index_cast %add3A_2276 : i32 to index
        %get3A_2278 = arith.constant 32 : index
        %get3A_2279 = tpu.vector_load %arg13[%get3A_2277, %get3A_2278] {strides = array<i32>} : memref<128x128xf32, #tpu.memory_space<vmem>>, vector<16xf32>,
        %mul3A_2280 = arith.constant 16 : i32
        %mul3A_2281 = arith.muli %scan3A_34, %mul3A_2280 : i32
        %add3A_2282 = arith.constant 10 : i32
        %add3A_2283 = arith.addi %mul3A_2281, %add3A_2282 : i32
        %get3A_2284 = arith.index_cast %add3A_2283 : i32 to index
        %get3A_2285 = arith.constant 96 : index
        %get3A_2286 = tpu.vector_load %arg13[%get3A_2284, %get3A_2285] {strides = array<i32>} : memref<128x128xf32, #tpu.memory_space<vmem>>, vector<16xf32>,
        %mul3A_2287 = arith.mulf %get3A_2279, %get3A_2265 : vector<16xf32>
        %mul3A_2288 = arith.mulf %get3A_2286, %get3A_2272 : vector<16xf32>
        %add3A_2289 = arith.addf %mul3A_2287, %mul3A_2288 : vector<16xf32>
        %mul3A_2290 = arith.mulf %get3A_2251, %add3A_2289 : vector<16xf32>
        %mul3A_2291 = arith.mulf %get3A_2279, %get3A_2272 : vector<16xf32>
        %mul3A_2292 = arith.mulf %get3A_2286, %get3A_2265 : vector<16xf32>
        %sub3A_2293 = arith.subf %mul3A_2291, %mul3A_2292 : vector<16xf32>
        %mul3A_2294 = arith.mulf %get3A_2258, %sub3A_2293 : vector<16xf32>
        %add3A_2295 = arith.addf %mul3A_2290, %mul3A_2294 : vector<16xf32>
        %add3A_2296 = arith.addf %add3A_2244, %add3A_2295 : vector<16xf32>
        %mul3A_2297 = arith.constant 16 : i32
        %mul3A_2298 = arith.muli %scan3A_34, %mul3A_2297 : i32
        %add3A_2299 = arith.constant 10 : i32
        %add3A_2300 = arith.addi %mul3A_2298, %add3A_2299 : i32
        %get3A_2301 = arith.index_cast %add3A_2300 : i32 to index
        %get3A_2302 = arith.constant 48 : index
        %get3A_2303 = tpu.vector_load %arg11[%get3A_2301, %get3A_2302] {strides = array<i32>} : memref<128x128xf32, #tpu.memory_space<vmem>>, vector<16xf32>,
        %mul3A_2304 = arith.constant 16 : i32
        %mul3A_2305 = arith.muli %scan3A_34, %mul3A_2304 : i32
        %add3A_2306 = arith.constant 10 : i32
        %add3A_2307 = arith.addi %mul3A_2305, %add3A_2306 : i32
        %get3A_2308 = arith.index_cast %add3A_2307 : i32 to index
        %get3A_2309 = arith.constant 112 : index
        %get3A_2310 = tpu.vector_load %arg11[%get3A_2308, %get3A_2309] {strides = array<i32>} : memref<128x128xf32, #tpu.memory_space<vmem>>, vector<16xf32>,
        %mul3A_2311 = arith.constant 16 : i32
        %mul3A_2312 = arith.muli %scan3A_34, %mul3A_2311 : i32
        %add3A_2313 = arith.constant 10 : i32
        %add3A_2314 = arith.addi %mul3A_2312, %add3A_2313 : i32
        %get3A_2315 = arith.index_cast %add3A_2314 : i32 to index
        %get3A_2316 = arith.constant 48 : index
        %get3A_2317 = tpu.vector_load %arg12[%get3A_2315, %get3A_2316] {strides = array<i32>} : memref<128x128xf32, #tpu.memory_space<vmem>>, vector<16xf32>,
        %mul3A_2318 = arith.constant 16 : i32
        %mul3A_2319 = arith.muli %scan3A_34, %mul3A_2318 : i32
        %add3A_2320 = arith.constant 10 : i32
        %add3A_2321 = arith.addi %mul3A_2319, %add3A_2320 : i32
        %get3A_2322 = arith.index_cast %add3A_2321 : i32 to index
        %get3A_2323 = arith.constant 112 : index
        %get3A_2324 = tpu.vector_load %arg12[%get3A_2322, %get3A_2323] {strides = array<i32>} : memref<128x128xf32, #tpu.memory_space<vmem>>, vector<16xf32>,
        %mul3A_2325 = arith.constant 16 : i32
        %mul3A_2326 = arith.muli %scan3A_34, %mul3A_2325 : i32
        %add3A_2327 = arith.constant 10 : i32
        %add3A_2328 = arith.addi %mul3A_2326, %add3A_2327 : i32
        %get3A_2329 = arith.index_cast %add3A_2328 : i32 to index
        %get3A_2330 = arith.constant 48 : index
        %get3A_2331 = tpu.vector_load %arg13[%get3A_2329, %get3A_2330] {strides = array<i32>} : memref<128x128xf32, #tpu.memory_space<vmem>>, vector<16xf32>,
        %mul3A_2332 = arith.constant 16 : i32
        %mul3A_2333 = arith.muli %scan3A_34, %mul3A_2332 : i32
        %add3A_2334 = arith.constant 10 : i32
        %add3A_2335 = arith.addi %mul3A_2333, %add3A_2334 : i32
        %get3A_2336 = arith.index_cast %add3A_2335 : i32 to index
        %get3A_2337 = arith.constant 112 : index
        %get3A_2338 = tpu.vector_load %arg13[%get3A_2336, %get3A_2337] {strides = array<i32>} : memref<128x128xf32, #tpu.memory_space<vmem>>, vector<16xf32>,
        %mul3A_2339 = arith.mulf %get3A_2331, %get3A_2317 : vector<16xf32>
        %mul3A_2340 = arith.mulf %get3A_2338, %get3A_2324 : vector<16xf32>
        %add3A_2341 = arith.addf %mul3A_2339, %mul3A_2340 : vector<16xf32>
        %mul3A_2342 = arith.mulf %get3A_2303, %add3A_2341 : vector<16xf32>
        %mul3A_2343 = arith.mulf %get3A_2331, %get3A_2324 : vector<16xf32>
        %mul3A_2344 = arith.mulf %get3A_2338, %get3A_2317 : vector<16xf32>
        %sub3A_2345 = arith.subf %mul3A_2343, %mul3A_2344 : vector<16xf32>
        %mul3A_2346 = arith.mulf %get3A_2310, %sub3A_2345 : vector<16xf32>
        %add3A_2347 = arith.addf %mul3A_2342, %mul3A_2346 : vector<16xf32>
        %add3A_2348 = arith.addf %add3A_2296, %add3A_2347 : vector<16xf32>
        %swap3A_2349 = arith.constant 10 : i32
        %swap3A_2350 = arith.index_cast %swap3A_2349 : i32 to index
        %swap3A_2351 = arith.constant 0 : index
        %swap3A_2352 = tpu.vector_load %arg14[%swap3A_2350, %swap3A_2351] {strides = array<i32>} : memref<16x16xf32, #tpu.memory_space<vmem>>, vector<16xf32>,
        tpu.vector_store %arg14[%swap3A_2350, %swap3A_2351], %add3A_2348 {strides = array<i32>} : memref<16x16xf32, #tpu.memory_space<vmem>>, vector<16xf32>,
        %mul3A_2353 = arith.constant 16 : i32
        %mul3A_2354 = arith.muli %scan3A_34, %mul3A_2353 : i32
        %add3A_2355 = arith.constant 11 : i32
        %add3A_2356 = arith.addi %mul3A_2354, %add3A_2355 : i32
        %get3A_2357 = arith.index_cast %add3A_2356 : i32 to index
        %get3A_2358 = arith.constant 0 : index
        %get3A_2359 = tpu.vector_load %arg11[%get3A_2357, %get3A_2358] {strides = array<i32>} : memref<128x128xf32, #tpu.memory_space<vmem>>, vector<16xf32>,
        %mul3A_2360 = arith.constant 16 : i32
        %mul3A_2361 = arith.muli %scan3A_34, %mul3A_2360 : i32
        %add3A_2362 = arith.constant 11 : i32
        %add3A_2363 = arith.addi %mul3A_2361, %add3A_2362 : i32
        %get3A_2364 = arith.index_cast %add3A_2363 : i32 to index
        %get3A_2365 = arith.constant 64 : index
        %get3A_2366 = tpu.vector_load %arg11[%get3A_2364, %get3A_2365] {strides = array<i32>} : memref<128x128xf32, #tpu.memory_space<vmem>>, vector<16xf32>,
        %mul3A_2367 = arith.constant 16 : i32
        %mul3A_2368 = arith.muli %scan3A_34, %mul3A_2367 : i32
        %add3A_2369 = arith.constant 11 : i32
        %add3A_2370 = arith.addi %mul3A_2368, %add3A_2369 : i32
        %get3A_2371 = arith.index_cast %add3A_2370 : i32 to index
        %get3A_2372 = arith.constant 0 : index
        %get3A_2373 = tpu.vector_load %arg12[%get3A_2371, %get3A_2372] {strides = array<i32>} : memref<128x128xf32, #tpu.memory_space<vmem>>, vector<16xf32>,
        %mul3A_2374 = arith.constant 16 : i32
        %mul3A_2375 = arith.muli %scan3A_34, %mul3A_2374 : i32
        %add3A_2376 = arith.constant 11 : i32
        %add3A_2377 = arith.addi %mul3A_2375, %add3A_2376 : i32
        %get3A_2378 = arith.index_cast %add3A_2377 : i32 to index
        %get3A_2379 = arith.constant 64 : index
        %get3A_2380 = tpu.vector_load %arg12[%get3A_2378, %get3A_2379] {strides = array<i32>} : memref<128x128xf32, #tpu.memory_space<vmem>>, vector<16xf32>,
        %mul3A_2381 = arith.constant 16 : i32
        %mul3A_2382 = arith.muli %scan3A_34, %mul3A_2381 : i32
        %add3A_2383 = arith.constant 11 : i32
        %add3A_2384 = arith.addi %mul3A_2382, %add3A_2383 : i32
        %get3A_2385 = arith.index_cast %add3A_2384 : i32 to index
        %get3A_2386 = arith.constant 0 : index
        %get3A_2387 = tpu.vector_load %arg13[%get3A_2385, %get3A_2386] {strides = array<i32>} : memref<128x128xf32, #tpu.memory_space<vmem>>, vector<16xf32>,
        %mul3A_2388 = arith.constant 16 : i32
        %mul3A_2389 = arith.muli %scan3A_34, %mul3A_2388 : i32
        %add3A_2390 = arith.constant 11 : i32
        %add3A_2391 = arith.addi %mul3A_2389, %add3A_2390 : i32
        %get3A_2392 = arith.index_cast %add3A_2391 : i32 to index
        %get3A_2393 = arith.constant 64 : index
        %get3A_2394 = tpu.vector_load %arg13[%get3A_2392, %get3A_2393] {strides = array<i32>} : memref<128x128xf32, #tpu.memory_space<vmem>>, vector<16xf32>,
        %mul3A_2395 = arith.mulf %get3A_2387, %get3A_2373 : vector<16xf32>
        %mul3A_2396 = arith.mulf %get3A_2394, %get3A_2380 : vector<16xf32>
        %add3A_2397 = arith.addf %mul3A_2395, %mul3A_2396 : vector<16xf32>
        %mul3A_2398 = arith.mulf %get3A_2359, %add3A_2397 : vector<16xf32>
        %mul3A_2399 = arith.mulf %get3A_2387, %get3A_2380 : vector<16xf32>
        %mul3A_2400 = arith.mulf %get3A_2394, %get3A_2373 : vector<16xf32>
        %sub3A_2401 = arith.subf %mul3A_2399, %mul3A_2400 : vector<16xf32>
        %mul3A_2402 = arith.mulf %get3A_2366, %sub3A_2401 : vector<16xf32>
        %add3A_2403 = arith.addf %mul3A_2398, %mul3A_2402 : vector<16xf32>
        %mul3A_2404 = arith.constant 16 : i32
        %mul3A_2405 = arith.muli %scan3A_34, %mul3A_2404 : i32
        %add3A_2406 = arith.constant 11 : i32
        %add3A_2407 = arith.addi %mul3A_2405, %add3A_2406 : i32
        %get3A_2408 = arith.index_cast %add3A_2407 : i32 to index
        %get3A_2409 = arith.constant 16 : index
        %get3A_2410 = tpu.vector_load %arg11[%get3A_2408, %get3A_2409] {strides = array<i32>} : memref<128x128xf32, #tpu.memory_space<vmem>>, vector<16xf32>,
        %mul3A_2411 = arith.constant 16 : i32
        %mul3A_2412 = arith.muli %scan3A_34, %mul3A_2411 : i32
        %add3A_2413 = arith.constant 11 : i32
        %add3A_2414 = arith.addi %mul3A_2412, %add3A_2413 : i32
        %get3A_2415 = arith.index_cast %add3A_2414 : i32 to index
        %get3A_2416 = arith.constant 80 : index
        %get3A_2417 = tpu.vector_load %arg11[%get3A_2415, %get3A_2416] {strides = array<i32>} : memref<128x128xf32, #tpu.memory_space<vmem>>, vector<16xf32>,
        %mul3A_2418 = arith.constant 16 : i32
        %mul3A_2419 = arith.muli %scan3A_34, %mul3A_2418 : i32
        %add3A_2420 = arith.constant 11 : i32
        %add3A_2421 = arith.addi %mul3A_2419, %add3A_2420 : i32
        %get3A_2422 = arith.index_cast %add3A_2421 : i32 to index
        %get3A_2423 = arith.constant 16 : index
        %get3A_2424 = tpu.vector_load %arg12[%get3A_2422, %get3A_2423] {strides = array<i32>} : memref<128x128xf32, #tpu.memory_space<vmem>>, vector<16xf32>,
        %mul3A_2425 = arith.constant 16 : i32
        %mul3A_2426 = arith.muli %scan3A_34, %mul3A_2425 : i32
        %add3A_2427 = arith.constant 11 : i32
        %add3A_2428 = arith.addi %mul3A_2426, %add3A_2427 : i32
        %get3A_2429 = arith.index_cast %add3A_2428 : i32 to index
        %get3A_2430 = arith.constant 80 : index
        %get3A_2431 = tpu.vector_load %arg12[%get3A_2429, %get3A_2430] {strides = array<i32>} : memref<128x128xf32, #tpu.memory_space<vmem>>, vector<16xf32>,
        %mul3A_2432 = arith.constant 16 : i32
        %mul3A_2433 = arith.muli %scan3A_34, %mul3A_2432 : i32
        %add3A_2434 = arith.constant 11 : i32
        %add3A_2435 = arith.addi %mul3A_2433, %add3A_2434 : i32
        %get3A_2436 = arith.index_cast %add3A_2435 : i32 to index
        %get3A_2437 = arith.constant 16 : index
        %get3A_2438 = tpu.vector_load %arg13[%get3A_2436, %get3A_2437] {strides = array<i32>} : memref<128x128xf32, #tpu.memory_space<vmem>>, vector<16xf32>,
        %mul3A_2439 = arith.constant 16 : i32
        %mul3A_2440 = arith.muli %scan3A_34, %mul3A_2439 : i32
        %add3A_2441 = arith.constant 11 : i32
        %add3A_2442 = arith.addi %mul3A_2440, %add3A_2441 : i32
        %get3A_2443 = arith.index_cast %add3A_2442 : i32 to index
        %get3A_2444 = arith.constant 80 : index
        %get3A_2445 = tpu.vector_load %arg13[%get3A_2443, %get3A_2444] {strides = array<i32>} : memref<128x128xf32, #tpu.memory_space<vmem>>, vector<16xf32>,
        %mul3A_2446 = arith.mulf %get3A_2438, %get3A_2424 : vector<16xf32>
        %mul3A_2447 = arith.mulf %get3A_2445, %get3A_2431 : vector<16xf32>
        %add3A_2448 = arith.addf %mul3A_2446, %mul3A_2447 : vector<16xf32>
        %mul3A_2449 = arith.mulf %get3A_2410, %add3A_2448 : vector<16xf32>
        %mul3A_2450 = arith.mulf %get3A_2438, %get3A_2431 : vector<16xf32>
        %mul3A_2451 = arith.mulf %get3A_2445, %get3A_2424 : vector<16xf32>
        %sub3A_2452 = arith.subf %mul3A_2450, %mul3A_2451 : vector<16xf32>
        %mul3A_2453 = arith.mulf %get3A_2417, %sub3A_2452 : vector<16xf32>
        %add3A_2454 = arith.addf %mul3A_2449, %mul3A_2453 : vector<16xf32>
        %add3A_2455 = arith.addf %add3A_2403, %add3A_2454 : vector<16xf32>
        %mul3A_2456 = arith.constant 16 : i32
        %mul3A_2457 = arith.muli %scan3A_34, %mul3A_2456 : i32
        %add3A_2458 = arith.constant 11 : i32
        %add3A_2459 = arith.addi %mul3A_2457, %add3A_2458 : i32
        %get3A_2460 = arith.index_cast %add3A_2459 : i32 to index
        %get3A_2461 = arith.constant 32 : index
        %get3A_2462 = tpu.vector_load %arg11[%get3A_2460, %get3A_2461] {strides = array<i32>} : memref<128x128xf32, #tpu.memory_space<vmem>>, vector<16xf32>,
        %mul3A_2463 = arith.constant 16 : i32
        %mul3A_2464 = arith.muli %scan3A_34, %mul3A_2463 : i32
        %add3A_2465 = arith.constant 11 : i32
        %add3A_2466 = arith.addi %mul3A_2464, %add3A_2465 : i32
        %get3A_2467 = arith.index_cast %add3A_2466 : i32 to index
        %get3A_2468 = arith.constant 96 : index
        %get3A_2469 = tpu.vector_load %arg11[%get3A_2467, %get3A_2468] {strides = array<i32>} : memref<128x128xf32, #tpu.memory_space<vmem>>, vector<16xf32>,
        %mul3A_2470 = arith.constant 16 : i32
        %mul3A_2471 = arith.muli %scan3A_34, %mul3A_2470 : i32
        %add3A_2472 = arith.constant 11 : i32
        %add3A_2473 = arith.addi %mul3A_2471, %add3A_2472 : i32
        %get3A_2474 = arith.index_cast %add3A_2473 : i32 to index
        %get3A_2475 = arith.constant 32 : index
        %get3A_2476 = tpu.vector_load %arg12[%get3A_2474, %get3A_2475] {strides = array<i32>} : memref<128x128xf32, #tpu.memory_space<vmem>>, vector<16xf32>,
        %mul3A_2477 = arith.constant 16 : i32
        %mul3A_2478 = arith.muli %scan3A_34, %mul3A_2477 : i32
        %add3A_2479 = arith.constant 11 : i32
        %add3A_2480 = arith.addi %mul3A_2478, %add3A_2479 : i32
        %get3A_2481 = arith.index_cast %add3A_2480 : i32 to index
        %get3A_2482 = arith.constant 96 : index
        %get3A_2483 = tpu.vector_load %arg12[%get3A_2481, %get3A_2482] {strides = array<i32>} : memref<128x128xf32, #tpu.memory_space<vmem>>, vector<16xf32>,
        %mul3A_2484 = arith.constant 16 : i32
        %mul3A_2485 = arith.muli %scan3A_34, %mul3A_2484 : i32
        %add3A_2486 = arith.constant 11 : i32
        %add3A_2487 = arith.addi %mul3A_2485, %add3A_2486 : i32
        %get3A_2488 = arith.index_cast %add3A_2487 : i32 to index
        %get3A_2489 = arith.constant 32 : index
        %get3A_2490 = tpu.vector_load %arg13[%get3A_2488, %get3A_2489] {strides = array<i32>} : memref<128x128xf32, #tpu.memory_space<vmem>>, vector<16xf32>,
        %mul3A_2491 = arith.constant 16 : i32
        %mul3A_2492 = arith.muli %scan3A_34, %mul3A_2491 : i32
        %add3A_2493 = arith.constant 11 : i32
        %add3A_2494 = arith.addi %mul3A_2492, %add3A_2493 : i32
        %get3A_2495 = arith.index_cast %add3A_2494 : i32 to index
        %get3A_2496 = arith.constant 96 : index
        %get3A_2497 = tpu.vector_load %arg13[%get3A_2495, %get3A_2496] {strides = array<i32>} : memref<128x128xf32, #tpu.memory_space<vmem>>, vector<16xf32>,
        %mul3A_2498 = arith.mulf %get3A_2490, %get3A_2476 : vector<16xf32>
        %mul3A_2499 = arith.mulf %get3A_2497, %get3A_2483 : vector<16xf32>
        %add3A_2500 = arith.addf %mul3A_2498, %mul3A_2499 : vector<16xf32>
        %mul3A_2501 = arith.mulf %get3A_2462, %add3A_2500 : vector<16xf32>
        %mul3A_2502 = arith.mulf %get3A_2490, %get3A_2483 : vector<16xf32>
        %mul3A_2503 = arith.mulf %get3A_2497, %get3A_2476 : vector<16xf32>
        %sub3A_2504 = arith.subf %mul3A_2502, %mul3A_2503 : vector<16xf32>
        %mul3A_2505 = arith.mulf %get3A_2469, %sub3A_2504 : vector<16xf32>
        %add3A_2506 = arith.addf %mul3A_2501, %mul3A_2505 : vector<16xf32>
        %add3A_2507 = arith.addf %add3A_2455, %add3A_2506 : vector<16xf32>
        %mul3A_2508 = arith.constant 16 : i32
        %mul3A_2509 = arith.muli %scan3A_34, %mul3A_2508 : i32
        %add3A_2510 = arith.constant 11 : i32
        %add3A_2511 = arith.addi %mul3A_2509, %add3A_2510 : i32
        %get3A_2512 = arith.index_cast %add3A_2511 : i32 to index
        %get3A_2513 = arith.constant 48 : index
        %get3A_2514 = tpu.vector_load %arg11[%get3A_2512, %get3A_2513] {strides = array<i32>} : memref<128x128xf32, #tpu.memory_space<vmem>>, vector<16xf32>,
        %mul3A_2515 = arith.constant 16 : i32
        %mul3A_2516 = arith.muli %scan3A_34, %mul3A_2515 : i32
        %add3A_2517 = arith.constant 11 : i32
        %add3A_2518 = arith.addi %mul3A_2516, %add3A_2517 : i32
        %get3A_2519 = arith.index_cast %add3A_2518 : i32 to index
        %get3A_2520 = arith.constant 112 : index
        %get3A_2521 = tpu.vector_load %arg11[%get3A_2519, %get3A_2520] {strides = array<i32>} : memref<128x128xf32, #tpu.memory_space<vmem>>, vector<16xf32>,
        %mul3A_2522 = arith.constant 16 : i32
        %mul3A_2523 = arith.muli %scan3A_34, %mul3A_2522 : i32
        %add3A_2524 = arith.constant 11 : i32
        %add3A_2525 = arith.addi %mul3A_2523, %add3A_2524 : i32
        %get3A_2526 = arith.index_cast %add3A_2525 : i32 to index
        %get3A_2527 = arith.constant 48 : index
        %get3A_2528 = tpu.vector_load %arg12[%get3A_2526, %get3A_2527] {strides = array<i32>} : memref<128x128xf32, #tpu.memory_space<vmem>>, vector<16xf32>,
        %mul3A_2529 = arith.constant 16 : i32
        %mul3A_2530 = arith.muli %scan3A_34, %mul3A_2529 : i32
        %add3A_2531 = arith.constant 11 : i32
        %add3A_2532 = arith.addi %mul3A_2530, %add3A_2531 : i32
        %get3A_2533 = arith.index_cast %add3A_2532 : i32 to index
        %get3A_2534 = arith.constant 112 : index
        %get3A_2535 = tpu.vector_load %arg12[%get3A_2533, %get3A_2534] {strides = array<i32>} : memref<128x128xf32, #tpu.memory_space<vmem>>, vector<16xf32>,
        %mul3A_2536 = arith.constant 16 : i32
        %mul3A_2537 = arith.muli %scan3A_34, %mul3A_2536 : i32
        %add3A_2538 = arith.constant 11 : i32
        %add3A_2539 = arith.addi %mul3A_2537, %add3A_2538 : i32
        %get3A_2540 = arith.index_cast %add3A_2539 : i32 to index
        %get3A_2541 = arith.constant 48 : index
        %get3A_2542 = tpu.vector_load %arg13[%get3A_2540, %get3A_2541] {strides = array<i32>} : memref<128x128xf32, #tpu.memory_space<vmem>>, vector<16xf32>,
        %mul3A_2543 = arith.constant 16 : i32
        %mul3A_2544 = arith.muli %scan3A_34, %mul3A_2543 : i32
        %add3A_2545 = arith.constant 11 : i32
        %add3A_2546 = arith.addi %mul3A_2544, %add3A_2545 : i32
        %get3A_2547 = arith.index_cast %add3A_2546 : i32 to index
        %get3A_2548 = arith.constant 112 : index
        %get3A_2549 = tpu.vector_load %arg13[%get3A_2547, %get3A_2548] {strides = array<i32>} : memref<128x128xf32, #tpu.memory_space<vmem>>, vector<16xf32>,
        %mul3A_2550 = arith.mulf %get3A_2542, %get3A_2528 : vector<16xf32>
        %mul3A_2551 = arith.mulf %get3A_2549, %get3A_2535 : vector<16xf32>
        %add3A_2552 = arith.addf %mul3A_2550, %mul3A_2551 : vector<16xf32>
        %mul3A_2553 = arith.mulf %get3A_2514, %add3A_2552 : vector<16xf32>
        %mul3A_2554 = arith.mulf %get3A_2542, %get3A_2535 : vector<16xf32>
        %mul3A_2555 = arith.mulf %get3A_2549, %get3A_2528 : vector<16xf32>
        %sub3A_2556 = arith.subf %mul3A_2554, %mul3A_2555 : vector<16xf32>
        %mul3A_2557 = arith.mulf %get3A_2521, %sub3A_2556 : vector<16xf32>
        %add3A_2558 = arith.addf %mul3A_2553, %mul3A_2557 : vector<16xf32>
        %add3A_2559 = arith.addf %add3A_2507, %add3A_2558 : vector<16xf32>
        %swap3A_2560 = arith.constant 11 : i32
        %swap3A_2561 = arith.index_cast %swap3A_2560 : i32 to index
        %swap3A_2562 = arith.constant 0 : index
        %swap3A_2563 = tpu.vector_load %arg14[%swap3A_2561, %swap3A_2562] {strides = array<i32>} : memref<16x16xf32, #tpu.memory_space<vmem>>, vector<16xf32>,
        tpu.vector_store %arg14[%swap3A_2561, %swap3A_2562], %add3A_2559 {strides = array<i32>} : memref<16x16xf32, #tpu.memory_space<vmem>>, vector<16xf32>,
        %mul3A_2564 = arith.constant 16 : i32
        %mul3A_2565 = arith.muli %scan3A_34, %mul3A_2564 : i32
        %add3A_2566 = arith.constant 12 : i32
        %add3A_2567 = arith.addi %mul3A_2565, %add3A_2566 : i32
        %get3A_2568 = arith.index_cast %add3A_2567 : i32 to index
        %get3A_2569 = arith.constant 0 : index
        %get3A_2570 = tpu.vector_load %arg11[%get3A_2568, %get3A_2569] {strides = array<i32>} : memref<128x128xf32, #tpu.memory_space<vmem>>, vector<16xf32>,
        %mul3A_2571 = arith.constant 16 : i32
        %mul3A_2572 = arith.muli %scan3A_34, %mul3A_2571 : i32
        %add3A_2573 = arith.constant 12 : i32
        %add3A_2574 = arith.addi %mul3A_2572, %add3A_2573 : i32
        %get3A_2575 = arith.index_cast %add3A_2574 : i32 to index
        %get3A_2576 = arith.constant 64 : index
        %get3A_2577 = tpu.vector_load %arg11[%get3A_2575, %get3A_2576] {strides = array<i32>} : memref<128x128xf32, #tpu.memory_space<vmem>>, vector<16xf32>,
        %mul3A_2578 = arith.constant 16 : i32
        %mul3A_2579 = arith.muli %scan3A_34, %mul3A_2578 : i32
        %add3A_2580 = arith.constant 12 : i32
        %add3A_2581 = arith.addi %mul3A_2579, %add3A_2580 : i32
        %get3A_2582 = arith.index_cast %add3A_2581 : i32 to index
        %get3A_2583 = arith.constant 0 : index
        %get3A_2584 = tpu.vector_load %arg12[%get3A_2582, %get3A_2583] {strides = array<i32>} : memref<128x128xf32, #tpu.memory_space<vmem>>, vector<16xf32>,
        %mul3A_2585 = arith.constant 16 : i32
        %mul3A_2586 = arith.muli %scan3A_34, %mul3A_2585 : i32
        %add3A_2587 = arith.constant 12 : i32
        %add3A_2588 = arith.addi %mul3A_2586, %add3A_2587 : i32
        %get3A_2589 = arith.index_cast %add3A_2588 : i32 to index
        %get3A_2590 = arith.constant 64 : index
        %get3A_2591 = tpu.vector_load %arg12[%get3A_2589, %get3A_2590] {strides = array<i32>} : memref<128x128xf32, #tpu.memory_space<vmem>>, vector<16xf32>,
        %mul3A_2592 = arith.constant 16 : i32
        %mul3A_2593 = arith.muli %scan3A_34, %mul3A_2592 : i32
        %add3A_2594 = arith.constant 12 : i32
        %add3A_2595 = arith.addi %mul3A_2593, %add3A_2594 : i32
        %get3A_2596 = arith.index_cast %add3A_2595 : i32 to index
        %get3A_2597 = arith.constant 0 : index
        %get3A_2598 = tpu.vector_load %arg13[%get3A_2596, %get3A_2597] {strides = array<i32>} : memref<128x128xf32, #tpu.memory_space<vmem>>, vector<16xf32>,
        %mul3A_2599 = arith.constant 16 : i32
        %mul3A_2600 = arith.muli %scan3A_34, %mul3A_2599 : i32
        %add3A_2601 = arith.constant 12 : i32
        %add3A_2602 = arith.addi %mul3A_2600, %add3A_2601 : i32
        %get3A_2603 = arith.index_cast %add3A_2602 : i32 to index
        %get3A_2604 = arith.constant 64 : index
        %get3A_2605 = tpu.vector_load %arg13[%get3A_2603, %get3A_2604] {strides = array<i32>} : memref<128x128xf32, #tpu.memory_space<vmem>>, vector<16xf32>,
        %mul3A_2606 = arith.mulf %get3A_2598, %get3A_2584 : vector<16xf32>
        %mul3A_2607 = arith.mulf %get3A_2605, %get3A_2591 : vector<16xf32>
        %add3A_2608 = arith.addf %mul3A_2606, %mul3A_2607 : vector<16xf32>
        %mul3A_2609 = arith.mulf %get3A_2570, %add3A_2608 : vector<16xf32>
        %mul3A_2610 = arith.mulf %get3A_2598, %get3A_2591 : vector<16xf32>
        %mul3A_2611 = arith.mulf %get3A_2605, %get3A_2584 : vector<16xf32>
        %sub3A_2612 = arith.subf %mul3A_2610, %mul3A_2611 : vector<16xf32>
        %mul3A_2613 = arith.mulf %get3A_2577, %sub3A_2612 : vector<16xf32>
        %add3A_2614 = arith.addf %mul3A_2609, %mul3A_2613 : vector<16xf32>
        %mul3A_2615 = arith.constant 16 : i32
        %mul3A_2616 = arith.muli %scan3A_34, %mul3A_2615 : i32
        %add3A_2617 = arith.constant 12 : i32
        %add3A_2618 = arith.addi %mul3A_2616, %add3A_2617 : i32
        %get3A_2619 = arith.index_cast %add3A_2618 : i32 to index
        %get3A_2620 = arith.constant 16 : index
        %get3A_2621 = tpu.vector_load %arg11[%get3A_2619, %get3A_2620] {strides = array<i32>} : memref<128x128xf32, #tpu.memory_space<vmem>>, vector<16xf32>,
        %mul3A_2622 = arith.constant 16 : i32
        %mul3A_2623 = arith.muli %scan3A_34, %mul3A_2622 : i32
        %add3A_2624 = arith.constant 12 : i32
        %add3A_2625 = arith.addi %mul3A_2623, %add3A_2624 : i32
        %get3A_2626 = arith.index_cast %add3A_2625 : i32 to index
        %get3A_2627 = arith.constant 80 : index
        %get3A_2628 = tpu.vector_load %arg11[%get3A_2626, %get3A_2627] {strides = array<i32>} : memref<128x128xf32, #tpu.memory_space<vmem>>, vector<16xf32>,
        %mul3A_2629 = arith.constant 16 : i32
        %mul3A_2630 = arith.muli %scan3A_34, %mul3A_2629 : i32
        %add3A_2631 = arith.constant 12 : i32
        %add3A_2632 = arith.addi %mul3A_2630, %add3A_2631 : i32
        %get3A_2633 = arith.index_cast %add3A_2632 : i32 to index
        %get3A_2634 = arith.constant 16 : index
        %get3A_2635 = tpu.vector_load %arg12[%get3A_2633, %get3A_2634] {strides = array<i32>} : memref<128x128xf32, #tpu.memory_space<vmem>>, vector<16xf32>,
        %mul3A_2636 = arith.constant 16 : i32
        %mul3A_2637 = arith.muli %scan3A_34, %mul3A_2636 : i32
        %add3A_2638 = arith.constant 12 : i32
        %add3A_2639 = arith.addi %mul3A_2637, %add3A_2638 : i32
        %get3A_2640 = arith.index_cast %add3A_2639 : i32 to index
        %get3A_2641 = arith.constant 80 : index
        %get3A_2642 = tpu.vector_load %arg12[%get3A_2640, %get3A_2641] {strides = array<i32>} : memref<128x128xf32, #tpu.memory_space<vmem>>, vector<16xf32>,
        %mul3A_2643 = arith.constant 16 : i32
        %mul3A_2644 = arith.muli %scan3A_34, %mul3A_2643 : i32
        %add3A_2645 = arith.constant 12 : i32
        %add3A_2646 = arith.addi %mul3A_2644, %add3A_2645 : i32
        %get3A_2647 = arith.index_cast %add3A_2646 : i32 to index
        %get3A_2648 = arith.constant 16 : index
        %get3A_2649 = tpu.vector_load %arg13[%get3A_2647, %get3A_2648] {strides = array<i32>} : memref<128x128xf32, #tpu.memory_space<vmem>>, vector<16xf32>,
        %mul3A_2650 = arith.constant 16 : i32
        %mul3A_2651 = arith.muli %scan3A_34, %mul3A_2650 : i32
        %add3A_2652 = arith.constant 12 : i32
        %add3A_2653 = arith.addi %mul3A_2651, %add3A_2652 : i32
        %get3A_2654 = arith.index_cast %add3A_2653 : i32 to index
        %get3A_2655 = arith.constant 80 : index
        %get3A_2656 = tpu.vector_load %arg13[%get3A_2654, %get3A_2655] {strides = array<i32>} : memref<128x128xf32, #tpu.memory_space<vmem>>, vector<16xf32>,
        %mul3A_2657 = arith.mulf %get3A_2649, %get3A_2635 : vector<16xf32>
        %mul3A_2658 = arith.mulf %get3A_2656, %get3A_2642 : vector<16xf32>
        %add3A_2659 = arith.addf %mul3A_2657, %mul3A_2658 : vector<16xf32>
        %mul3A_2660 = arith.mulf %get3A_2621, %add3A_2659 : vector<16xf32>
        %mul3A_2661 = arith.mulf %get3A_2649, %get3A_2642 : vector<16xf32>
        %mul3A_2662 = arith.mulf %get3A_2656, %get3A_2635 : vector<16xf32>
        %sub3A_2663 = arith.subf %mul3A_2661, %mul3A_2662 : vector<16xf32>
        %mul3A_2664 = arith.mulf %get3A_2628, %sub3A_2663 : vector<16xf32>
        %add3A_2665 = arith.addf %mul3A_2660, %mul3A_2664 : vector<16xf32>
        %add3A_2666 = arith.addf %add3A_2614, %add3A_2665 : vector<16xf32>
        %mul3A_2667 = arith.constant 16 : i32
        %mul3A_2668 = arith.muli %scan3A_34, %mul3A_2667 : i32
        %add3A_2669 = arith.constant 12 : i32
        %add3A_2670 = arith.addi %mul3A_2668, %add3A_2669 : i32
        %get3A_2671 = arith.index_cast %add3A_2670 : i32 to index
        %get3A_2672 = arith.constant 32 : index
        %get3A_2673 = tpu.vector_load %arg11[%get3A_2671, %get3A_2672] {strides = array<i32>} : memref<128x128xf32, #tpu.memory_space<vmem>>, vector<16xf32>,
        %mul3A_2674 = arith.constant 16 : i32
        %mul3A_2675 = arith.muli %scan3A_34, %mul3A_2674 : i32
        %add3A_2676 = arith.constant 12 : i32
        %add3A_2677 = arith.addi %mul3A_2675, %add3A_2676 : i32
        %get3A_2678 = arith.index_cast %add3A_2677 : i32 to index
        %get3A_2679 = arith.constant 96 : index
        %get3A_2680 = tpu.vector_load %arg11[%get3A_2678, %get3A_2679] {strides = array<i32>} : memref<128x128xf32, #tpu.memory_space<vmem>>, vector<16xf32>,
        %mul3A_2681 = arith.constant 16 : i32
        %mul3A_2682 = arith.muli %scan3A_34, %mul3A_2681 : i32
        %add3A_2683 = arith.constant 12 : i32
        %add3A_2684 = arith.addi %mul3A_2682, %add3A_2683 : i32
        %get3A_2685 = arith.index_cast %add3A_2684 : i32 to index
        %get3A_2686 = arith.constant 32 : index
        %get3A_2687 = tpu.vector_load %arg12[%get3A_2685, %get3A_2686] {strides = array<i32>} : memref<128x128xf32, #tpu.memory_space<vmem>>, vector<16xf32>,
        %mul3A_2688 = arith.constant 16 : i32
        %mul3A_2689 = arith.muli %scan3A_34, %mul3A_2688 : i32
        %add3A_2690 = arith.constant 12 : i32
        %add3A_2691 = arith.addi %mul3A_2689, %add3A_2690 : i32
        %get3A_2692 = arith.index_cast %add3A_2691 : i32 to index
        %get3A_2693 = arith.constant 96 : index
        %get3A_2694 = tpu.vector_load %arg12[%get3A_2692, %get3A_2693] {strides = array<i32>} : memref<128x128xf32, #tpu.memory_space<vmem>>, vector<16xf32>,
        %mul3A_2695 = arith.constant 16 : i32
        %mul3A_2696 = arith.muli %scan3A_34, %mul3A_2695 : i32
        %add3A_2697 = arith.constant 12 : i32
        %add3A_2698 = arith.addi %mul3A_2696, %add3A_2697 : i32
        %get3A_2699 = arith.index_cast %add3A_2698 : i32 to index
        %get3A_2700 = arith.constant 32 : index
        %get3A_2701 = tpu.vector_load %arg13[%get3A_2699, %get3A_2700] {strides = array<i32>} : memref<128x128xf32, #tpu.memory_space<vmem>>, vector<16xf32>,
        %mul3A_2702 = arith.constant 16 : i32
        %mul3A_2703 = arith.muli %scan3A_34, %mul3A_2702 : i32
        %add3A_2704 = arith.constant 12 : i32
        %add3A_2705 = arith.addi %mul3A_2703, %add3A_2704 : i32
        %get3A_2706 = arith.index_cast %add3A_2705 : i32 to index
        %get3A_2707 = arith.constant 96 : index
        %get3A_2708 = tpu.vector_load %arg13[%get3A_2706, %get3A_2707] {strides = array<i32>} : memref<128x128xf32, #tpu.memory_space<vmem>>, vector<16xf32>,
        %mul3A_2709 = arith.mulf %get3A_2701, %get3A_2687 : vector<16xf32>
        %mul3A_2710 = arith.mulf %get3A_2708, %get3A_2694 : vector<16xf32>
        %add3A_2711 = arith.addf %mul3A_2709, %mul3A_2710 : vector<16xf32>
        %mul3A_2712 = arith.mulf %get3A_2673, %add3A_2711 : vector<16xf32>
        %mul3A_2713 = arith.mulf %get3A_2701, %get3A_2694 : vector<16xf32>
        %mul3A_2714 = arith.mulf %get3A_2708, %get3A_2687 : vector<16xf32>
        %sub3A_2715 = arith.subf %mul3A_2713, %mul3A_2714 : vector<16xf32>
        %mul3A_2716 = arith.mulf %get3A_2680, %sub3A_2715 : vector<16xf32>
        %add3A_2717 = arith.addf %mul3A_2712, %mul3A_2716 : vector<16xf32>
        %add3A_2718 = arith.addf %add3A_2666, %add3A_2717 : vector<16xf32>
        %mul3A_2719 = arith.constant 16 : i32
        %mul3A_2720 = arith.muli %scan3A_34, %mul3A_2719 : i32
        %add3A_2721 = arith.constant 12 : i32
        %add3A_2722 = arith.addi %mul3A_2720, %add3A_2721 : i32
        %get3A_2723 = arith.index_cast %add3A_2722 : i32 to index
        %get3A_2724 = arith.constant 48 : index
        %get3A_2725 = tpu.vector_load %arg11[%get3A_2723, %get3A_2724] {strides = array<i32>} : memref<128x128xf32, #tpu.memory_space<vmem>>, vector<16xf32>,
        %mul3A_2726 = arith.constant 16 : i32
        %mul3A_2727 = arith.muli %scan3A_34, %mul3A_2726 : i32
        %add3A_2728 = arith.constant 12 : i32
        %add3A_2729 = arith.addi %mul3A_2727, %add3A_2728 : i32
        %get3A_2730 = arith.index_cast %add3A_2729 : i32 to index
        %get3A_2731 = arith.constant 112 : index
        %get3A_2732 = tpu.vector_load %arg11[%get3A_2730, %get3A_2731] {strides = array<i32>} : memref<128x128xf32, #tpu.memory_space<vmem>>, vector<16xf32>,
        %mul3A_2733 = arith.constant 16 : i32
        %mul3A_2734 = arith.muli %scan3A_34, %mul3A_2733 : i32
        %add3A_2735 = arith.constant 12 : i32
        %add3A_2736 = arith.addi %mul3A_2734, %add3A_2735 : i32
        %get3A_2737 = arith.index_cast %add3A_2736 : i32 to index
        %get3A_2738 = arith.constant 48 : index
        %get3A_2739 = tpu.vector_load %arg12[%get3A_2737, %get3A_2738] {strides = array<i32>} : memref<128x128xf32, #tpu.memory_space<vmem>>, vector<16xf32>,
        %mul3A_2740 = arith.constant 16 : i32
        %mul3A_2741 = arith.muli %scan3A_34, %mul3A_2740 : i32
        %add3A_2742 = arith.constant 12 : i32
        %add3A_2743 = arith.addi %mul3A_2741, %add3A_2742 : i32
        %get3A_2744 = arith.index_cast %add3A_2743 : i32 to index
        %get3A_2745 = arith.constant 112 : index
        %get3A_2746 = tpu.vector_load %arg12[%get3A_2744, %get3A_2745] {strides = array<i32>} : memref<128x128xf32, #tpu.memory_space<vmem>>, vector<16xf32>,
        %mul3A_2747 = arith.constant 16 : i32
        %mul3A_2748 = arith.muli %scan3A_34, %mul3A_2747 : i32
        %add3A_2749 = arith.constant 12 : i32
        %add3A_2750 = arith.addi %mul3A_2748, %add3A_2749 : i32
        %get3A_2751 = arith.index_cast %add3A_2750 : i32 to index
        %get3A_2752 = arith.constant 48 : index
        %get3A_2753 = tpu.vector_load %arg13[%get3A_2751, %get3A_2752] {strides = array<i32>} : memref<128x128xf32, #tpu.memory_space<vmem>>, vector<16xf32>,
        %mul3A_2754 = arith.constant 16 : i32
        %mul3A_2755 = arith.muli %scan3A_34, %mul3A_2754 : i32
        %add3A_2756 = arith.constant 12 : i32
        %add3A_2757 = arith.addi %mul3A_2755, %add3A_2756 : i32
        %get3A_2758 = arith.index_cast %add3A_2757 : i32 to index
        %get3A_2759 = arith.constant 112 : index
        %get3A_2760 = tpu.vector_load %arg13[%get3A_2758, %get3A_2759] {strides = array<i32>} : memref<128x128xf32, #tpu.memory_space<vmem>>, vector<16xf32>,
        %mul3A_2761 = arith.mulf %get3A_2753, %get3A_2739 : vector<16xf32>
        %mul3A_2762 = arith.mulf %get3A_2760, %get3A_2746 : vector<16xf32>
        %add3A_2763 = arith.addf %mul3A_2761, %mul3A_2762 : vector<16xf32>
        %mul3A_2764 = arith.mulf %get3A_2725, %add3A_2763 : vector<16xf32>
        %mul3A_2765 = arith.mulf %get3A_2753, %get3A_2746 : vector<16xf32>
        %mul3A_2766 = arith.mulf %get3A_2760, %get3A_2739 : vector<16xf32>
        %sub3A_2767 = arith.subf %mul3A_2765, %mul3A_2766 : vector<16xf32>
        %mul3A_2768 = arith.mulf %get3A_2732, %sub3A_2767 : vector<16xf32>
        %add3A_2769 = arith.addf %mul3A_2764, %mul3A_2768 : vector<16xf32>
        %add3A_2770 = arith.addf %add3A_2718, %add3A_2769 : vector<16xf32>
        %swap3A_2771 = arith.constant 12 : i32
        %swap3A_2772 = arith.index_cast %swap3A_2771 : i32 to index
        %swap3A_2773 = arith.constant 0 : index
        %swap3A_2774 = tpu.vector_load %arg14[%swap3A_2772, %swap3A_2773] {strides = array<i32>} : memref<16x16xf32, #tpu.memory_space<vmem>>, vector<16xf32>,
        tpu.vector_store %arg14[%swap3A_2772, %swap3A_2773], %add3A_2770 {strides = array<i32>} : memref<16x16xf32, #tpu.memory_space<vmem>>, vector<16xf32>,
        %mul3A_2775 = arith.constant 16 : i32
        %mul3A_2776 = arith.muli %scan3A_34, %mul3A_2775 : i32
        %add3A_2777 = arith.constant 13 : i32
        %add3A_2778 = arith.addi %mul3A_2776, %add3A_2777 : i32
        %get3A_2779 = arith.index_cast %add3A_2778 : i32 to index
        %get3A_2780 = arith.constant 0 : index
        %get3A_2781 = tpu.vector_load %arg11[%get3A_2779, %get3A_2780] {strides = array<i32>} : memref<128x128xf32, #tpu.memory_space<vmem>>, vector<16xf32>,
        %mul3A_2782 = arith.constant 16 : i32
        %mul3A_2783 = arith.muli %scan3A_34, %mul3A_2782 : i32
        %add3A_2784 = arith.constant 13 : i32
        %add3A_2785 = arith.addi %mul3A_2783, %add3A_2784 : i32
        %get3A_2786 = arith.index_cast %add3A_2785 : i32 to index
        %get3A_2787 = arith.constant 64 : index
        %get3A_2788 = tpu.vector_load %arg11[%get3A_2786, %get3A_2787] {strides = array<i32>} : memref<128x128xf32, #tpu.memory_space<vmem>>, vector<16xf32>,
        %mul3A_2789 = arith.constant 16 : i32
        %mul3A_2790 = arith.muli %scan3A_34, %mul3A_2789 : i32
        %add3A_2791 = arith.constant 13 : i32
        %add3A_2792 = arith.addi %mul3A_2790, %add3A_2791 : i32
        %get3A_2793 = arith.index_cast %add3A_2792 : i32 to index
        %get3A_2794 = arith.constant 0 : index
        %get3A_2795 = tpu.vector_load %arg12[%get3A_2793, %get3A_2794] {strides = array<i32>} : memref<128x128xf32, #tpu.memory_space<vmem>>, vector<16xf32>,
        %mul3A_2796 = arith.constant 16 : i32
        %mul3A_2797 = arith.muli %scan3A_34, %mul3A_2796 : i32
        %add3A_2798 = arith.constant 13 : i32
        %add3A_2799 = arith.addi %mul3A_2797, %add3A_2798 : i32
        %get3A_2800 = arith.index_cast %add3A_2799 : i32 to index
        %get3A_2801 = arith.constant 64 : index
        %get3A_2802 = tpu.vector_load %arg12[%get3A_2800, %get3A_2801] {strides = array<i32>} : memref<128x128xf32, #tpu.memory_space<vmem>>, vector<16xf32>,
        %mul3A_2803 = arith.constant 16 : i32
        %mul3A_2804 = arith.muli %scan3A_34, %mul3A_2803 : i32
        %add3A_2805 = arith.constant 13 : i32
        %add3A_2806 = arith.addi %mul3A_2804, %add3A_2805 : i32
        %get3A_2807 = arith.index_cast %add3A_2806 : i32 to index
        %get3A_2808 = arith.constant 0 : index
        %get3A_2809 = tpu.vector_load %arg13[%get3A_2807, %get3A_2808] {strides = array<i32>} : memref<128x128xf32, #tpu.memory_space<vmem>>, vector<16xf32>,
        %mul3A_2810 = arith.constant 16 : i32
        %mul3A_2811 = arith.muli %scan3A_34, %mul3A_2810 : i32
        %add3A_2812 = arith.constant 13 : i32
        %add3A_2813 = arith.addi %mul3A_2811, %add3A_2812 : i32
        %get3A_2814 = arith.index_cast %add3A_2813 : i32 to index
        %get3A_2815 = arith.constant 64 : index
        %get3A_2816 = tpu.vector_load %arg13[%get3A_2814, %get3A_2815] {strides = array<i32>} : memref<128x128xf32, #tpu.memory_space<vmem>>, vector<16xf32>,
        %mul3A_2817 = arith.mulf %get3A_2809, %get3A_2795 : vector<16xf32>
        %mul3A_2818 = arith.mulf %get3A_2816, %get3A_2802 : vector<16xf32>
        %add3A_2819 = arith.addf %mul3A_2817, %mul3A_2818 : vector<16xf32>
        %mul3A_2820 = arith.mulf %get3A_2781, %add3A_2819 : vector<16xf32>
        %mul3A_2821 = arith.mulf %get3A_2809, %get3A_2802 : vector<16xf32>
        %mul3A_2822 = arith.mulf %get3A_2816, %get3A_2795 : vector<16xf32>
        %sub3A_2823 = arith.subf %mul3A_2821, %mul3A_2822 : vector<16xf32>
        %mul3A_2824 = arith.mulf %get3A_2788, %sub3A_2823 : vector<16xf32>
        %add3A_2825 = arith.addf %mul3A_2820, %mul3A_2824 : vector<16xf32>
        %mul3A_2826 = arith.constant 16 : i32
        %mul3A_2827 = arith.muli %scan3A_34, %mul3A_2826 : i32
        %add3A_2828 = arith.constant 13 : i32
        %add3A_2829 = arith.addi %mul3A_2827, %add3A_2828 : i32
        %get3A_2830 = arith.index_cast %add3A_2829 : i32 to index
        %get3A_2831 = arith.constant 16 : index
        %get3A_2832 = tpu.vector_load %arg11[%get3A_2830, %get3A_2831] {strides = array<i32>} : memref<128x128xf32, #tpu.memory_space<vmem>>, vector<16xf32>,
        %mul3A_2833 = arith.constant 16 : i32
        %mul3A_2834 = arith.muli %scan3A_34, %mul3A_2833 : i32
        %add3A_2835 = arith.constant 13 : i32
        %add3A_2836 = arith.addi %mul3A_2834, %add3A_2835 : i32
        %get3A_2837 = arith.index_cast %add3A_2836 : i32 to index
        %get3A_2838 = arith.constant 80 : index
        %get3A_2839 = tpu.vector_load %arg11[%get3A_2837, %get3A_2838] {strides = array<i32>} : memref<128x128xf32, #tpu.memory_space<vmem>>, vector<16xf32>,
        %mul3A_2840 = arith.constant 16 : i32
        %mul3A_2841 = arith.muli %scan3A_34, %mul3A_2840 : i32
        %add3A_2842 = arith.constant 13 : i32
        %add3A_2843 = arith.addi %mul3A_2841, %add3A_2842 : i32
        %get3A_2844 = arith.index_cast %add3A_2843 : i32 to index
        %get3A_2845 = arith.constant 16 : index
        %get3A_2846 = tpu.vector_load %arg12[%get3A_2844, %get3A_2845] {strides = array<i32>} : memref<128x128xf32, #tpu.memory_space<vmem>>, vector<16xf32>,
        %mul3A_2847 = arith.constant 16 : i32
        %mul3A_2848 = arith.muli %scan3A_34, %mul3A_2847 : i32
        %add3A_2849 = arith.constant 13 : i32
        %add3A_2850 = arith.addi %mul3A_2848, %add3A_2849 : i32
        %get3A_2851 = arith.index_cast %add3A_2850 : i32 to index
        %get3A_2852 = arith.constant 80 : index
        %get3A_2853 = tpu.vector_load %arg12[%get3A_2851, %get3A_2852] {strides = array<i32>} : memref<128x128xf32, #tpu.memory_space<vmem>>, vector<16xf32>,
        %mul3A_2854 = arith.constant 16 : i32
        %mul3A_2855 = arith.muli %scan3A_34, %mul3A_2854 : i32
        %add3A_2856 = arith.constant 13 : i32
        %add3A_2857 = arith.addi %mul3A_2855, %add3A_2856 : i32
        %get3A_2858 = arith.index_cast %add3A_2857 : i32 to index
        %get3A_2859 = arith.constant 16 : index
        %get3A_2860 = tpu.vector_load %arg13[%get3A_2858, %get3A_2859] {strides = array<i32>} : memref<128x128xf32, #tpu.memory_space<vmem>>, vector<16xf32>,
        %mul3A_2861 = arith.constant 16 : i32
        %mul3A_2862 = arith.muli %scan3A_34, %mul3A_2861 : i32
        %add3A_2863 = arith.constant 13 : i32
        %add3A_2864 = arith.addi %mul3A_2862, %add3A_2863 : i32
        %get3A_2865 = arith.index_cast %add3A_2864 : i32 to index
        %get3A_2866 = arith.constant 80 : index
        %get3A_2867 = tpu.vector_load %arg13[%get3A_2865, %get3A_2866] {strides = array<i32>} : memref<128x128xf32, #tpu.memory_space<vmem>>, vector<16xf32>,
        %mul3A_2868 = arith.mulf %get3A_2860, %get3A_2846 : vector<16xf32>
        %mul3A_2869 = arith.mulf %get3A_2867, %get3A_2853 : vector<16xf32>
        %add3A_2870 = arith.addf %mul3A_2868, %mul3A_2869 : vector<16xf32>
        %mul3A_2871 = arith.mulf %get3A_2832, %add3A_2870 : vector<16xf32>
        %mul3A_2872 = arith.mulf %get3A_2860, %get3A_2853 : vector<16xf32>
        %mul3A_2873 = arith.mulf %get3A_2867, %get3A_2846 : vector<16xf32>
        %sub3A_2874 = arith.subf %mul3A_2872, %mul3A_2873 : vector<16xf32>
        %mul3A_2875 = arith.mulf %get3A_2839, %sub3A_2874 : vector<16xf32>
        %add3A_2876 = arith.addf %mul3A_2871, %mul3A_2875 : vector<16xf32>
        %add3A_2877 = arith.addf %add3A_2825, %add3A_2876 : vector<16xf32>
        %mul3A_2878 = arith.constant 16 : i32
        %mul3A_2879 = arith.muli %scan3A_34, %mul3A_2878 : i32
        %add3A_2880 = arith.constant 13 : i32
        %add3A_2881 = arith.addi %mul3A_2879, %add3A_2880 : i32
        %get3A_2882 = arith.index_cast %add3A_2881 : i32 to index
        %get3A_2883 = arith.constant 32 : index
        %get3A_2884 = tpu.vector_load %arg11[%get3A_2882, %get3A_2883] {strides = array<i32>} : memref<128x128xf32, #tpu.memory_space<vmem>>, vector<16xf32>,
        %mul3A_2885 = arith.constant 16 : i32
        %mul3A_2886 = arith.muli %scan3A_34, %mul3A_2885 : i32
        %add3A_2887 = arith.constant 13 : i32
        %add3A_2888 = arith.addi %mul3A_2886, %add3A_2887 : i32
        %get3A_2889 = arith.index_cast %add3A_2888 : i32 to index
        %get3A_2890 = arith.constant 96 : index
        %get3A_2891 = tpu.vector_load %arg11[%get3A_2889, %get3A_2890] {strides = array<i32>} : memref<128x128xf32, #tpu.memory_space<vmem>>, vector<16xf32>,
        %mul3A_2892 = arith.constant 16 : i32
        %mul3A_2893 = arith.muli %scan3A_34, %mul3A_2892 : i32
        %add3A_2894 = arith.constant 13 : i32
        %add3A_2895 = arith.addi %mul3A_2893, %add3A_2894 : i32
        %get3A_2896 = arith.index_cast %add3A_2895 : i32 to index
        %get3A_2897 = arith.constant 32 : index
        %get3A_2898 = tpu.vector_load %arg12[%get3A_2896, %get3A_2897] {strides = array<i32>} : memref<128x128xf32, #tpu.memory_space<vmem>>, vector<16xf32>,
        %mul3A_2899 = arith.constant 16 : i32
        %mul3A_2900 = arith.muli %scan3A_34, %mul3A_2899 : i32
        %add3A_2901 = arith.constant 13 : i32
        %add3A_2902 = arith.addi %mul3A_2900, %add3A_2901 : i32
        %get3A_2903 = arith.index_cast %add3A_2902 : i32 to index
        %get3A_2904 = arith.constant 96 : index
        %get3A_2905 = tpu.vector_load %arg12[%get3A_2903, %get3A_2904] {strides = array<i32>} : memref<128x128xf32, #tpu.memory_space<vmem>>, vector<16xf32>,
        %mul3A_2906 = arith.constant 16 : i32
        %mul3A_2907 = arith.muli %scan3A_34, %mul3A_2906 : i32
        %add3A_2908 = arith.constant 13 : i32
        %add3A_2909 = arith.addi %mul3A_2907, %add3A_2908 : i32
        %get3A_2910 = arith.index_cast %add3A_2909 : i32 to index
        %get3A_2911 = arith.constant 32 : index
        %get3A_2912 = tpu.vector_load %arg13[%get3A_2910, %get3A_2911] {strides = array<i32>} : memref<128x128xf32, #tpu.memory_space<vmem>>, vector<16xf32>,
        %mul3A_2913 = arith.constant 16 : i32
        %mul3A_2914 = arith.muli %scan3A_34, %mul3A_2913 : i32
        %add3A_2915 = arith.constant 13 : i32
        %add3A_2916 = arith.addi %mul3A_2914, %add3A_2915 : i32
        %get3A_2917 = arith.index_cast %add3A_2916 : i32 to index
        %get3A_2918 = arith.constant 96 : index
        %get3A_2919 = tpu.vector_load %arg13[%get3A_2917, %get3A_2918] {strides = array<i32>} : memref<128x128xf32, #tpu.memory_space<vmem>>, vector<16xf32>,
        %mul3A_2920 = arith.mulf %get3A_2912, %get3A_2898 : vector<16xf32>
        %mul3A_2921 = arith.mulf %get3A_2919, %get3A_2905 : vector<16xf32>
        %add3A_2922 = arith.addf %mul3A_2920, %mul3A_2921 : vector<16xf32>
        %mul3A_2923 = arith.mulf %get3A_2884, %add3A_2922 : vector<16xf32>
        %mul3A_2924 = arith.mulf %get3A_2912, %get3A_2905 : vector<16xf32>
        %mul3A_2925 = arith.mulf %get3A_2919, %get3A_2898 : vector<16xf32>
        %sub3A_2926 = arith.subf %mul3A_2924, %mul3A_2925 : vector<16xf32>
        %mul3A_2927 = arith.mulf %get3A_2891, %sub3A_2926 : vector<16xf32>
        %add3A_2928 = arith.addf %mul3A_2923, %mul3A_2927 : vector<16xf32>
        %add3A_2929 = arith.addf %add3A_2877, %add3A_2928 : vector<16xf32>
        %mul3A_2930 = arith.constant 16 : i32
        %mul3A_2931 = arith.muli %scan3A_34, %mul3A_2930 : i32
        %add3A_2932 = arith.constant 13 : i32
        %add3A_2933 = arith.addi %mul3A_2931, %add3A_2932 : i32
        %get3A_2934 = arith.index_cast %add3A_2933 : i32 to index
        %get3A_2935 = arith.constant 48 : index
        %get3A_2936 = tpu.vector_load %arg11[%get3A_2934, %get3A_2935] {strides = array<i32>} : memref<128x128xf32, #tpu.memory_space<vmem>>, vector<16xf32>,
        %mul3A_2937 = arith.constant 16 : i32
        %mul3A_2938 = arith.muli %scan3A_34, %mul3A_2937 : i32
        %add3A_2939 = arith.constant 13 : i32
        %add3A_2940 = arith.addi %mul3A_2938, %add3A_2939 : i32
        %get3A_2941 = arith.index_cast %add3A_2940 : i32 to index
        %get3A_2942 = arith.constant 112 : index
        %get3A_2943 = tpu.vector_load %arg11[%get3A_2941, %get3A_2942] {strides = array<i32>} : memref<128x128xf32, #tpu.memory_space<vmem>>, vector<16xf32>,
        %mul3A_2944 = arith.constant 16 : i32
        %mul3A_2945 = arith.muli %scan3A_34, %mul3A_2944 : i32
        %add3A_2946 = arith.constant 13 : i32
        %add3A_2947 = arith.addi %mul3A_2945, %add3A_2946 : i32
        %get3A_2948 = arith.index_cast %add3A_2947 : i32 to index
        %get3A_2949 = arith.constant 48 : index
        %get3A_2950 = tpu.vector_load %arg12[%get3A_2948, %get3A_2949] {strides = array<i32>} : memref<128x128xf32, #tpu.memory_space<vmem>>, vector<16xf32>,
        %mul3A_2951 = arith.constant 16 : i32
        %mul3A_2952 = arith.muli %scan3A_34, %mul3A_2951 : i32
        %add3A_2953 = arith.constant 13 : i32
        %add3A_2954 = arith.addi %mul3A_2952, %add3A_2953 : i32
        %get3A_2955 = arith.index_cast %add3A_2954 : i32 to index
        %get3A_2956 = arith.constant 112 : index
        %get3A_2957 = tpu.vector_load %arg12[%get3A_2955, %get3A_2956] {strides = array<i32>} : memref<128x128xf32, #tpu.memory_space<vmem>>, vector<16xf32>,
        %mul3A_2958 = arith.constant 16 : i32
        %mul3A_2959 = arith.muli %scan3A_34, %mul3A_2958 : i32
        %add3A_2960 = arith.constant 13 : i32
        %add3A_2961 = arith.addi %mul3A_2959, %add3A_2960 : i32
        %get3A_2962 = arith.index_cast %add3A_2961 : i32 to index
        %get3A_2963 = arith.constant 48 : index
        %get3A_2964 = tpu.vector_load %arg13[%get3A_2962, %get3A_2963] {strides = array<i32>} : memref<128x128xf32, #tpu.memory_space<vmem>>, vector<16xf32>,
        %mul3A_2965 = arith.constant 16 : i32
        %mul3A_2966 = arith.muli %scan3A_34, %mul3A_2965 : i32
        %add3A_2967 = arith.constant 13 : i32
        %add3A_2968 = arith.addi %mul3A_2966, %add3A_2967 : i32
        %get3A_2969 = arith.index_cast %add3A_2968 : i32 to index
        %get3A_2970 = arith.constant 112 : index
        %get3A_2971 = tpu.vector_load %arg13[%get3A_2969, %get3A_2970] {strides = array<i32>} : memref<128x128xf32, #tpu.memory_space<vmem>>, vector<16xf32>,
        %mul3A_2972 = arith.mulf %get3A_2964, %get3A_2950 : vector<16xf32>
        %mul3A_2973 = arith.mulf %get3A_2971, %get3A_2957 : vector<16xf32>
        %add3A_2974 = arith.addf %mul3A_2972, %mul3A_2973 : vector<16xf32>
        %mul3A_2975 = arith.mulf %get3A_2936, %add3A_2974 : vector<16xf32>
        %mul3A_2976 = arith.mulf %get3A_2964, %get3A_2957 : vector<16xf32>
        %mul3A_2977 = arith.mulf %get3A_2971, %get3A_2950 : vector<16xf32>
        %sub3A_2978 = arith.subf %mul3A_2976, %mul3A_2977 : vector<16xf32>
        %mul3A_2979 = arith.mulf %get3A_2943, %sub3A_2978 : vector<16xf32>
        %add3A_2980 = arith.addf %mul3A_2975, %mul3A_2979 : vector<16xf32>
        %add3A_2981 = arith.addf %add3A_2929, %add3A_2980 : vector<16xf32>
        %swap3A_2982 = arith.constant 13 : i32
        %swap3A_2983 = arith.index_cast %swap3A_2982 : i32 to index
        %swap3A_2984 = arith.constant 0 : index
        %swap3A_2985 = tpu.vector_load %arg14[%swap3A_2983, %swap3A_2984] {strides = array<i32>} : memref<16x16xf32, #tpu.memory_space<vmem>>, vector<16xf32>,
        tpu.vector_store %arg14[%swap3A_2983, %swap3A_2984], %add3A_2981 {strides = array<i32>} : memref<16x16xf32, #tpu.memory_space<vmem>>, vector<16xf32>,
        %mul3A_2986 = arith.constant 16 : i32
        %mul3A_2987 = arith.muli %scan3A_34, %mul3A_2986 : i32
        %add3A_2988 = arith.constant 14 : i32
        %add3A_2989 = arith.addi %mul3A_2987, %add3A_2988 : i32
        %get3A_2990 = arith.index_cast %add3A_2989 : i32 to index
        %get3A_2991 = arith.constant 0 : index
        %get3A_2992 = tpu.vector_load %arg11[%get3A_2990, %get3A_2991] {strides = array<i32>} : memref<128x128xf32, #tpu.memory_space<vmem>>, vector<16xf32>,
        %mul3A_2993 = arith.constant 16 : i32
        %mul3A_2994 = arith.muli %scan3A_34, %mul3A_2993 : i32
        %add3A_2995 = arith.constant 14 : i32
        %add3A_2996 = arith.addi %mul3A_2994, %add3A_2995 : i32
        %get3A_2997 = arith.index_cast %add3A_2996 : i32 to index
        %get3A_2998 = arith.constant 64 : index
        %get3A_2999 = tpu.vector_load %arg11[%get3A_2997, %get3A_2998] {strides = array<i32>} : memref<128x128xf32, #tpu.memory_space<vmem>>, vector<16xf32>,
        %mul3A_3000 = arith.constant 16 : i32
        %mul3A_3001 = arith.muli %scan3A_34, %mul3A_3000 : i32
        %add3A_3002 = arith.constant 14 : i32
        %add3A_3003 = arith.addi %mul3A_3001, %add3A_3002 : i32
        %get3A_3004 = arith.index_cast %add3A_3003 : i32 to index
        %get3A_3005 = arith.constant 0 : index
        %get3A_3006 = tpu.vector_load %arg12[%get3A_3004, %get3A_3005] {strides = array<i32>} : memref<128x128xf32, #tpu.memory_space<vmem>>, vector<16xf32>,
        %mul3A_3007 = arith.constant 16 : i32
        %mul3A_3008 = arith.muli %scan3A_34, %mul3A_3007 : i32
        %add3A_3009 = arith.constant 14 : i32
        %add3A_3010 = arith.addi %mul3A_3008, %add3A_3009 : i32
        %get3A_3011 = arith.index_cast %add3A_3010 : i32 to index
        %get3A_3012 = arith.constant 64 : index
        %get3A_3013 = tpu.vector_load %arg12[%get3A_3011, %get3A_3012] {strides = array<i32>} : memref<128x128xf32, #tpu.memory_space<vmem>>, vector<16xf32>,
        %mul3A_3014 = arith.constant 16 : i32
        %mul3A_3015 = arith.muli %scan3A_34, %mul3A_3014 : i32
        %add3A_3016 = arith.constant 14 : i32
        %add3A_3017 = arith.addi %mul3A_3015, %add3A_3016 : i32
        %get3A_3018 = arith.index_cast %add3A_3017 : i32 to index
        %get3A_3019 = arith.constant 0 : index
        %get3A_3020 = tpu.vector_load %arg13[%get3A_3018, %get3A_3019] {strides = array<i32>} : memref<128x128xf32, #tpu.memory_space<vmem>>, vector<16xf32>,
        %mul3A_3021 = arith.constant 16 : i32
        %mul3A_3022 = arith.muli %scan3A_34, %mul3A_3021 : i32
        %add3A_3023 = arith.constant 14 : i32
        %add3A_3024 = arith.addi %mul3A_3022, %add3A_3023 : i32
        %get3A_3025 = arith.index_cast %add3A_3024 : i32 to index
        %get3A_3026 = arith.constant 64 : index
        %get3A_3027 = tpu.vector_load %arg13[%get3A_3025, %get3A_3026] {strides = array<i32>} : memref<128x128xf32, #tpu.memory_space<vmem>>, vector<16xf32>,
        %mul3A_3028 = arith.mulf %get3A_3020, %get3A_3006 : vector<16xf32>
        %mul3A_3029 = arith.mulf %get3A_3027, %get3A_3013 : vector<16xf32>
        %add3A_3030 = arith.addf %mul3A_3028, %mul3A_3029 : vector<16xf32>
        %mul3A_3031 = arith.mulf %get3A_2992, %add3A_3030 : vector<16xf32>
        %mul3A_3032 = arith.mulf %get3A_3020, %get3A_3013 : vector<16xf32>
        %mul3A_3033 = arith.mulf %get3A_3027, %get3A_3006 : vector<16xf32>
        %sub3A_3034 = arith.subf %mul3A_3032, %mul3A_3033 : vector<16xf32>
        %mul3A_3035 = arith.mulf %get3A_2999, %sub3A_3034 : vector<16xf32>
        %add3A_3036 = arith.addf %mul3A_3031, %mul3A_3035 : vector<16xf32>
        %mul3A_3037 = arith.constant 16 : i32
        %mul3A_3038 = arith.muli %scan3A_34, %mul3A_3037 : i32
        %add3A_3039 = arith.constant 14 : i32
        %add3A_3040 = arith.addi %mul3A_3038, %add3A_3039 : i32
        %get3A_3041 = arith.index_cast %add3A_3040 : i32 to index
        %get3A_3042 = arith.constant 16 : index
        %get3A_3043 = tpu.vector_load %arg11[%get3A_3041, %get3A_3042] {strides = array<i32>} : memref<128x128xf32, #tpu.memory_space<vmem>>, vector<16xf32>,
        %mul3A_3044 = arith.constant 16 : i32
        %mul3A_3045 = arith.muli %scan3A_34, %mul3A_3044 : i32
        %add3A_3046 = arith.constant 14 : i32
        %add3A_3047 = arith.addi %mul3A_3045, %add3A_3046 : i32
        %get3A_3048 = arith.index_cast %add3A_3047 : i32 to index
        %get3A_3049 = arith.constant 80 : index
        %get3A_3050 = tpu.vector_load %arg11[%get3A_3048, %get3A_3049] {strides = array<i32>} : memref<128x128xf32, #tpu.memory_space<vmem>>, vector<16xf32>,
        %mul3A_3051 = arith.constant 16 : i32
        %mul3A_3052 = arith.muli %scan3A_34, %mul3A_3051 : i32
        %add3A_3053 = arith.constant 14 : i32
        %add3A_3054 = arith.addi %mul3A_3052, %add3A_3053 : i32
        %get3A_3055 = arith.index_cast %add3A_3054 : i32 to index
        %get3A_3056 = arith.constant 16 : index
        %get3A_3057 = tpu.vector_load %arg12[%get3A_3055, %get3A_3056] {strides = array<i32>} : memref<128x128xf32, #tpu.memory_space<vmem>>, vector<16xf32>,
        %mul3A_3058 = arith.constant 16 : i32
        %mul3A_3059 = arith.muli %scan3A_34, %mul3A_3058 : i32
        %add3A_3060 = arith.constant 14 : i32
        %add3A_3061 = arith.addi %mul3A_3059, %add3A_3060 : i32
        %get3A_3062 = arith.index_cast %add3A_3061 : i32 to index
        %get3A_3063 = arith.constant 80 : index
        %get3A_3064 = tpu.vector_load %arg12[%get3A_3062, %get3A_3063] {strides = array<i32>} : memref<128x128xf32, #tpu.memory_space<vmem>>, vector<16xf32>,
        %mul3A_3065 = arith.constant 16 : i32
        %mul3A_3066 = arith.muli %scan3A_34, %mul3A_3065 : i32
        %add3A_3067 = arith.constant 14 : i32
        %add3A_3068 = arith.addi %mul3A_3066, %add3A_3067 : i32
        %get3A_3069 = arith.index_cast %add3A_3068 : i32 to index
        %get3A_3070 = arith.constant 16 : index
        %get3A_3071 = tpu.vector_load %arg13[%get3A_3069, %get3A_3070] {strides = array<i32>} : memref<128x128xf32, #tpu.memory_space<vmem>>, vector<16xf32>,
        %mul3A_3072 = arith.constant 16 : i32
        %mul3A_3073 = arith.muli %scan3A_34, %mul3A_3072 : i32
        %add3A_3074 = arith.constant 14 : i32
        %add3A_3075 = arith.addi %mul3A_3073, %add3A_3074 : i32
        %get3A_3076 = arith.index_cast %add3A_3075 : i32 to index
        %get3A_3077 = arith.constant 80 : index
        %get3A_3078 = tpu.vector_load %arg13[%get3A_3076, %get3A_3077] {strides = array<i32>} : memref<128x128xf32, #tpu.memory_space<vmem>>, vector<16xf32>,
        %mul3A_3079 = arith.mulf %get3A_3071, %get3A_3057 : vector<16xf32>
        %mul3A_3080 = arith.mulf %get3A_3078, %get3A_3064 : vector<16xf32>
        %add3A_3081 = arith.addf %mul3A_3079, %mul3A_3080 : vector<16xf32>
        %mul3A_3082 = arith.mulf %get3A_3043, %add3A_3081 : vector<16xf32>
        %mul3A_3083 = arith.mulf %get3A_3071, %get3A_3064 : vector<16xf32>
        %mul3A_3084 = arith.mulf %get3A_3078, %get3A_3057 : vector<16xf32>
        %sub3A_3085 = arith.subf %mul3A_3083, %mul3A_3084 : vector<16xf32>
        %mul3A_3086 = arith.mulf %get3A_3050, %sub3A_3085 : vector<16xf32>
        %add3A_3087 = arith.addf %mul3A_3082, %mul3A_3086 : vector<16xf32>
        %add3A_3088 = arith.addf %add3A_3036, %add3A_3087 : vector<16xf32>
        %mul3A_3089 = arith.constant 16 : i32
        %mul3A_3090 = arith.muli %scan3A_34, %mul3A_3089 : i32
        %add3A_3091 = arith.constant 14 : i32
        %add3A_3092 = arith.addi %mul3A_3090, %add3A_3091 : i32
        %get3A_3093 = arith.index_cast %add3A_3092 : i32 to index
        %get3A_3094 = arith.constant 32 : index
        %get3A_3095 = tpu.vector_load %arg11[%get3A_3093, %get3A_3094] {strides = array<i32>} : memref<128x128xf32, #tpu.memory_space<vmem>>, vector<16xf32>,
        %mul3A_3096 = arith.constant 16 : i32
        %mul3A_3097 = arith.muli %scan3A_34, %mul3A_3096 : i32
        %add3A_3098 = arith.constant 14 : i32
        %add3A_3099 = arith.addi %mul3A_3097, %add3A_3098 : i32
        %get3A_3100 = arith.index_cast %add3A_3099 : i32 to index
        %get3A_3101 = arith.constant 96 : index
        %get3A_3102 = tpu.vector_load %arg11[%get3A_3100, %get3A_3101] {strides = array<i32>} : memref<128x128xf32, #tpu.memory_space<vmem>>, vector<16xf32>,
        %mul3A_3103 = arith.constant 16 : i32
        %mul3A_3104 = arith.muli %scan3A_34, %mul3A_3103 : i32
        %add3A_3105 = arith.constant 14 : i32
        %add3A_3106 = arith.addi %mul3A_3104, %add3A_3105 : i32
        %get3A_3107 = arith.index_cast %add3A_3106 : i32 to index
        %get3A_3108 = arith.constant 32 : index
        %get3A_3109 = tpu.vector_load %arg12[%get3A_3107, %get3A_3108] {strides = array<i32>} : memref<128x128xf32, #tpu.memory_space<vmem>>, vector<16xf32>,
        %mul3A_3110 = arith.constant 16 : i32
        %mul3A_3111 = arith.muli %scan3A_34, %mul3A_3110 : i32
        %add3A_3112 = arith.constant 14 : i32
        %add3A_3113 = arith.addi %mul3A_3111, %add3A_3112 : i32
        %get3A_3114 = arith.index_cast %add3A_3113 : i32 to index
        %get3A_3115 = arith.constant 96 : index
        %get3A_3116 = tpu.vector_load %arg12[%get3A_3114, %get3A_3115] {strides = array<i32>} : memref<128x128xf32, #tpu.memory_space<vmem>>, vector<16xf32>,
        %mul3A_3117 = arith.constant 16 : i32
        %mul3A_3118 = arith.muli %scan3A_34, %mul3A_3117 : i32
        %add3A_3119 = arith.constant 14 : i32
        %add3A_3120 = arith.addi %mul3A_3118, %add3A_3119 : i32
        %get3A_3121 = arith.index_cast %add3A_3120 : i32 to index
        %get3A_3122 = arith.constant 32 : index
        %get3A_3123 = tpu.vector_load %arg13[%get3A_3121, %get3A_3122] {strides = array<i32>} : memref<128x128xf32, #tpu.memory_space<vmem>>, vector<16xf32>,
        %mul3A_3124 = arith.constant 16 : i32
        %mul3A_3125 = arith.muli %scan3A_34, %mul3A_3124 : i32
        %add3A_3126 = arith.constant 14 : i32
        %add3A_3127 = arith.addi %mul3A_3125, %add3A_3126 : i32
        %get3A_3128 = arith.index_cast %add3A_3127 : i32 to index
        %get3A_3129 = arith.constant 96 : index
        %get3A_3130 = tpu.vector_load %arg13[%get3A_3128, %get3A_3129] {strides = array<i32>} : memref<128x128xf32, #tpu.memory_space<vmem>>, vector<16xf32>,
        %mul3A_3131 = arith.mulf %get3A_3123, %get3A_3109 : vector<16xf32>
        %mul3A_3132 = arith.mulf %get3A_3130, %get3A_3116 : vector<16xf32>
        %add3A_3133 = arith.addf %mul3A_3131, %mul3A_3132 : vector<16xf32>
        %mul3A_3134 = arith.mulf %get3A_3095, %add3A_3133 : vector<16xf32>
        %mul3A_3135 = arith.mulf %get3A_3123, %get3A_3116 : vector<16xf32>
        %mul3A_3136 = arith.mulf %get3A_3130, %get3A_3109 : vector<16xf32>
        %sub3A_3137 = arith.subf %mul3A_3135, %mul3A_3136 : vector<16xf32>
        %mul3A_3138 = arith.mulf %get3A_3102, %sub3A_3137 : vector<16xf32>
        %add3A_3139 = arith.addf %mul3A_3134, %mul3A_3138 : vector<16xf32>
        %add3A_3140 = arith.addf %add3A_3088, %add3A_3139 : vector<16xf32>
        %mul3A_3141 = arith.constant 16 : i32
        %mul3A_3142 = arith.muli %scan3A_34, %mul3A_3141 : i32
        %add3A_3143 = arith.constant 14 : i32
        %add3A_3144 = arith.addi %mul3A_3142, %add3A_3143 : i32
        %get3A_3145 = arith.index_cast %add3A_3144 : i32 to index
        %get3A_3146 = arith.constant 48 : index
        %get3A_3147 = tpu.vector_load %arg11[%get3A_3145, %get3A_3146] {strides = array<i32>} : memref<128x128xf32, #tpu.memory_space<vmem>>, vector<16xf32>,
        %mul3A_3148 = arith.constant 16 : i32
        %mul3A_3149 = arith.muli %scan3A_34, %mul3A_3148 : i32
        %add3A_3150 = arith.constant 14 : i32
        %add3A_3151 = arith.addi %mul3A_3149, %add3A_3150 : i32
        %get3A_3152 = arith.index_cast %add3A_3151 : i32 to index
        %get3A_3153 = arith.constant 112 : index
        %get3A_3154 = tpu.vector_load %arg11[%get3A_3152, %get3A_3153] {strides = array<i32>} : memref<128x128xf32, #tpu.memory_space<vmem>>, vector<16xf32>,
        %mul3A_3155 = arith.constant 16 : i32
        %mul3A_3156 = arith.muli %scan3A_34, %mul3A_3155 : i32
        %add3A_3157 = arith.constant 14 : i32
        %add3A_3158 = arith.addi %mul3A_3156, %add3A_3157 : i32
        %get3A_3159 = arith.index_cast %add3A_3158 : i32 to index
        %get3A_3160 = arith.constant 48 : index
        %get3A_3161 = tpu.vector_load %arg12[%get3A_3159, %get3A_3160] {strides = array<i32>} : memref<128x128xf32, #tpu.memory_space<vmem>>, vector<16xf32>,
        %mul3A_3162 = arith.constant 16 : i32
        %mul3A_3163 = arith.muli %scan3A_34, %mul3A_3162 : i32
        %add3A_3164 = arith.constant 14 : i32
        %add3A_3165 = arith.addi %mul3A_3163, %add3A_3164 : i32
        %get3A_3166 = arith.index_cast %add3A_3165 : i32 to index
        %get3A_3167 = arith.constant 112 : index
        %get3A_3168 = tpu.vector_load %arg12[%get3A_3166, %get3A_3167] {strides = array<i32>} : memref<128x128xf32, #tpu.memory_space<vmem>>, vector<16xf32>,
        %mul3A_3169 = arith.constant 16 : i32
        %mul3A_3170 = arith.muli %scan3A_34, %mul3A_3169 : i32
        %add3A_3171 = arith.constant 14 : i32
        %add3A_3172 = arith.addi %mul3A_3170, %add3A_3171 : i32
        %get3A_3173 = arith.index_cast %add3A_3172 : i32 to index
        %get3A_3174 = arith.constant 48 : index
        %get3A_3175 = tpu.vector_load %arg13[%get3A_3173, %get3A_3174] {strides = array<i32>} : memref<128x128xf32, #tpu.memory_space<vmem>>, vector<16xf32>,
        %mul3A_3176 = arith.constant 16 : i32
        %mul3A_3177 = arith.muli %scan3A_34, %mul3A_3176 : i32
        %add3A_3178 = arith.constant 14 : i32
        %add3A_3179 = arith.addi %mul3A_3177, %add3A_3178 : i32
        %get3A_3180 = arith.index_cast %add3A_3179 : i32 to index
        %get3A_3181 = arith.constant 112 : index
        %get3A_3182 = tpu.vector_load %arg13[%get3A_3180, %get3A_3181] {strides = array<i32>} : memref<128x128xf32, #tpu.memory_space<vmem>>, vector<16xf32>,
        %mul3A_3183 = arith.mulf %get3A_3175, %get3A_3161 : vector<16xf32>
        %mul3A_3184 = arith.mulf %get3A_3182, %get3A_3168 : vector<16xf32>
        %add3A_3185 = arith.addf %mul3A_3183, %mul3A_3184 : vector<16xf32>
        %mul3A_3186 = arith.mulf %get3A_3147, %add3A_3185 : vector<16xf32>
        %mul3A_3187 = arith.mulf %get3A_3175, %get3A_3168 : vector<16xf32>
        %mul3A_3188 = arith.mulf %get3A_3182, %get3A_3161 : vector<16xf32>
        %sub3A_3189 = arith.subf %mul3A_3187, %mul3A_3188 : vector<16xf32>
        %mul3A_3190 = arith.mulf %get3A_3154, %sub3A_3189 : vector<16xf32>
        %add3A_3191 = arith.addf %mul3A_3186, %mul3A_3190 : vector<16xf32>
        %add3A_3192 = arith.addf %add3A_3140, %add3A_3191 : vector<16xf32>
        %swap3A_3193 = arith.constant 14 : i32
        %swap3A_3194 = arith.index_cast %swap3A_3193 : i32 to index
        %swap3A_3195 = arith.constant 0 : index
        %swap3A_3196 = tpu.vector_load %arg14[%swap3A_3194, %swap3A_3195] {strides = array<i32>} : memref<16x16xf32, #tpu.memory_space<vmem>>, vector<16xf32>,
        tpu.vector_store %arg14[%swap3A_3194, %swap3A_3195], %add3A_3192 {strides = array<i32>} : memref<16x16xf32, #tpu.memory_space<vmem>>, vector<16xf32>,
        %mul3A_3197 = arith.constant 16 : i32
        %mul3A_3198 = arith.muli %scan3A_34, %mul3A_3197 : i32
        %add3A_3199 = arith.constant 15 : i32
        %add3A_3200 = arith.addi %mul3A_3198, %add3A_3199 : i32
        %get3A_3201 = arith.index_cast %add3A_3200 : i32 to index
        %get3A_3202 = arith.constant 0 : index
        %get3A_3203 = tpu.vector_load %arg11[%get3A_3201, %get3A_3202] {strides = array<i32>} : memref<128x128xf32, #tpu.memory_space<vmem>>, vector<16xf32>,
        %mul3A_3204 = arith.constant 16 : i32
        %mul3A_3205 = arith.muli %scan3A_34, %mul3A_3204 : i32
        %add3A_3206 = arith.constant 15 : i32
        %add3A_3207 = arith.addi %mul3A_3205, %add3A_3206 : i32
        %get3A_3208 = arith.index_cast %add3A_3207 : i32 to index
        %get3A_3209 = arith.constant 64 : index
        %get3A_3210 = tpu.vector_load %arg11[%get3A_3208, %get3A_3209] {strides = array<i32>} : memref<128x128xf32, #tpu.memory_space<vmem>>, vector<16xf32>,
        %mul3A_3211 = arith.constant 16 : i32
        %mul3A_3212 = arith.muli %scan3A_34, %mul3A_3211 : i32
        %add3A_3213 = arith.constant 15 : i32
        %add3A_3214 = arith.addi %mul3A_3212, %add3A_3213 : i32
        %get3A_3215 = arith.index_cast %add3A_3214 : i32 to index
        %get3A_3216 = arith.constant 0 : index
        %get3A_3217 = tpu.vector_load %arg12[%get3A_3215, %get3A_3216] {strides = array<i32>} : memref<128x128xf32, #tpu.memory_space<vmem>>, vector<16xf32>,
        %mul3A_3218 = arith.constant 16 : i32
        %mul3A_3219 = arith.muli %scan3A_34, %mul3A_3218 : i32
        %add3A_3220 = arith.constant 15 : i32
        %add3A_3221 = arith.addi %mul3A_3219, %add3A_3220 : i32
        %get3A_3222 = arith.index_cast %add3A_3221 : i32 to index
        %get3A_3223 = arith.constant 64 : index
        %get3A_3224 = tpu.vector_load %arg12[%get3A_3222, %get3A_3223] {strides = array<i32>} : memref<128x128xf32, #tpu.memory_space<vmem>>, vector<16xf32>,
        %mul3A_3225 = arith.constant 16 : i32
        %mul3A_3226 = arith.muli %scan3A_34, %mul3A_3225 : i32
        %add3A_3227 = arith.constant 15 : i32
        %add3A_3228 = arith.addi %mul3A_3226, %add3A_3227 : i32
        %get3A_3229 = arith.index_cast %add3A_3228 : i32 to index
        %get3A_3230 = arith.constant 0 : index
        %get3A_3231 = tpu.vector_load %arg13[%get3A_3229, %get3A_3230] {strides = array<i32>} : memref<128x128xf32, #tpu.memory_space<vmem>>, vector<16xf32>,
        %mul3A_3232 = arith.constant 16 : i32
        %mul3A_3233 = arith.muli %scan3A_34, %mul3A_3232 : i32
        %add3A_3234 = arith.constant 15 : i32
        %add3A_3235 = arith.addi %mul3A_3233, %add3A_3234 : i32
        %get3A_3236 = arith.index_cast %add3A_3235 : i32 to index
        %get3A_3237 = arith.constant 64 : index
        %get3A_3238 = tpu.vector_load %arg13[%get3A_3236, %get3A_3237] {strides = array<i32>} : memref<128x128xf32, #tpu.memory_space<vmem>>, vector<16xf32>,
        %mul3A_3239 = arith.mulf %get3A_3231, %get3A_3217 : vector<16xf32>
        %mul3A_3240 = arith.mulf %get3A_3238, %get3A_3224 : vector<16xf32>
        %add3A_3241 = arith.addf %mul3A_3239, %mul3A_3240 : vector<16xf32>
        %mul3A_3242 = arith.mulf %get3A_3203, %add3A_3241 : vector<16xf32>
        %mul3A_3243 = arith.mulf %get3A_3231, %get3A_3224 : vector<16xf32>
        %mul3A_3244 = arith.mulf %get3A_3238, %get3A_3217 : vector<16xf32>
        %sub3A_3245 = arith.subf %mul3A_3243, %mul3A_3244 : vector<16xf32>
        %mul3A_3246 = arith.mulf %get3A_3210, %sub3A_3245 : vector<16xf32>
        %add3A_3247 = arith.addf %mul3A_3242, %mul3A_3246 : vector<16xf32>
        %mul3A_3248 = arith.constant 16 : i32
        %mul3A_3249 = arith.muli %scan3A_34, %mul3A_3248 : i32
        %add3A_3250 = arith.constant 15 : i32
        %add3A_3251 = arith.addi %mul3A_3249, %add3A_3250 : i32
        %get3A_3252 = arith.index_cast %add3A_3251 : i32 to index
        %get3A_3253 = arith.constant 16 : index
        %get3A_3254 = tpu.vector_load %arg11[%get3A_3252, %get3A_3253] {strides = array<i32>} : memref<128x128xf32, #tpu.memory_space<vmem>>, vector<16xf32>,
        %mul3A_3255 = arith.constant 16 : i32
        %mul3A_3256 = arith.muli %scan3A_34, %mul3A_3255 : i32
        %add3A_3257 = arith.constant 15 : i32
        %add3A_3258 = arith.addi %mul3A_3256, %add3A_3257 : i32
        %get3A_3259 = arith.index_cast %add3A_3258 : i32 to index
        %get3A_3260 = arith.constant 80 : index
        %get3A_3261 = tpu.vector_load %arg11[%get3A_3259, %get3A_3260] {strides = array<i32>} : memref<128x128xf32, #tpu.memory_space<vmem>>, vector<16xf32>,
        %mul3A_3262 = arith.constant 16 : i32
        %mul3A_3263 = arith.muli %scan3A_34, %mul3A_3262 : i32
        %add3A_3264 = arith.constant 15 : i32
        %add3A_3265 = arith.addi %mul3A_3263, %add3A_3264 : i32
        %get3A_3266 = arith.index_cast %add3A_3265 : i32 to index
        %get3A_3267 = arith.constant 16 : index
        %get3A_3268 = tpu.vector_load %arg12[%get3A_3266, %get3A_3267] {strides = array<i32>} : memref<128x128xf32, #tpu.memory_space<vmem>>, vector<16xf32>,
        %mul3A_3269 = arith.constant 16 : i32
        %mul3A_3270 = arith.muli %scan3A_34, %mul3A_3269 : i32
        %add3A_3271 = arith.constant 15 : i32
        %add3A_3272 = arith.addi %mul3A_3270, %add3A_3271 : i32
        %get3A_3273 = arith.index_cast %add3A_3272 : i32 to index
        %get3A_3274 = arith.constant 80 : index
        %get3A_3275 = tpu.vector_load %arg12[%get3A_3273, %get3A_3274] {strides = array<i32>} : memref<128x128xf32, #tpu.memory_space<vmem>>, vector<16xf32>,
        %mul3A_3276 = arith.constant 16 : i32
        %mul3A_3277 = arith.muli %scan3A_34, %mul3A_3276 : i32
        %add3A_3278 = arith.constant 15 : i32
        %add3A_3279 = arith.addi %mul3A_3277, %add3A_3278 : i32
        %get3A_3280 = arith.index_cast %add3A_3279 : i32 to index
        %get3A_3281 = arith.constant 16 : index
        %get3A_3282 = tpu.vector_load %arg13[%get3A_3280, %get3A_3281] {strides = array<i32>} : memref<128x128xf32, #tpu.memory_space<vmem>>, vector<16xf32>,
        %mul3A_3283 = arith.constant 16 : i32
        %mul3A_3284 = arith.muli %scan3A_34, %mul3A_3283 : i32
        %add3A_3285 = arith.constant 15 : i32
        %add3A_3286 = arith.addi %mul3A_3284, %add3A_3285 : i32
        %get3A_3287 = arith.index_cast %add3A_3286 : i32 to index
        %get3A_3288 = arith.constant 80 : index
        %get3A_3289 = tpu.vector_load %arg13[%get3A_3287, %get3A_3288] {strides = array<i32>} : memref<128x128xf32, #tpu.memory_space<vmem>>, vector<16xf32>,
        %mul3A_3290 = arith.mulf %get3A_3282, %get3A_3268 : vector<16xf32>
        %mul3A_3291 = arith.mulf %get3A_3289, %get3A_3275 : vector<16xf32>
        %add3A_3292 = arith.addf %mul3A_3290, %mul3A_3291 : vector<16xf32>
        %mul3A_3293 = arith.mulf %get3A_3254, %add3A_3292 : vector<16xf32>
        %mul3A_3294 = arith.mulf %get3A_3282, %get3A_3275 : vector<16xf32>
        %mul3A_3295 = arith.mulf %get3A_3289, %get3A_3268 : vector<16xf32>
        %sub3A_3296 = arith.subf %mul3A_3294, %mul3A_3295 : vector<16xf32>
        %mul3A_3297 = arith.mulf %get3A_3261, %sub3A_3296 : vector<16xf32>
        %add3A_3298 = arith.addf %mul3A_3293, %mul3A_3297 : vector<16xf32>
        %add3A_3299 = arith.addf %add3A_3247, %add3A_3298 : vector<16xf32>
        %mul3A_3300 = arith.constant 16 : i32
        %mul3A_3301 = arith.muli %scan3A_34, %mul3A_3300 : i32
        %add3A_3302 = arith.constant 15 : i32
        %add3A_3303 = arith.addi %mul3A_3301, %add3A_3302 : i32
        %get3A_3304 = arith.index_cast %add3A_3303 : i32 to index
        %get3A_3305 = arith.constant 32 : index
        %get3A_3306 = tpu.vector_load %arg11[%get3A_3304, %get3A_3305] {strides = array<i32>} : memref<128x128xf32, #tpu.memory_space<vmem>>, vector<16xf32>,
        %mul3A_3307 = arith.constant 16 : i32
        %mul3A_3308 = arith.muli %scan3A_34, %mul3A_3307 : i32
        %add3A_3309 = arith.constant 15 : i32
        %add3A_3310 = arith.addi %mul3A_3308, %add3A_3309 : i32
        %get3A_3311 = arith.index_cast %add3A_3310 : i32 to index
        %get3A_3312 = arith.constant 96 : index
        %get3A_3313 = tpu.vector_load %arg11[%get3A_3311, %get3A_3312] {strides = array<i32>} : memref<128x128xf32, #tpu.memory_space<vmem>>, vector<16xf32>,
        %mul3A_3314 = arith.constant 16 : i32
        %mul3A_3315 = arith.muli %scan3A_34, %mul3A_3314 : i32
        %add3A_3316 = arith.constant 15 : i32
        %add3A_3317 = arith.addi %mul3A_3315, %add3A_3316 : i32
        %get3A_3318 = arith.index_cast %add3A_3317 : i32 to index
        %get3A_3319 = arith.constant 32 : index
        %get3A_3320 = tpu.vector_load %arg12[%get3A_3318, %get3A_3319] {strides = array<i32>} : memref<128x128xf32, #tpu.memory_space<vmem>>, vector<16xf32>,
        %mul3A_3321 = arith.constant 16 : i32
        %mul3A_3322 = arith.muli %scan3A_34, %mul3A_3321 : i32
        %add3A_3323 = arith.constant 15 : i32
        %add3A_3324 = arith.addi %mul3A_3322, %add3A_3323 : i32
        %get3A_3325 = arith.index_cast %add3A_3324 : i32 to index
        %get3A_3326 = arith.constant 96 : index
        %get3A_3327 = tpu.vector_load %arg12[%get3A_3325, %get3A_3326] {strides = array<i32>} : memref<128x128xf32, #tpu.memory_space<vmem>>, vector<16xf32>,
        %mul3A_3328 = arith.constant 16 : i32
        %mul3A_3329 = arith.muli %scan3A_34, %mul3A_3328 : i32
        %add3A_3330 = arith.constant 15 : i32
        %add3A_3331 = arith.addi %mul3A_3329, %add3A_3330 : i32
        %get3A_3332 = arith.index_cast %add3A_3331 : i32 to index
        %get3A_3333 = arith.constant 32 : index
        %get3A_3334 = tpu.vector_load %arg13[%get3A_3332, %get3A_3333] {strides = array<i32>} : memref<128x128xf32, #tpu.memory_space<vmem>>, vector<16xf32>,
        %mul3A_3335 = arith.constant 16 : i32
        %mul3A_3336 = arith.muli %scan3A_34, %mul3A_3335 : i32
        %add3A_3337 = arith.constant 15 : i32
        %add3A_3338 = arith.addi %mul3A_3336, %add3A_3337 : i32
        %get3A_3339 = arith.index_cast %add3A_3338 : i32 to index
        %get3A_3340 = arith.constant 96 : index
        %get3A_3341 = tpu.vector_load %arg13[%get3A_3339, %get3A_3340] {strides = array<i32>} : memref<128x128xf32, #tpu.memory_space<vmem>>, vector<16xf32>,
        %mul3A_3342 = arith.mulf %get3A_3334, %get3A_3320 : vector<16xf32>
        %mul3A_3343 = arith.mulf %get3A_3341, %get3A_3327 : vector<16xf32>
        %add3A_3344 = arith.addf %mul3A_3342, %mul3A_3343 : vector<16xf32>
        %mul3A_3345 = arith.mulf %get3A_3306, %add3A_3344 : vector<16xf32>
        %mul3A_3346 = arith.mulf %get3A_3334, %get3A_3327 : vector<16xf32>
        %mul3A_3347 = arith.mulf %get3A_3341, %get3A_3320 : vector<16xf32>
        %sub3A_3348 = arith.subf %mul3A_3346, %mul3A_3347 : vector<16xf32>
        %mul3A_3349 = arith.mulf %get3A_3313, %sub3A_3348 : vector<16xf32>
        %add3A_3350 = arith.addf %mul3A_3345, %mul3A_3349 : vector<16xf32>
        %add3A_3351 = arith.addf %add3A_3299, %add3A_3350 : vector<16xf32>
        %mul3A_3352 = arith.constant 16 : i32
        %mul3A_3353 = arith.muli %scan3A_34, %mul3A_3352 : i32
        %add3A_3354 = arith.constant 15 : i32
        %add3A_3355 = arith.addi %mul3A_3353, %add3A_3354 : i32
        %get3A_3356 = arith.index_cast %add3A_3355 : i32 to index
        %get3A_3357 = arith.constant 48 : index
        %get3A_3358 = tpu.vector_load %arg11[%get3A_3356, %get3A_3357] {strides = array<i32>} : memref<128x128xf32, #tpu.memory_space<vmem>>, vector<16xf32>,
        %mul3A_3359 = arith.constant 16 : i32
        %mul3A_3360 = arith.muli %scan3A_34, %mul3A_3359 : i32
        %add3A_3361 = arith.constant 15 : i32
        %add3A_3362 = arith.addi %mul3A_3360, %add3A_3361 : i32
        %get3A_3363 = arith.index_cast %add3A_3362 : i32 to index
        %get3A_3364 = arith.constant 112 : index
        %get3A_3365 = tpu.vector_load %arg11[%get3A_3363, %get3A_3364] {strides = array<i32>} : memref<128x128xf32, #tpu.memory_space<vmem>>, vector<16xf32>,
        %mul3A_3366 = arith.constant 16 : i32
        %mul3A_3367 = arith.muli %scan3A_34, %mul3A_3366 : i32
        %add3A_3368 = arith.constant 15 : i32
        %add3A_3369 = arith.addi %mul3A_3367, %add3A_3368 : i32
        %get3A_3370 = arith.index_cast %add3A_3369 : i32 to index
        %get3A_3371 = arith.constant 48 : index
        %get3A_3372 = tpu.vector_load %arg12[%get3A_3370, %get3A_3371] {strides = array<i32>} : memref<128x128xf32, #tpu.memory_space<vmem>>, vector<16xf32>,
        %mul3A_3373 = arith.constant 16 : i32
        %mul3A_3374 = arith.muli %scan3A_34, %mul3A_3373 : i32
        %add3A_3375 = arith.constant 15 : i32
        %add3A_3376 = arith.addi %mul3A_3374, %add3A_3375 : i32
        %get3A_3377 = arith.index_cast %add3A_3376 : i32 to index
        %get3A_3378 = arith.constant 112 : index
        %get3A_3379 = tpu.vector_load %arg12[%get3A_3377, %get3A_3378] {strides = array<i32>} : memref<128x128xf32, #tpu.memory_space<vmem>>, vector<16xf32>,
        %mul3A_3380 = arith.constant 16 : i32
        %mul3A_3381 = arith.muli %scan3A_34, %mul3A_3380 : i32
        %add3A_3382 = arith.constant 15 : i32
        %add3A_3383 = arith.addi %mul3A_3381, %add3A_3382 : i32
        %get3A_3384 = arith.index_cast %add3A_3383 : i32 to index
        %get3A_3385 = arith.constant 48 : index
        %get3A_3386 = tpu.vector_load %arg13[%get3A_3384, %get3A_3385] {strides = array<i32>} : memref<128x128xf32, #tpu.memory_space<vmem>>, vector<16xf32>,
        %mul3A_3387 = arith.constant 16 : i32
        %mul3A_3388 = arith.muli %scan3A_34, %mul3A_3387 : i32
        %add3A_3389 = arith.constant 15 : i32
        %add3A_3390 = arith.addi %mul3A_3388, %add3A_3389 : i32
        %get3A_3391 = arith.index_cast %add3A_3390 : i32 to index
        %get3A_3392 = arith.constant 112 : index
        %get3A_3393 = tpu.vector_load %arg13[%get3A_3391, %get3A_3392] {strides = array<i32>} : memref<128x128xf32, #tpu.memory_space<vmem>>, vector<16xf32>,
        %mul3A_3394 = arith.mulf %get3A_3386, %get3A_3372 : vector<16xf32>
        %mul3A_3395 = arith.mulf %get3A_3393, %get3A_3379 : vector<16xf32>
        %add3A_3396 = arith.addf %mul3A_3394, %mul3A_3395 : vector<16xf32>
        %mul3A_3397 = arith.mulf %get3A_3358, %add3A_3396 : vector<16xf32>
        %mul3A_3398 = arith.mulf %get3A_3386, %get3A_3379 : vector<16xf32>
        %mul3A_3399 = arith.mulf %get3A_3393, %get3A_3372 : vector<16xf32>
        %sub3A_3400 = arith.subf %mul3A_3398, %mul3A_3399 : vector<16xf32>
        %mul3A_3401 = arith.mulf %get3A_3365, %sub3A_3400 : vector<16xf32>
        %add3A_3402 = arith.addf %mul3A_3397, %mul3A_3401 : vector<16xf32>
        %add3A_3403 = arith.addf %add3A_3351, %add3A_3402 : vector<16xf32>
        %swap3A_3404 = arith.constant 15 : i32
        %swap3A_3405 = arith.index_cast %swap3A_3404 : i32 to index
        %swap3A_3406 = arith.constant 0 : index
        %swap3A_3407 = tpu.vector_load %arg14[%swap3A_3405, %swap3A_3406] {strides = array<i32>} : memref<16x16xf32, #tpu.memory_space<vmem>>, vector<16xf32>,
        tpu.vector_store %arg14[%swap3A_3405, %swap3A_3406], %add3A_3403 {strides = array<i32>} : memref<16x16xf32, #tpu.memory_space<vmem>>, vector<16xf32>,
        %broadcast_in_dim3A = arith.constant 0.000000e+00 : f32
        %broadcast_in_dim3A_3408 = vector.broadcast %broadcast_in_dim3A : f32 to vector<16xf32>
        %broadcast_in_dim3A_3409 = arith.constant 0 : i32
        %broadcast_in_dim3A_3410 = vector.broadcast %broadcast_in_dim3A_3409 : i32 to vector<16xi32>
        %gather3A = tpu.vector_load_idx %arg14[%iota3A, %broadcast_in_dim3A_3410] : memref<16x16xf32, #tpu.memory_space<vmem>>[vector<16xi32>, vector<16xi32>], vector<16xf32>,
        %add3A_3411 = arith.addf %broadcast_in_dim3A_3408, %gather3A : vector<16xf32>
        %broadcast_in_dim3A_3412 = arith.constant 1 : i32
        %broadcast_in_dim3A_3413 = vector.broadcast %broadcast_in_dim3A_3412 : i32 to vector<16xi32>
        %gather3A_3414 = tpu.vector_load_idx %arg14[%iota3A, %broadcast_in_dim3A_3413] : memref<16x16xf32, #tpu.memory_space<vmem>>[vector<16xi32>, vector<16xi32>], vector<16xf32>,
        %add3A_3415 = arith.addf %add3A_3411, %gather3A_3414 : vector<16xf32>
        %broadcast_in_dim3A_3416 = arith.constant 2 : i32
        %broadcast_in_dim3A_3417 = vector.broadcast %broadcast_in_dim3A_3416 : i32 to vector<16xi32>
        %gather3A_3418 = tpu.vector_load_idx %arg14[%iota3A, %broadcast_in_dim3A_3417] : memref<16x16xf32, #tpu.memory_space<vmem>>[vector<16xi32>, vector<16xi32>], vector<16xf32>,
        %add3A_3419 = arith.addf %add3A_3415, %gather3A_3418 : vector<16xf32>
        %broadcast_in_dim3A_3420 = arith.constant 3 : i32
        %broadcast_in_dim3A_3421 = vector.broadcast %broadcast_in_dim3A_3420 : i32 to vector<16xi32>
        %gather3A_3422 = tpu.vector_load_idx %arg14[%iota3A, %broadcast_in_dim3A_3421] : memref<16x16xf32, #tpu.memory_space<vmem>>[vector<16xi32>, vector<16xi32>], vector<16xf32>,
        %add3A_3423 = arith.addf %add3A_3419, %gather3A_3422 : vector<16xf32>
        %broadcast_in_dim3A_3424 = arith.constant 4 : i32
        %broadcast_in_dim3A_3425 = vector.broadcast %broadcast_in_dim3A_3424 : i32 to vector<16xi32>
        %gather3A_3426 = tpu.vector_load_idx %arg14[%iota3A, %broadcast_in_dim3A_3425] : memref<16x16xf32, #tpu.memory_space<vmem>>[vector<16xi32>, vector<16xi32>], vector<16xf32>,
        %add3A_3427 = arith.addf %add3A_3423, %gather3A_3426 : vector<16xf32>
        %broadcast_in_dim3A_3428 = arith.constant 5 : i32
        %broadcast_in_dim3A_3429 = vector.broadcast %broadcast_in_dim3A_3428 : i32 to vector<16xi32>
        %gather3A_3430 = tpu.vector_load_idx %arg14[%iota3A, %broadcast_in_dim3A_3429] : memref<16x16xf32, #tpu.memory_space<vmem>>[vector<16xi32>, vector<16xi32>], vector<16xf32>,
        %add3A_3431 = arith.addf %add3A_3427, %gather3A_3430 : vector<16xf32>
        %broadcast_in_dim3A_3432 = arith.constant 6 : i32
        %broadcast_in_dim3A_3433 = vector.broadcast %broadcast_in_dim3A_3432 : i32 to vector<16xi32>
        %gather3A_3434 = tpu.vector_load_idx %arg14[%iota3A, %broadcast_in_dim3A_3433] : memref<16x16xf32, #tpu.memory_space<vmem>>[vector<16xi32>, vector<16xi32>], vector<16xf32>,
        %add3A_3435 = arith.addf %add3A_3431, %gather3A_3434 : vector<16xf32>
        %broadcast_in_dim3A_3436 = arith.constant 7 : i32
        %broadcast_in_dim3A_3437 = vector.broadcast %broadcast_in_dim3A_3436 : i32 to vector<16xi32>
        %gather3A_3438 = tpu.vector_load_idx %arg14[%iota3A, %broadcast_in_dim3A_3437] : memref<16x16xf32, #tpu.memory_space<vmem>>[vector<16xi32>, vector<16xi32>], vector<16xf32>,
        %add3A_3439 = arith.addf %add3A_3435, %gather3A_3438 : vector<16xf32>
        %broadcast_in_dim3A_3440 = arith.constant 8 : i32
        %broadcast_in_dim3A_3441 = vector.broadcast %broadcast_in_dim3A_3440 : i32 to vector<16xi32>
        %gather3A_3442 = tpu.vector_load_idx %arg14[%iota3A, %broadcast_in_dim3A_3441] : memref<16x16xf32, #tpu.memory_space<vmem>>[vector<16xi32>, vector<16xi32>], vector<16xf32>,
        %add3A_3443 = arith.addf %add3A_3439, %gather3A_3442 : vector<16xf32>
        %broadcast_in_dim3A_3444 = arith.constant 9 : i32
        %broadcast_in_dim3A_3445 = vector.broadcast %broadcast_in_dim3A_3444 : i32 to vector<16xi32>
        %gather3A_3446 = tpu.vector_load_idx %arg14[%iota3A, %broadcast_in_dim3A_3445] : memref<16x16xf32, #tpu.memory_space<vmem>>[vector<16xi32>, vector<16xi32>], vector<16xf32>,
        %add3A_3447 = arith.addf %add3A_3443, %gather3A_3446 : vector<16xf32>
        %broadcast_in_dim3A_3448 = arith.constant 10 : i32
        %broadcast_in_dim3A_3449 = vector.broadcast %broadcast_in_dim3A_3448 : i32 to vector<16xi32>
        %gather3A_3450 = tpu.vector_load_idx %arg14[%iota3A, %broadcast_in_dim3A_3449] : memref<16x16xf32, #tpu.memory_space<vmem>>[vector<16xi32>, vector<16xi32>], vector<16xf32>,
        %add3A_3451 = arith.addf %add3A_3447, %gather3A_3450 : vector<16xf32>
        %broadcast_in_dim3A_3452 = arith.constant 11 : i32
        %broadcast_in_dim3A_3453 = vector.broadcast %broadcast_in_dim3A_3452 : i32 to vector<16xi32>
        %gather3A_3454 = tpu.vector_load_idx %arg14[%iota3A, %broadcast_in_dim3A_3453] : memref<16x16xf32, #tpu.memory_space<vmem>>[vector<16xi32>, vector<16xi32>], vector<16xf32>,
        %add3A_3455 = arith.addf %add3A_3451, %gather3A_3454 : vector<16xf32>
        %broadcast_in_dim3A_3456 = arith.constant 12 : i32
        %broadcast_in_dim3A_3457 = vector.broadcast %broadcast_in_dim3A_3456 : i32 to vector<16xi32>
        %gather3A_3458 = tpu.vector_load_idx %arg14[%iota3A, %broadcast_in_dim3A_3457] : memref<16x16xf32, #tpu.memory_space<vmem>>[vector<16xi32>, vector<16xi32>], vector<16xf32>,
        %add3A_3459 = arith.addf %add3A_3455, %gather3A_3458 : vector<16xf32>
        %broadcast_in_dim3A_3460 = arith.constant 13 : i32
        %broadcast_in_dim3A_3461 = vector.broadcast %broadcast_in_dim3A_3460 : i32 to vector<16xi32>
        %gather3A_3462 = tpu.vector_load_idx %arg14[%iota3A, %broadcast_in_dim3A_3461] : memref<16x16xf32, #tpu.memory_space<vmem>>[vector<16xi32>, vector<16xi32>], vector<16xf32>,
        %add3A_3463 = arith.addf %add3A_3459, %gather3A_3462 : vector<16xf32>
        %broadcast_in_dim3A_3464 = arith.constant 14 : i32
        %broadcast_in_dim3A_3465 = vector.broadcast %broadcast_in_dim3A_3464 : i32 to vector<16xi32>
        %gather3A_3466 = tpu.vector_load_idx %arg14[%iota3A, %broadcast_in_dim3A_3465] : memref<16x16xf32, #tpu.memory_space<vmem>>[vector<16xi32>, vector<16xi32>], vector<16xf32>,
        %add3A_3467 = arith.addf %add3A_3463, %gather3A_3466 : vector<16xf32>
        %broadcast_in_dim3A_3468 = arith.constant 15 : i32
        %broadcast_in_dim3A_3469 = vector.broadcast %broadcast_in_dim3A_3468 : i32 to vector<16xi32>
        %gather3A_3470 = tpu.vector_load_idx %arg14[%iota3A, %broadcast_in_dim3A_3469] : memref<16x16xf32, #tpu.memory_space<vmem>>[vector<16xi32>, vector<16xi32>], vector<16xf32>,
        %add3A_3471 = arith.addf %add3A_3467, %gather3A_3470 : vector<16xf32>
        %mul3A_3472 = arith.constant 128 : i32
        %mul3A_3473 = arith.muli %scan3A_7, %mul3A_3472 : i32
        %mul3A_3474 = arith.constant 16 : i32
        %mul3A_3475 = arith.muli %scan3A_34, %mul3A_3474 : i32
        %add3A_3476 = arith.addi %mul3A_3473, %mul3A_3475 : i32
        %swap3A_3477 = arith.index_cast %add3A_3476 : i32 to index
        %swap3A_3478 = tpu.vector_load %arg15[%swap3A_3477] {strides = array<i32>} : memref<512xf32, #tpu.memory_space<vmem>>, vector<16xf32>,
        tpu.vector_store %arg15[%swap3A_3477], %add3A_3471 {strides = array<i32>} : memref<512xf32, #tpu.memory_space<vmem>>, vector<16xf32>,
      }
      %scan3A_33 = arith.constant 8 : i32
    }
    %scan3A_4 = arith.constant 4 : i32
    %mul3A_5 = arith.constant 512 : i32
    %mul3A_6 = arith.muli %add3A, %mul3A_5 : i32
    "tpu.region"() ({
      %run_scoped3A = tpu.sem_alloc : memref<!tpu.dma_semaphore, #tpu.memory_space<semaphore_mem>>
      %dma_start3A = tpu.memref_slice %arg7[%mul3A_6] : memref<16384xf32, #tpu.memory_space<hbm>> -> memref<512xf32, #tpu.memory_space<hbm>>
      %dma_start3A_7 = tpu.memref_slice %arg7[%mul3A_6] : memref<16384xf32, #tpu.memory_space<hbm>> -> memref<512xf32, #tpu.memory_space<hbm>>
      tpu.enqueue_dma source(%arg15 : memref<512xf32, #tpu.memory_space<vmem>>) target(%dma_start3A_7 : memref<512xf32, #tpu.memory_space<hbm>>) target_semaphore(%run_scoped3A : memref<!tpu.dma_semaphore, #tpu.memory_space<semaphore_mem>>)
      %dma_wait3A = tpu.memref_slice %arg7[%mul3A_6] : memref<16384xf32, #tpu.memory_space<hbm>> -> memref<512xf32, #tpu.memory_space<hbm>>
      %dma_wait3A_8 = tpu.memref_slice %arg7[%mul3A_6] : memref<16384xf32, #tpu.memory_space<hbm>> -> memref<512xf32, #tpu.memory_space<hbm>>
      tpu.wait_dma2 semaphore(%run_scoped3A : memref<!tpu.dma_semaphore, #tpu.memory_space<semaphore_mem>>) src(%arg15 : memref<512xf32, #tpu.memory_space<vmem>>) dst(%dma_wait3A_8 : memref<512xf32, #tpu.memory_space<hbm>>)
      tpu.yield
    }) : () -> ()
    return
  }
}

</mosaic_0001>

<sc_bundles>
// kernel: complex_score_sc.3.cloned.1.call-start
scs
__scs_entry_jumppad:
0x0: {  	(pc) =	sbr.rel $0x88, $3  }
0x1: {  	(tag) =	ssettag $0x0;
	lr =	simm.s32 $0x1  }
0x2: {  	[smem:$0x3F9A] =	sst lr;
	_ =	strace $0xD0000000  }
0x3: {  	_ = 	snop  }
0x4: {  	_ = 	snop  }
0x5: {  	_ = 	snop  }
0x6: {  	_ = 	snop  }
0x7: {  	_ = 	snop  }
__scs_overlays_trampoline_lowered:
0x8: {  	[smem:$0x3FA9] =	sst s0  }
0x9: {  	[smem:$0x3FAA] =	sst s1  }
0xa: {  	[smem:$0x3FAB] =	sst s2  }
0xb: {  	[smem:$0x3FAC] =	sst s3  }
0xc: {  	[smem:$0x3FAD] =	sst s4  }
0xd: {  	[smem:$0x3FAE] =	sst s5  }
0xe: {  	[smem:$0x3FAF] =	sst s6  }
0xf: {  	[smem:$0x3FB0] =	sst s7  }
0x10: {  	[smem:$0x3FB1] =	sst s8  }
0x11: {  	[smem:$0x3FB2] =	sst s9;
	s0 =	simm.s32 @!p0 $0x0  }
0x12: {  	s1 =	sld [smem:$0x3F98];
	s0 =	simm.s32 @p0 $0x1  }
0x13: {  	[smem:$0x3FB3] =	sst s0;
	s0 =	simm.s32 @!p1 $0x0  }
0x14: {  	s2 =	sld [smem:$0x3F97];
	s0 =	simm.s32 @p1 $0x1  }
0x15: {  	[smem:$0x3FB4] =	sst s0;
	s0 =	simm.s32 @!p2 $0x0  }
0x16: {  	s3 =	sld [smem:$0x3FDB];
	s0 =	simm.s32 @p2 $0x1  }
0x17: {  	s4 =	simm.s32 $0x1BF5;
	[smem:$0x3FB6] =	sst s0  }
0x18: {  	s0 =	sld [smem:$0x3F99];
	_ =	swait.ge [sflag:s4], $0x0  }
0x19: {  	s7 =	sld [smem:$0x3F9A]  }
0x1a: {  	s8 =	sadd.s32 $0xFFFFE003, lr  }
0x1b: {  	s9 =	sadd.s32 $0xFFFFFEF7, lr;
	s5 =	simm.s32 $0xFFFFFFFF;
	p2 =	slt.u32 s8, $0xFFFFF086  }
0x1c: {  	p1 =	slt.u32 s9, $0xF7A;
	s5 =	simm.s32 @!p2 $0x0  }
0x1d: {  	s5 =	simm.s32 @p1 $0x1;
	p0 =	seq.s32 s7, s2  }
0x1e: {  	s7 =	smul.u32 @!p0 $0xF7A, s2;
	p2 =	seq.s32 @!p0 s5, $0x0  }
0x1f: {  	s9 =	smul.u32 $0xF7A, s1;
	s8 =	simm.s32 @!p0 $0x1BF5;
	p2 =	por !p2, p0  }
0x20: {  	[sflag:s8] =	ssyncset.s32 @!p0 $0xFFFFF086;
	s6 =	sadd.s32 @!p0 s3, s7;
	s7 =	simm.s32 @!p0 $0x108  }
0x21: {  	s3 =	sadd.s32 s3, s9;
	s6 =	sadd.s32 @!p0 $0x88, s6;
	s7 =	simm.s32 @p2 $0x1082  }
0x22: {  	[simem:s7], [sflag:s8] =	dma.local @!p0 [hbm:s6], $0xF7A  }
0x23: {  	s9 =	sor.u32 $0xD0000000, s2;
	s6 =	simm.s32 $0x108;
	_ =	swait.ge @!p0 [sflag:s8], $0x0  }
0x24: {  	s3 =	sadd.s32 $0x88, s3;
	s6 =	simm.s32 @!p1 $0x1082;
	[sflag:s4] =	ssyncset.s32 $0xFFFFF086  }
0x25: {  	[simem:s6], [sflag:s4] =	dma.local [hbm:s3], $0xF7A  }
0x26: {  	[smem:$0x3F9A] =	sst s1;
	(tag) =	ssettag s2;
	_ =	strace s9  }
0x27: {  	s1 =	sld [smem:$0x3FAA]  }
0x28: {  	s2 =	sld [smem:$0x3FAB]  }
0x29: {  	s4 =	sld [smem:$0x3FAD]  }
0x2a: {  	p0 =	seq.s32 s5, $0x0;
	s5 =	sld [smem:$0x3FAE]  }
0x2b: {  	s6 =	sld [smem:$0x3FAF]  }
0x2c: {  	s7 =	sld [smem:$0x3FB0]  }
0x2d: {  	s3 =	simm.s32 $0x108;
	s8 =	sld [smem:$0x3FB1]  }
0x2e: {  	s3 =	simm.s32 @!p0 $0x1082;
	s9 =	sld [smem:$0x3FB2]  }
0x2f: {  	lr =	sadd.s32 s0, s3;
	s0 =	sld [smem:$0x3FA9]  }
0x30: {  	s3 =	sld [smem:$0x3FAC]  }
0x31: {  	[smem:$0x3FB5] =	sst s10  }
0x32: {  	s10 =	sld [smem:$0x3FB3];
	_ =	sdelay $0x3  }
0x33: {  	p0 =	seq.s32 s10, $0x1;
	s10 =	sld [smem:$0x3FB5];
	_ =	sdelay $0x3  }
0x34: {  	[smem:$0x3FB5] =	sst s10  }
0x35: {  	s10 =	sld [smem:$0x3FB4];
	_ =	sdelay $0x3  }
0x36: {  	p1 =	seq.s32 s10, $0x1;
	s10 =	sld [smem:$0x3FB5];
	_ =	sdelay $0x3  }
0x37: {  	[smem:$0x3FB5] =	sst s10  }
0x38: {  	s10 =	sld [smem:$0x3FB6]  }
0x39: {  	_ = 	snop;
	(pc) =	sbr.ind lr, $3  }
0x3a: {  	_ = 	snop  }
0x3b: {  	_ = 	snop  }
0x3c: {  	p2 =	seq.s32 s10, $0x1;
	s10 =	sld [smem:$0x3FB5]  }
0x3d: {  	_ =	shalt  }
0x3e: {  	_ =	shalt  }
0x3f: {  	_ =	shalt  }
0x40: {  	_ =	shalt  }
0x41: {  	_ =	shalt  }
0x42: {  	_ =	shalt  }
0x43: {  	_ =	shalt  }
0x44: {  	_ =	shalt  }
0x45: {  	_ =	shalt  }
0x46: {  	_ =	shalt  }
0x47: {  	_ =	shalt  }
0x48: {  	_ =	shalt  }
0x49: {  	_ =	shalt  }
0x4a: {  	_ =	shalt  }
0x4b: {  	_ =	shalt  }
0x4c: {  	_ =	shalt  }
0x4d: {  	_ =	shalt  }
0x4e: {  	_ =	shalt  }
0x4f: {  	_ =	shalt  }
0x50: {  	_ =	shalt  }
0x51: {  	_ =	shalt  }
0x52: {  	_ =	shalt  }
0x53: {  	_ =	shalt  }
0x54: {  	_ =	shalt  }
0x55: {  	_ =	shalt  }
0x56: {  	_ =	shalt  }
0x57: {  	_ =	shalt  }
0x58: {  	_ =	shalt  }
0x59: {  	_ =	shalt  }
0x5a: {  	_ =	shalt  }
0x5b: {  	_ =	shalt  }
0x5c: {  	_ =	shalt  }
0x5d: {  	_ =	shalt  }
0x5e: {  	_ =	shalt  }
0x5f: {  	_ =	shalt  }
0x60: {  	_ =	shalt  }
0x61: {  	_ =	shalt  }
0x62: {  	_ =	shalt  }
0x63: {  	_ =	shalt  }
0x64: {  	_ =	shalt  }
0x65: {  	_ =	shalt  }
0x66: {  	_ =	shalt  }
0x67: {  	_ =	shalt  }
0x68: {  	_ =	shalt  }
0x69: {  	_ =	shalt  }
0x6a: {  	_ =	shalt  }
0x6b: {  	_ =	shalt  }
0x6c: {  	_ =	shalt  }
0x6d: {  	_ =	shalt  }
0x6e: {  	_ =	shalt  }
0x6f: {  	_ =	shalt  }
0x70: {  	_ =	shalt  }
0x71: {  	_ =	shalt  }
0x72: {  	_ =	shalt  }
0x73: {  	_ =	shalt  }
0x74: {  	_ =	shalt  }
0x75: {  	_ =	shalt  }
0x76: {  	_ =	shalt  }
0x77: {  	_ =	shalt  }
0x78: {  	_ =	shalt  }
0x79: {  	_ =	shalt  }
0x7a: {  	_ =	shalt  }
0x7b: {  	_ =	shalt  }
0x7c: {  	_ =	shalt  }
0x7d: {  	_ =	shalt  }
0x7e: {  	_ =	shalt  }
0x7f: {  	_ =	shalt  }
0x80: {  	_ =	shalt  }
0x81: {  	_ =	shalt  }
0x82: {  	_ =	shalt  }
0x83: {  	_ =	shalt  }
0x84: {  	_ =	shalt  }
0x85: {  	_ =	shalt  }
0x86: {  	_ =	shalt  }
0x87: {  	_ =	shalt  }
.Lfunc_end0:
.L_simem_size_0:
called_computation_lowered:
.L_overlay_start_0:
0x88: {  	s2 =	sld [smem:$0x3FD9]  }
0x89: {  	s3 =	sld [smem:$0x3FFE];
	_ =	sdelay $0x1  }
0x8a: {  	s1 =	srdreg.scid  }
0x8b: {  	s0 =	sand.u32 $0x1, s1  }
0x8c: {  	s17 =	sshll.u32 s0, $0xA;
	s2 =	sadd.s32 s3, s2  }
0x8d: {  	s2 =	sadd.s32 s2, s17  }
0x8e: {  	[smem:$0x3FC1] =	sst s2  }
0x8f: {  	_ = 	snop  }
0x90: {  	s2 =	sld [smem:$0x3FC9]  }
0x91: {  	s18 =	sld [smem:$0x3FC8]  }
0x92: {  	s4 =	sld [smem:$0x3FC7]  }
0x93: {  	s5 =	sld [smem:$0x3FD0];
	(tm) =	ssettm $0x1  }
0x94: {  	s6 =	sld [smem:$0x3FFB];
	_ =	sdelay $0x3  }
0x95: {  	_ =	strace s6  }
0x96: {  	s6 =	sld [smem:$0x3FFC];
	_ =	sdelay $0x3  }
0x97: {  	_ =	strace s6  }
0x98: {  	s6 =	sld [smem:$0x3FFD];
	_ =	sdelay $0x3  }
0x99: {  	_ =	strace s6  }
0x9a: {  	_ =	strace $0x8FFFFFFF  }
0x9b: {  	s19 =	sld [smem:$0x3FDB];
	_ =	sdelay $0x1  }
0x9c: {  	s7 =	simm.s32 $_scs_section_size  }
0x9d: {  	s8 =	simm.s32 $_size__tile_overlayer_lowered;
	s9 =	simm.s32 $_tile_overlayer_lowered  }
0x9e: {  	s22 =	simm.s32 $0x1BFF;
	s21 =	sshll.u32 s9, $0x1;
	s6 =	sadd.s32 s7, s19  }
0x9f: {  	s10 =	simm.s32 $0x0;
	s20 =	sshll.u32 s8, $0x1;
	s8 =	sadd.s32 s21, s6  }
0xa0: {  	[timem:s10], [sflag:s22] =	dma.local [hbm:s8], s20  }
0xa1: {  	_ =	swait.ge [sflag:s22], s20  }
0xa2: {  	s7 =	ssub.s32 $0x0, s20;
	[sflag:s22] =	ssyncset.done $0x0  }
0xa3: {  	[sflag:s22] =	ssyncadd.s32 s7;
	_ =	sdelay $0x1  }
0xa4: {  	s23 =	simm.s32 $0x1B8B  }
0xa5: {  	_ =	swait.ge [sflag:s23], $0x1  }
0xa6: {  	[sflag:s23] =	ssyncset.done $0x0  }
0xa7: {  	s25 =	simm.s32 $0x1B8E;
	s24 =	sld [smem:$0x3FFE];
	[sflag:s23] =	ssyncadd.s32 $0xFFFFFFFF  }
0xa8: {  	s26 =	simm.s32 $execute0_lowered;
	[smem:$0x3FD2] =	sst s25  }
0xa9: {  	s8 =	sshll.u32 s26, $0x1;
	_ =	strace $0x80000046;
	[dreg:$0x1] =	wrdreg $0xFFFFFFFF  }
0xaa: {  	s28 =	simm.s32 $_size_execute0_lowered;
	s6 =	sadd.s32 s6, s8;
	[dreg:$0x0] =	wrdreg $0x0  }
0xab: {  	s8 =	sshll.u32 s28, $0x1;
	[dreg:$0x2] =	wrdreg s6  }
0xac: {  	[dreg:$0x3] =	wrdreg s8  }
0xad: {  	[dreg:$0x4] =	wrdreg $0xC0  }
0xae: {  	_ =	task [dreg:s10], $0x5FFFF  }
0xaf: {  	[dreg:$0x1] =	wrdreg $0xFFFFFFFF  }
0xb0: {  	[dreg:$0x0] =	wrdreg $0x60  }
0xb1: {  	[dreg:$0x2] =	wrdreg s2  }
0xb2: {  	[dreg:$0x3] =	wrdreg s18  }
0xb3: {  	[dreg:$0x4] =	wrdreg s4  }
0xb4: {  	[dreg:$0x5] =	wrdreg s24  }
0xb5: {  	[dreg:$0x6] =	wrdreg s5  }
0xb6: {  	[dreg:$0x7] =	wrdreg $0x9  }
0xb7: {  	_ =	task.clear_ibuf [dreg:s10], $0x8FFFF;
	_ =	strace $0x90000046  }
0xb8: {  	s29 =	simm.s32 $0x9;
	_ =	strace $0x80000048  }
0xb9: {  	_ =	swait.ge [sflag:s29], $0x1  }
0xba: {  	[sflag:s29] =	ssyncadd.s32 $0xFFFFFFFF  }
0xbb: {  	_ =	strace $0x90000048  }
0xbc: {  	_ =	sfence  }
0xbd: {  	s30 =	sld [smem:$0x0];
	_ =	sdelay $0x2  }
0xbe: {  	s31 =	sshll.u32 s1, $0xD;
	s1 =	sshrl.u32 s1, $0x2  }
0xbf: {  	s3 =	sand.u32 $0x4000, s31;
	s1 =	sadd.s32 s1, s30  }
0xc0: {  	s0 =	sor.u32 s3, s0;
	s1 =	sshll.u32 s1, $0x11  }
0xc1: {  	s0 =	sor.u32 s1, s0  }
0xc2: {  	s0 =	sadd.s32 $0x8F2B, s0  }
0xc3: {  	[sflag:s0] =	ssyncadd.remote.s32 $0x1  }
0xc4: {  	_ =	sfence.sel $0xFFFF  }
0xc5: {  	[dreg:$0x0] =	wrdreg $0xFFFFFFFF;
	(pc) =	sbr.abs _section_cstart, $3  }
0xc6: {  	[dreg:$0x1] =	wrdreg $0xFFFFFFFF  }
0xc7: {  	_ =	task.clear_ibuf [dreg:s10], $0x2FFFF;
	_ =	strace $0x9FFFFFFF  }
0xc8: {  	(tm) =	ssettm $0x7FFFFFFF  }
0xc9: {  	_ =	shalt  }
tec
execute0_lowered:
.L_overlay_start_1:
0x0: {  	(tag) =	ssettag $0x1  }
0x1: {  	s1 =	rddreg [dreg:$0x0]  }
0x2: {  	s2 =	rddreg [dreg:$0x1]  }
0x3: {  	s3 =	rddreg [dreg:$0x2]  }
0x4: {  	s7 =	rddreg [dreg:$0x3]  }
0x5: {  	s9 =	rddreg [dreg:$0x4]  }
0x6: {  	s0 =	rddreg [dreg:$0x5]  }
0x7: {  	s5 =	simm.s32 $0x0;
	s6 =	srdreg.scid;
	s4 =	stileid.u32  }
0x8: {  	v0 =	vlaneseq.u32;
	s13 =	simm.s32 $0x100;
	s14 =	simm.s32 $0x180;
	s15 =	simm.s32 $0x4180  }
0x9: {  	s16 =	simm.s32 $0x8180;
	s17 =	simm.s32 $0x1;
	s18 =	simm.s32 $0xC180;
	v0 =	vmul.u32 $0x80, v0  }
0xa: {  	s19 =	simm.s32 $0xC980;
	s20 =	simm.s32 $0x0;
	[smem:$0x7FF] =	sst s5  }
0xb: {  	s8 =	sand.u32 $0x1, s6;
	s6 =	sadd.s32 $0x1E8D400, s7;
	s11 =	sshll.u32 s4, $0x1;
	v1 =	vor.u32 $0x1, v0;
	v2 =	vor.u32 $0x2, v0;
	v3 =	vor.u32 $0x3, v0  }
0xc: {  	s7 =	sadd.s32 $0xC00, s7;
	s10 =	ssub.s32 $0x2, s8;
	s11 =	sor.u32 s8, s11;
	v4 =	vor.u32 $0x4, v0;
	v5 =	vor.u32 $0x5, v0;
	v6 =	vor.u32 $0x6, v0  }
0xd: {  	s12 =	sshrl.u32 s10, $0x1;
	s8 =	sshll.u32 s11, $0x9;
	s11 =	sshll.u32 s11, $0x6;
	v7 =	vor.u32 $0x7, v0;
	v8 =	vor.u32 $0x8, v0;
	v9 =	vor.u32 $0x9, v0  }
0xe: {  	_ =	strace $0x80000047;
	v10 =	vor.u32 $0xA, v0;
	v11 =	vor.u32 $0xB, v0;
	v12 =	vor.u32 $0xC, v0;
	s10 =	ssub.s32 s10, s12;
	s9 =	sadd.s32 s9, s11  }
0xf: {  	v13 =	vor.u32 $0xD, v0;
	v14 =	vor.u32 $0xE, v0;
	v15 =	vor.u32 $0xF, v0;
	s11 =	simm.s32 $0x2;
	s12 =	simm.s32 $0x80;
	s10 =	smax.u32 s10, $0x1  }
.LBB2_1:
0x10: {  	s21 =	simm.s32 $0x0  }
.LBB2_2:
0x11: {  	s23 =	sshll.u32 s21, $0x7  }
0x12: {  	s22 =	sadd.s32 s8, s23  }
0x13: {  	s24 =	sshrl.u32 s22, $0x3  }
0x14: {  	s22 =	simm.s32 $0x0;
	s25 =	sadd.s32 s1, s24  }
0x15: {  	[tilespmem:s22], [sflag:$0x2] =	stream.linear.gather [hbm4b:s25+s22], $0x80, $0x38;
	[tilespmem:$0xCB80] =	vst v63  }
0x16: {  	_ =	swait.ge [sflag:s11], $0x80  }
0x17: {  	[sflag:s11] =	ssyncset.done $0x0  }
0x18: {  	s31 =	sadd.s32 s2, s24;
	[sflag:s11] =	ssyncadd.s32 $0xFFFFFF80  }
0x19: {  	[tilespmem:s12], [sflag:$0x2] =	stream.linear.gather [hbm4b:s31+s22], $0x80, $0x38;
	[tilespmem:$0xCB80] =	vst v63  }
0x1a: {  	_ =	swait.ge [sflag:s11], $0x80  }
0x1b: {  	[sflag:s11] =	ssyncset.done $0x0  }
0x1c: {  	s24 =	sadd.s32 s3, s24;
	[sflag:s11] =	ssyncadd.s32 $0xFFFFFF80  }
0x1d: {  	[tilespmem:s13], [sflag:$0x2] =	stream.linear.gather [hbm4b:s24+s22], $0x80, $0x38;
	[tilespmem:$0xCB80] =	vst v63  }
0x1e: {  	_ =	swait.ge [sflag:s11], $0x80  }
0x1f: {  	[sflag:s11] =	ssyncset.done $0x0  }
0x20: {  	[sflag:s11] =	ssyncadd.s32 $0xFFFFFF80  }
0x21: {  	[tilespmem:s14], [sflag:$0x1] =	stream.indirect.gather [hbm4b:s6+s12], $0x80, s22, s12, $0xb8;
	[tilespmem:$0xCB80] =	vst v63  }
0x22: {  	_ = 	snop  }
0x23: {  	[tilespmem:s15], [sflag:$0x1] =	stream.indirect.gather [hbm4b:s6+s12], $0x80, s13, s12, $0xb8;
	[tilespmem:$0xCB80] =	vst v63  }
0x24: {  	_ = 	snop  }
0x25: {  	[tilespmem:s16], [sflag:$0x1] =	stream.indirect.gather [hbm4b:s7+s12], $0x80, s12, s12, $0xb8;
	[tilespmem:$0xCB80] =	vst v63  }
0x26: {  	_ =	swait.ge [sflag:s17], $0x4000  }
0x27: {  	[sflag:s17] =	ssyncset.done $0x0  }
0x28: {  	[sflag:s17] =	ssyncadd.s32 $0xFFFFC000  }
0x29: {  	_ =	swait.ge [sflag:s17], $0x4000  }
0x2a: {  	[sflag:s17] =	ssyncset.done $0x0  }
0x2b: {  	[sflag:s17] =	ssyncadd.s32 $0xFFFFC000  }
0x2c: {  	_ =	swait.ge [sflag:s17], $0x4000  }
0x2d: {  	s23 =	sadd.s32 $0xC980, s23;
	[sflag:s17] =	ssyncset.done $0x0  }
0x2e: {  	v16 =	vmov s23;
	[sflag:s17] =	ssyncadd.s32 $0xFFFFC000  }
.LBB2_3:
0x2f: {  	s23 =	sshll.u32 s22, $0xB  }
0x30: {  	v17 =	vld [tilespmem:s23+$0x180]  }
0x31: {  	v19 =	vld [tilespmem:s23+$0x4180]  }
0x32: {  	v20 =	vld [tilespmem:s23+$0x41C0]  }
0x33: {  	v21 =	vld [tilespmem:s23+$0x8180]  }
0x34: {  	v22 =	vld [tilespmem:s23+$0x81C0]  }
0x35: {  	v25 =	vld [tilespmem:s23+$0x4190]  }
0x36: {  	v26 =	vld [tilespmem:s23+$0x41D0]  }
0x37: {  	v27 =	vld [tilespmem:s23+$0x8190]  }
0x38: {  	v28 =	vld [tilespmem:s23+$0x81D0]  }
0x39: {  	v29 =	vld [tilespmem:s23+$0x41A0]  }
0x3a: {  	v30 =	vld [tilespmem:s23+$0x41E0]  }
0x3b: {  	v33 =	vld [tilespmem:s23+$0x81A0]  }
0x3c: {  	v46 =	vld [tilespmem:s23+$0x81E0]  }
0x3d: {  	v34 =	vld [tilespmem:s23+$0x41B0]  }
0x3e: {  	v48 =	vld [tilespmem:s23+$0x41F0];
	v31 =	vmul.f32 v21, v19  }
0x3f: {  	v49 =	vld [tilespmem:s23+$0x81B0];
	v32 =	vmul.f32 v22, v20;
	v20 =	vmul.f32 v21, v20  }
0x40: {  	v50 =	vld [tilespmem:s23+$0x81F0];
	v19 =	vmul.f32 v22, v19;
	v47 =	vmul.f32 v27, v25  }
0x41: {  	v18 =	vld [tilespmem:s23+$0x1C0];
	v27 =	vmul.f32 v27, v26;
	v26 =	vmul.f32 v28, v26  }
0x42: {  	v23 =	vld [tilespmem:s23+$0x190];
	v25 =	vmul.f32 v28, v25;
	v54 =	vmul.f32 v33, v29  }
0x43: {  	v24 =	vld [tilespmem:s23+$0x1D0];
	v55 =	vmul.f32 v46, v30;
	v30 =	vmul.f32 v33, v30  }
0x44: {  	v53 =	vld [tilespmem:s23+$0x1E0];
	v21 =	vmul.f32 v46, v29;
	v58 =	vmul.f32 v49, v34;
	v31 =	vadd.f32 v32, v31  }
0x45: {  	v52 =	vld [tilespmem:s23+$0x1A0];
	v59 =	vmul.f32 v50, v48;
	v19 =	vsub.f32 v20, v19;
	v22 =	vadd.f32 v26, v47  }
0x46: {  	v57 =	vld [tilespmem:s23+$0x1F0];
	v25 =	vsub.f32 v27, v25;
	v20 =	vmul.f32 v49, v48;
	v26 =	vmul.f32 v50, v34  }
0x47: {  	v56 =	vld [tilespmem:s23+$0x1B0];
	v21 =	vsub.f32 v30, v21;
	v17 =	vmul.f32 v31, v17;
	v18 =	vmul.f32 v19, v18  }
0x48: {  	v19 =	vmul.f32 v22, v23;
	v51 =	vmul.f32 v25, v24;
	v25 =	vadd.f32 v55, v54  }
0x49: {  	v60 =	vadd.f32 v59, v58;
	v21 =	vmul.f32 v21, v53;
	v20 =	vsub.f32 v20, v26  }
0x4a: {  	v17 =	vadd.f32 v18, v17;
	v18 =	vadd.f32 v51, v19;
	v19 =	vmul.f32 v25, v52  }
0x4b: {  	v20 =	vmul.f32 v20, v57  }
0x4c: {  	v17 =	vadd.f32 v18, v17;
	v18 =	vadd.f32 v21, v19;
	v19 =	vmul.f32 v60, v56;
	_ =	sdelay $0x1  }
0x4d: {  	v17 =	vadd.f32 v18, v17;
	v18 =	vadd.f32 v20, v19;
	_ =	sdelay $0x1  }
0x4e: {  	v17 =	vadd.f32 v18, v17;
	_ =	sdelay $0x1  }
0x4f: {  	[tilespmem:$0xC180] =	vst v17  }
0x50: {  	v17 =	vld [tilespmem:s23+$0x200]  }
0x51: {  	v19 =	vld [tilespmem:s23+$0x4200]  }
0x52: {  	v61 =	vld [tilespmem:s23+$0x4240]  }
0x53: {  	v62 =	vld [tilespmem:s23+$0x8200]  }
0x54: {  	v63 =	vld [tilespmem:s23+$0x8240]  }
0x55: {  	v38 =	vld [tilespmem:s23+$0x4210]  }
0x56: {  	v39 =	vld [tilespmem:s23+$0x4250]  }
0x57: {  	v40 =	vld [tilespmem:s23+$0x8210]  }
0x58: {  	v41 =	vld [tilespmem:s23+$0x8250]  }
0x59: {  	v42 =	vld [tilespmem:s23+$0x4220]  }
0x5a: {  	v43 =	vld [tilespmem:s23+$0x4260]  }
0x5b: {  	v46 =	vld [tilespmem:s23+$0x8220]  }
0x5c: {  	v47 =	vld [tilespmem:s23+$0x8260]  }
0x5d: {  	v49 =	vld [tilespmem:s23+$0x4230]  }
0x5e: {  	v50 =	vld [tilespmem:s23+$0x4270];
	v44 =	vmul.f32 v62, v19  }
0x5f: {  	v51 =	vld [tilespmem:s23+$0x8230];
	v45 =	vmul.f32 v63, v61;
	v20 =	vmul.f32 v62, v61  }
0x60: {  	v52 =	vld [tilespmem:s23+$0x8270];
	v19 =	vmul.f32 v63, v19;
	v48 =	vmul.f32 v40, v38  }
0x61: {  	v18 =	vld [tilespmem:s23+$0x240];
	v27 =	vmul.f32 v40, v39;
	v26 =	vmul.f32 v41, v39  }
0x62: {  	v36 =	vld [tilespmem:s23+$0x210];
	v25 =	vmul.f32 v41, v38;
	v56 =	vmul.f32 v46, v42  }
0x63: {  	v37 =	vld [tilespmem:s23+$0x250];
	v57 =	vmul.f32 v47, v43;
	v30 =	vmul.f32 v46, v43  }
0x64: {  	v55 =	vld [tilespmem:s23+$0x260];
	v21 =	vmul.f32 v47, v42;
	v60 =	vmul.f32 v51, v49;
	v31 =	vadd.f32 v45, v44  }
0x65: {  	v54 =	vld [tilespmem:s23+$0x220];
	v61 =	vmul.f32 v52, v50;
	v19 =	vsub.f32 v20, v19;
	v22 =	vadd.f32 v26, v48  }
0x66: {  	v59 =	vld [tilespmem:s23+$0x270];
	v25 =	vsub.f32 v27, v25;
	v20 =	vmul.f32 v51, v50;
	v26 =	vmul.f32 v52, v49  }
0x67: {  	v58 =	vld [tilespmem:s23+$0x230];
	v21 =	vsub.f32 v30, v21;
	v17 =	vmul.f32 v31, v17;
	v18 =	vmul.f32 v19, v18  }
0x68: {  	v19 =	vmul.f32 v22, v36;
	v53 =	vmul.f32 v25, v37;
	v25 =	vadd.f32 v57, v56  }
0x69: {  	v62 =	vadd.f32 v61, v60;
	v21 =	vmul.f32 v21, v55;
	v20 =	vsub.f32 v20, v26  }
0x6a: {  	v17 =	vadd.f32 v18, v17;
	v18 =	vadd.f32 v53, v19;
	v19 =	vmul.f32 v25, v54  }
0x6b: {  	v20 =	vmul.f32 v20, v59  }
0x6c: {  	v17 =	vadd.f32 v18, v17;
	v18 =	vadd.f32 v21, v19;
	v19 =	vmul.f32 v62, v58;
	_ =	sdelay $0x1  }
0x6d: {  	v17 =	vadd.f32 v18, v17;
	v18 =	vadd.f32 v20, v19;
	_ =	sdelay $0x1  }
0x6e: {  	v17 =	vadd.f32 v18, v17;
	_ =	sdelay $0x1  }
0x6f: {  	[tilespmem:$0xC200] =	vst v17  }
0x70: {  	v17 =	vld [tilespmem:s23+$0x280]  }
0x71: {  	v19 =	vld [tilespmem:s23+$0x4280]  }
0x72: {  	v63 =	vld [tilespmem:s23+$0x42C0]  }
0x73: {  	v36 =	vld [tilespmem:s23+$0x8280]  }
0x74: {  	v37 =	vld [tilespmem:s23+$0x82C0]  }
0x75: {  	v40 =	vld [tilespmem:s23+$0x4290]  }
0x76: {  	v41 =	vld [tilespmem:s23+$0x42D0]  }
0x77: {  	v42 =	vld [tilespmem:s23+$0x8290]  }
0x78: {  	v43 =	vld [tilespmem:s23+$0x82D0]  }
0x79: {  	v44 =	vld [tilespmem:s23+$0x42A0]  }
0x7a: {  	v45 =	vld [tilespmem:s23+$0x42E0]  }
0x7b: {  	v48 =	vld [tilespmem:s23+$0x82A0]  }
0x7c: {  	v49 =	vld [tilespmem:s23+$0x82E0]  }
0x7d: {  	v51 =	vld [tilespmem:s23+$0x42B0]  }
0x7e: {  	v52 =	vld [tilespmem:s23+$0x42F0];
	v46 =	vmul.f32 v36, v19  }
0x7f: {  	v53 =	vld [tilespmem:s23+$0x82B0];
	v47 =	vmul.f32 v37, v63;
	v20 =	vmul.f32 v36, v63  }
0x80: {  	v54 =	vld [tilespmem:s23+$0x82F0];
	v19 =	vmul.f32 v37, v19;
	v50 =	vmul.f32 v42, v40  }
0x81: {  	v18 =	vld [tilespmem:s23+$0x2C0];
	v27 =	vmul.f32 v42, v41;
	v26 =	vmul.f32 v43, v41  }
0x82: {  	v38 =	vld [tilespmem:s23+$0x290];
	v25 =	vmul.f32 v43, v40;
	v58 =	vmul.f32 v48, v44  }
0x83: {  	v39 =	vld [tilespmem:s23+$0x2D0];
	v59 =	vmul.f32 v49, v45;
	v30 =	vmul.f32 v48, v45  }
0x84: {  	v57 =	vld [tilespmem:s23+$0x2E0];
	v21 =	vmul.f32 v49, v44;
	v62 =	vmul.f32 v53, v51;
	v31 =	vadd.f32 v47, v46  }
0x85: {  	v56 =	vld [tilespmem:s23+$0x2A0];
	v63 =	vmul.f32 v54, v52;
	v19 =	vsub.f32 v20, v19;
	v22 =	vadd.f32 v26, v50  }
0x86: {  	v61 =	vld [tilespmem:s23+$0x2F0];
	v25 =	vsub.f32 v27, v25;
	v20 =	vmul.f32 v53, v52;
	v26 =	vmul.f32 v54, v51  }
0x87: {  	v60 =	vld [tilespmem:s23+$0x2B0];
	v21 =	vsub.f32 v30, v21;
	v17 =	vmul.f32 v31, v17;
	v18 =	vmul.f32 v19, v18  }
0x88: {  	v19 =	vmul.f32 v22, v38;
	v55 =	vmul.f32 v25, v39;
	v25 =	vadd.f32 v59, v58  }
0x89: {  	v35 =	vadd.f32 v63, v62;
	v21 =	vmul.f32 v21, v57;
	v20 =	vsub.f32 v20, v26  }
0x8a: {  	v17 =	vadd.f32 v18, v17;
	v18 =	vadd.f32 v55, v19;
	v19 =	vmul.f32 v25, v56  }
0x8b: {  	v20 =	vmul.f32 v20, v61  }
0x8c: {  	v17 =	vadd.f32 v18, v17;
	v18 =	vadd.f32 v21, v19;
	v19 =	vmul.f32 v35, v60;
	_ =	sdelay $0x1  }
0x8d: {  	v17 =	vadd.f32 v18, v17;
	v18 =	vadd.f32 v20, v19;
	_ =	sdelay $0x1  }
0x8e: {  	v17 =	vadd.f32 v18, v17;
	_ =	sdelay $0x1  }
0x8f: {  	[tilespmem:$0xC280] =	vst v17  }
0x90: {  	v17 =	vld [tilespmem:s23+$0x300]  }
0x91: {  	v19 =	vld [tilespmem:s23+$0x4300]  }
0x92: {  	v36 =	vld [tilespmem:s23+$0x4340]  }
0x93: {  	v37 =	vld [tilespmem:s23+$0x8300]  }
0x94: {  	v38 =	vld [tilespmem:s23+$0x8340]  }
0x95: {  	v41 =	vld [tilespmem:s23+$0x4310]  }
0x96: {  	v42 =	vld [tilespmem:s23+$0x4350]  }
0x97: {  	v43 =	vld [tilespmem:s23+$0x8310]  }
0x98: {  	v44 =	vld [tilespmem:s23+$0x8350]  }
0x99: {  	v45 =	vld [tilespmem:s23+$0x4320]  }
0x9a: {  	v46 =	vld [tilespmem:s23+$0x4360]  }
0x9b: {  	v49 =	vld [tilespmem:s23+$0x8320]  }
0x9c: {  	v50 =	vld [tilespmem:s23+$0x8360]  }
0x9d: {  	v52 =	vld [tilespmem:s23+$0x4330]  }
0x9e: {  	v53 =	vld [tilespmem:s23+$0x4370];
	v47 =	vmul.f32 v37, v19  }
0x9f: {  	v54 =	vld [tilespmem:s23+$0x8330];
	v48 =	vmul.f32 v38, v36;
	v20 =	vmul.f32 v37, v36  }
0xa0: {  	v55 =	vld [tilespmem:s23+$0x8370];
	v19 =	vmul.f32 v38, v19;
	v51 =	vmul.f32 v43, v41  }
0xa1: {  	v18 =	vld [tilespmem:s23+$0x340];
	v27 =	vmul.f32 v43, v42;
	v26 =	vmul.f32 v44, v42  }
0xa2: {  	v39 =	vld [tilespmem:s23+$0x310];
	v25 =	vmul.f32 v44, v41;
	v59 =	vmul.f32 v49, v45  }
0xa3: {  	v40 =	vld [tilespmem:s23+$0x350];
	v60 =	vmul.f32 v50, v46;
	v30 =	vmul.f32 v49, v46  }
0xa4: {  	v58 =	vld [tilespmem:s23+$0x360];
	v21 =	vmul.f32 v50, v45;
	v63 =	vmul.f32 v54, v52;
	v31 =	vadd.f32 v48, v47  }
0xa5: {  	v57 =	vld [tilespmem:s23+$0x320];
	v36 =	vmul.f32 v55, v53;
	v19 =	vsub.f32 v20, v19;
	v22 =	vadd.f32 v26, v51  }
0xa6: {  	v62 =	vld [tilespmem:s23+$0x370];
	v25 =	vsub.f32 v27, v25;
	v20 =	vmul.f32 v54, v53;
	v26 =	vmul.f32 v55, v52  }
0xa7: {  	v61 =	vld [tilespmem:s23+$0x330];
	v21 =	vsub.f32 v30, v21;
	v17 =	vmul.f32 v31, v17;
	v18 =	vmul.f32 v19, v18  }
0xa8: {  	v19 =	vmul.f32 v22, v39;
	v56 =	vmul.f32 v25, v40;
	v25 =	vadd.f32 v60, v59  }
0xa9: {  	v37 =	vadd.f32 v36, v63;
	v21 =	vmul.f32 v21, v58;
	v20 =	vsub.f32 v20, v26  }
0xaa: {  	v17 =	vadd.f32 v18, v17;
	v18 =	vadd.f32 v56, v19;
	v19 =	vmul.f32 v25, v57  }
0xab: {  	v20 =	vmul.f32 v20, v62  }
0xac: {  	v17 =	vadd.f32 v18, v17;
	v18 =	vadd.f32 v21, v19;
	v19 =	vmul.f32 v37, v61;
	_ =	sdelay $0x1  }
0xad: {  	v17 =	vadd.f32 v18, v17;
	v18 =	vadd.f32 v20, v19;
	_ =	sdelay $0x1  }
0xae: {  	v17 =	vadd.f32 v18, v17;
	_ =	sdelay $0x1  }
0xaf: {  	[tilespmem:$0xC300] =	vst v17  }
0xb0: {  	v17 =	vld [tilespmem:s23+$0x380]  }
0xb1: {  	v19 =	vld [tilespmem:s23+$0x4380]  }
0xb2: {  	v38 =	vld [tilespmem:s23+$0x43C0]  }
0xb3: {  	v39 =	vld [tilespmem:s23+$0x8380]  }
0xb4: {  	v40 =	vld [tilespmem:s23+$0x83C0]  }
0xb5: {  	v43 =	vld [tilespmem:s23+$0x4390]  }
0xb6: {  	v44 =	vld [tilespmem:s23+$0x43D0]  }
0xb7: {  	v45 =	vld [tilespmem:s23+$0x8390]  }
0xb8: {  	v46 =	vld [tilespmem:s23+$0x83D0]  }
0xb9: {  	v47 =	vld [tilespmem:s23+$0x43A0]  }
0xba: {  	v48 =	vld [tilespmem:s23+$0x43E0]  }
0xbb: {  	v51 =	vld [tilespmem:s23+$0x83A0]  }
0xbc: {  	v52 =	vld [tilespmem:s23+$0x83E0]  }
0xbd: {  	v54 =	vld [tilespmem:s23+$0x43B0]  }
0xbe: {  	v55 =	vld [tilespmem:s23+$0x43F0];
	v49 =	vmul.f32 v39, v19  }
0xbf: {  	v56 =	vld [tilespmem:s23+$0x83B0];
	v50 =	vmul.f32 v40, v38;
	v20 =	vmul.f32 v39, v38  }
0xc0: {  	v57 =	vld [tilespmem:s23+$0x83F0];
	v19 =	vmul.f32 v40, v19;
	v53 =	vmul.f32 v45, v43  }
0xc1: {  	v18 =	vld [tilespmem:s23+$0x3C0];
	v27 =	vmul.f32 v45, v44;
	v26 =	vmul.f32 v46, v44  }
0xc2: {  	v41 =	vld [tilespmem:s23+$0x390];
	v25 =	vmul.f32 v46, v43;
	v61 =	vmul.f32 v51, v47  }
0xc3: {  	v42 =	vld [tilespmem:s23+$0x3D0];
	v62 =	vmul.f32 v52, v48;
	v30 =	vmul.f32 v51, v48  }
0xc4: {  	v60 =	vld [tilespmem:s23+$0x3E0];
	v21 =	vmul.f32 v52, v47;
	v37 =	vmul.f32 v56, v54;
	v31 =	vadd.f32 v50, v49  }
0xc5: {  	v59 =	vld [tilespmem:s23+$0x3A0];
	v38 =	vmul.f32 v57, v55;
	v19 =	vsub.f32 v20, v19;
	v22 =	vadd.f32 v26, v53  }
0xc6: {  	v36 =	vld [tilespmem:s23+$0x3F0];
	v25 =	vsub.f32 v27, v25;
	v20 =	vmul.f32 v56, v55;
	v26 =	vmul.f32 v57, v54  }
0xc7: {  	v63 =	vld [tilespmem:s23+$0x3B0];
	v21 =	vsub.f32 v30, v21;
	v17 =	vmul.f32 v31, v17;
	v18 =	vmul.f32 v19, v18  }
0xc8: {  	v19 =	vmul.f32 v22, v41;
	v58 =	vmul.f32 v25, v42;
	v25 =	vadd.f32 v62, v61  }
0xc9: {  	v39 =	vadd.f32 v38, v37;
	v21 =	vmul.f32 v21, v60;
	v20 =	vsub.f32 v20, v26  }
0xca: {  	v17 =	vadd.f32 v18, v17;
	v18 =	vadd.f32 v58, v19;
	v19 =	vmul.f32 v25, v59  }
0xcb: {  	v20 =	vmul.f32 v20, v36  }
0xcc: {  	v17 =	vadd.f32 v18, v17;
	v18 =	vadd.f32 v21, v19;
	v19 =	vmul.f32 v39, v63;
	_ =	sdelay $0x1  }
0xcd: {  	v17 =	vadd.f32 v18, v17;
	v18 =	vadd.f32 v20, v19;
	_ =	sdelay $0x1  }
0xce: {  	v17 =	vadd.f32 v18, v17;
	_ =	sdelay $0x1  }
0xcf: {  	[tilespmem:$0xC380] =	vst v17  }
0xd0: {  	v17 =	vld [tilespmem:s23+$0x400]  }
0xd1: {  	v19 =	vld [tilespmem:s23+$0x4400]  }
0xd2: {  	v40 =	vld [tilespmem:s23+$0x4440]  }
0xd3: {  	v41 =	vld [tilespmem:s23+$0x8400]  }
0xd4: {  	v42 =	vld [tilespmem:s23+$0x8440]  }
0xd5: {  	v45 =	vld [tilespmem:s23+$0x4410]  }
0xd6: {  	v46 =	vld [tilespmem:s23+$0x4450]  }
0xd7: {  	v47 =	vld [tilespmem:s23+$0x8410]  }
0xd8: {  	v48 =	vld [tilespmem:s23+$0x8450]  }
0xd9: {  	v49 =	vld [tilespmem:s23+$0x4420]  }
0xda: {  	v50 =	vld [tilespmem:s23+$0x4460]  }
0xdb: {  	v53 =	vld [tilespmem:s23+$0x8420]  }
0xdc: {  	v54 =	vld [tilespmem:s23+$0x8460]  }
0xdd: {  	v56 =	vld [tilespmem:s23+$0x4430]  }
0xde: {  	v57 =	vld [tilespmem:s23+$0x4470];
	v51 =	vmul.f32 v41, v19  }
0xdf: {  	v58 =	vld [tilespmem:s23+$0x8430];
	v52 =	vmul.f32 v42, v40;
	v20 =	vmul.f32 v41, v40  }
0xe0: {  	v59 =	vld [tilespmem:s23+$0x8470];
	v19 =	vmul.f32 v42, v19;
	v55 =	vmul.f32 v47, v45  }
0xe1: {  	v18 =	vld [tilespmem:s23+$0x440];
	v27 =	vmul.f32 v47, v46;
	v26 =	vmul.f32 v48, v46  }
0xe2: {  	v43 =	vld [tilespmem:s23+$0x410];
	v25 =	vmul.f32 v48, v45;
	v63 =	vmul.f32 v53, v49  }
0xe3: {  	v44 =	vld [tilespmem:s23+$0x450];
	v35 =	vmul.f32 v54, v50;
	v30 =	vmul.f32 v53, v50  }
0xe4: {  	v62 =	vld [tilespmem:s23+$0x460];
	v21 =	vmul.f32 v54, v49;
	v38 =	vmul.f32 v58, v56;
	v31 =	vadd.f32 v52, v51  }
0xe5: {  	v61 =	vld [tilespmem:s23+$0x420];
	v39 =	vmul.f32 v59, v57;
	v19 =	vsub.f32 v20, v19;
	v22 =	vadd.f32 v26, v55  }
0xe6: {  	v37 =	vld [tilespmem:s23+$0x470];
	v25 =	vsub.f32 v27, v25;
	v20 =	vmul.f32 v58, v57;
	v26 =	vmul.f32 v59, v56  }
0xe7: {  	v36 =	vld [tilespmem:s23+$0x430];
	v21 =	vsub.f32 v30, v21;
	v17 =	vmul.f32 v31, v17;
	v18 =	vmul.f32 v19, v18  }
0xe8: {  	v19 =	vmul.f32 v22, v43;
	v60 =	vmul.f32 v25, v44;
	v25 =	vadd.f32 v35, v63  }
0xe9: {  	v40 =	vadd.f32 v39, v38;
	v21 =	vmul.f32 v21, v62;
	v20 =	vsub.f32 v20, v26  }
0xea: {  	v17 =	vadd.f32 v18, v17;
	v18 =	vadd.f32 v60, v19;
	v19 =	vmul.f32 v25, v61  }
0xeb: {  	v20 =	vmul.f32 v20, v37  }
0xec: {  	v17 =	vadd.f32 v18, v17;
	v18 =	vadd.f32 v21, v19;
	v19 =	vmul.f32 v40, v36;
	_ =	sdelay $0x1  }
0xed: {  	v17 =	vadd.f32 v18, v17;
	v18 =	vadd.f32 v20, v19;
	_ =	sdelay $0x1  }
0xee: {  	v17 =	vadd.f32 v18, v17;
	_ =	sdelay $0x1  }
0xef: {  	[tilespmem:$0xC400] =	vst v17  }
0xf0: {  	v17 =	vld [tilespmem:s23+$0x480]  }
0xf1: {  	v19 =	vld [tilespmem:s23+$0x4480]  }
0xf2: {  	v41 =	vld [tilespmem:s23+$0x44C0]  }
0xf3: {  	v42 =	vld [tilespmem:s23+$0x8480]  }
0xf4: {  	v43 =	vld [tilespmem:s23+$0x84C0]  }
0xf5: {  	v46 =	vld [tilespmem:s23+$0x4490]  }
0xf6: {  	v47 =	vld [tilespmem:s23+$0x44D0]  }
0xf7: {  	v48 =	vld [tilespmem:s23+$0x8490]  }
0xf8: {  	v49 =	vld [tilespmem:s23+$0x84D0]  }
0xf9: {  	v50 =	vld [tilespmem:s23+$0x44A0]  }
0xfa: {  	v51 =	vld [tilespmem:s23+$0x44E0]  }
0xfb: {  	v54 =	vld [tilespmem:s23+$0x84A0]  }
0xfc: {  	v55 =	vld [tilespmem:s23+$0x84E0]  }
0xfd: {  	v57 =	vld [tilespmem:s23+$0x44B0]  }
0xfe: {  	v58 =	vld [tilespmem:s23+$0x44F0];
	v52 =	vmul.f32 v42, v19  }
0xff: {  	v59 =	vld [tilespmem:s23+$0x84B0];
	v53 =	vmul.f32 v43, v41;
	v20 =	vmul.f32 v42, v41  }
0x100: {  	v60 =	vld [tilespmem:s23+$0x84F0];
	v19 =	vmul.f32 v43, v19;
	v56 =	vmul.f32 v48, v46  }
0x101: {  	v18 =	vld [tilespmem:s23+$0x4C0];
	v27 =	vmul.f32 v48, v47;
	v26 =	vmul.f32 v49, v47  }
0x102: {  	v44 =	vld [tilespmem:s23+$0x490];
	v25 =	vmul.f32 v49, v46;
	v36 =	vmul.f32 v54, v50  }
0x103: {  	v45 =	vld [tilespmem:s23+$0x4D0];
	v37 =	vmul.f32 v55, v51;
	v30 =	vmul.f32 v54, v51  }
0x104: {  	v63 =	vld [tilespmem:s23+$0x4E0];
	v21 =	vmul.f32 v55, v50;
	v40 =	vmul.f32 v59, v57;
	v31 =	vadd.f32 v53, v52  }
0x105: {  	v62 =	vld [tilespmem:s23+$0x4A0];
	v41 =	vmul.f32 v60, v58;
	v19 =	vsub.f32 v20, v19;
	v22 =	vadd.f32 v26, v56  }
0x106: {  	v39 =	vld [tilespmem:s23+$0x4F0];
	v25 =	vsub.f32 v27, v25;
	v20 =	vmul.f32 v59, v58;
	v26 =	vmul.f32 v60, v57  }
0x107: {  	v38 =	vld [tilespmem:s23+$0x4B0];
	v21 =	vsub.f32 v30, v21;
	v17 =	vmul.f32 v31, v17;
	v18 =	vmul.f32 v19, v18  }
0x108: {  	v19 =	vmul.f32 v22, v44;
	v61 =	vmul.f32 v25, v45;
	v25 =	vadd.f32 v37, v36  }
0x109: {  	v42 =	vadd.f32 v41, v40;
	v21 =	vmul.f32 v21, v63;
	v20 =	vsub.f32 v20, v26  }
0x10a: {  	v17 =	vadd.f32 v18, v17;
	v18 =	vadd.f32 v61, v19;
	v19 =	vmul.f32 v25, v62  }
0x10b: {  	v20 =	vmul.f32 v20, v39  }
0x10c: {  	v17 =	vadd.f32 v18, v17;
	v18 =	vadd.f32 v21, v19;
	v19 =	vmul.f32 v42, v38;
	_ =	sdelay $0x1  }
0x10d: {  	v17 =	vadd.f32 v18, v17;
	v18 =	vadd.f32 v20, v19;
	_ =	sdelay $0x1  }
0x10e: {  	v17 =	vadd.f32 v18, v17;
	_ =	sdelay $0x1  }
0x10f: {  	[tilespmem:$0xC480] =	vst v17  }
0x110: {  	v17 =	vld [tilespmem:s23+$0x500]  }
0x111: {  	v19 =	vld [tilespmem:s23+$0x4500]  }
0x112: {  	v43 =	vld [tilespmem:s23+$0x4540]  }
0x113: {  	v44 =	vld [tilespmem:s23+$0x8500]  }
0x114: {  	v45 =	vld [tilespmem:s23+$0x8540]  }
0x115: {  	v48 =	vld [tilespmem:s23+$0x4510]  }
0x116: {  	v49 =	vld [tilespmem:s23+$0x4550]  }
0x117: {  	v50 =	vld [tilespmem:s23+$0x8510]  }
0x118: {  	v51 =	vld [tilespmem:s23+$0x8550]  }
0x119: {  	v52 =	vld [tilespmem:s23+$0x4520]  }
0x11a: {  	v53 =	vld [tilespmem:s23+$0x4560]  }
0x11b: {  	v56 =	vld [tilespmem:s23+$0x8520]  }
0x11c: {  	v57 =	vld [tilespmem:s23+$0x8560]  }
0x11d: {  	v59 =	vld [tilespmem:s23+$0x4530]  }
0x11e: {  	v60 =	vld [tilespmem:s23+$0x4570];
	v54 =	vmul.f32 v44, v19  }
0x11f: {  	v61 =	vld [tilespmem:s23+$0x8530];
	v55 =	vmul.f32 v45, v43;
	v20 =	vmul.f32 v44, v43  }
0x120: {  	v62 =	vld [tilespmem:s23+$0x8570];
	v19 =	vmul.f32 v45, v19;
	v58 =	vmul.f32 v50, v48  }
0x121: {  	v18 =	vld [tilespmem:s23+$0x540];
	v27 =	vmul.f32 v50, v49;
	v26 =	vmul.f32 v51, v49  }
0x122: {  	v46 =	vld [tilespmem:s23+$0x510];
	v25 =	vmul.f32 v51, v48;
	v38 =	vmul.f32 v56, v52  }
0x123: {  	v47 =	vld [tilespmem:s23+$0x550];
	v39 =	vmul.f32 v57, v53;
	v30 =	vmul.f32 v56, v53  }
0x124: {  	v37 =	vld [tilespmem:s23+$0x560];
	v21 =	vmul.f32 v57, v52;
	v42 =	vmul.f32 v61, v59;
	v31 =	vadd.f32 v55, v54  }
0x125: {  	v36 =	vld [tilespmem:s23+$0x520];
	v43 =	vmul.f32 v62, v60;
	v19 =	vsub.f32 v20, v19;
	v22 =	vadd.f32 v26, v58  }
0x126: {  	v41 =	vld [tilespmem:s23+$0x570];
	v25 =	vsub.f32 v27, v25;
	v20 =	vmul.f32 v61, v60;
	v26 =	vmul.f32 v62, v59  }
0x127: {  	v40 =	vld [tilespmem:s23+$0x530];
	v21 =	vsub.f32 v30, v21;
	v17 =	vmul.f32 v31, v17;
	v18 =	vmul.f32 v19, v18  }
0x128: {  	v19 =	vmul.f32 v22, v46;
	v63 =	vmul.f32 v25, v47;
	v25 =	vadd.f32 v39, v38  }
0x129: {  	v44 =	vadd.f32 v43, v42;
	v21 =	vmul.f32 v21, v37;
	v20 =	vsub.f32 v20, v26  }
0x12a: {  	v17 =	vadd.f32 v18, v17;
	v18 =	vadd.f32 v63, v19;
	v19 =	vmul.f32 v25, v36  }
0x12b: {  	v20 =	vmul.f32 v20, v41  }
0x12c: {  	v17 =	vadd.f32 v18, v17;
	v18 =	vadd.f32 v21, v19;
	v19 =	vmul.f32 v44, v40;
	_ =	sdelay $0x1  }
0x12d: {  	v17 =	vadd.f32 v18, v17;
	v18 =	vadd.f32 v20, v19;
	_ =	sdelay $0x1  }
0x12e: {  	v17 =	vadd.f32 v18, v17;
	_ =	sdelay $0x1  }
0x12f: {  	[tilespmem:$0xC500] =	vst v17  }
0x130: {  	v17 =	vld [tilespmem:s23+$0x580]  }
0x131: {  	v19 =	vld [tilespmem:s23+$0x4580]  }
0x132: {  	v45 =	vld [tilespmem:s23+$0x45C0]  }
0x133: {  	v46 =	vld [tilespmem:s23+$0x8580]  }
0x134: {  	v47 =	vld [tilespmem:s23+$0x85C0]  }
0x135: {  	v50 =	vld [tilespmem:s23+$0x4590]  }
0x136: {  	v51 =	vld [tilespmem:s23+$0x45D0]  }
0x137: {  	v52 =	vld [tilespmem:s23+$0x8590]  }
0x138: {  	v53 =	vld [tilespmem:s23+$0x85D0]  }
0x139: {  	v54 =	vld [tilespmem:s23+$0x45A0]  }
0x13a: {  	v55 =	vld [tilespmem:s23+$0x45E0]  }
0x13b: {  	v58 =	vld [tilespmem:s23+$0x85A0]  }
0x13c: {  	v59 =	vld [tilespmem:s23+$0x85E0]  }
0x13d: {  	v61 =	vld [tilespmem:s23+$0x45B0]  }
0x13e: {  	v62 =	vld [tilespmem:s23+$0x45F0];
	v56 =	vmul.f32 v46, v19  }
0x13f: {  	v63 =	vld [tilespmem:s23+$0x85B0];
	v57 =	vmul.f32 v47, v45;
	v20 =	vmul.f32 v46, v45  }
0x140: {  	v36 =	vld [tilespmem:s23+$0x85F0];
	v19 =	vmul.f32 v47, v19;
	v60 =	vmul.f32 v52, v50  }
0x141: {  	v18 =	vld [tilespmem:s23+$0x5C0];
	v27 =	vmul.f32 v52, v51;
	v26 =	vmul.f32 v53, v51  }
0x142: {  	v48 =	vld [tilespmem:s23+$0x590];
	v25 =	vmul.f32 v53, v50;
	v40 =	vmul.f32 v58, v54  }
0x143: {  	v49 =	vld [tilespmem:s23+$0x5D0];
	v41 =	vmul.f32 v59, v55;
	v30 =	vmul.f32 v58, v55  }
0x144: {  	v39 =	vld [tilespmem:s23+$0x5E0];
	v21 =	vmul.f32 v59, v54;
	v44 =	vmul.f32 v63, v61;
	v31 =	vadd.f32 v57, v56  }
0x145: {  	v38 =	vld [tilespmem:s23+$0x5A0];
	v45 =	vmul.f32 v36, v62;
	v19 =	vsub.f32 v20, v19;
	v22 =	vadd.f32 v26, v60  }
0x146: {  	v43 =	vld [tilespmem:s23+$0x5F0];
	v25 =	vsub.f32 v27, v25;
	v20 =	vmul.f32 v63, v62;
	v26 =	vmul.f32 v36, v61  }
0x147: {  	v42 =	vld [tilespmem:s23+$0x5B0];
	v21 =	vsub.f32 v30, v21;
	v17 =	vmul.f32 v31, v17;
	v18 =	vmul.f32 v19, v18  }
0x148: {  	v19 =	vmul.f32 v22, v48;
	v37 =	vmul.f32 v25, v49;
	v25 =	vadd.f32 v41, v40  }
0x149: {  	v46 =	vadd.f32 v45, v44;
	v21 =	vmul.f32 v21, v39;
	v20 =	vsub.f32 v20, v26  }
0x14a: {  	v17 =	vadd.f32 v18, v17;
	v18 =	vadd.f32 v37, v19;
	v19 =	vmul.f32 v25, v38  }
0x14b: {  	v20 =	vmul.f32 v20, v43  }
0x14c: {  	v17 =	vadd.f32 v18, v17;
	v18 =	vadd.f32 v21, v19;
	v19 =	vmul.f32 v46, v42;
	_ =	sdelay $0x1  }
0x14d: {  	v17 =	vadd.f32 v18, v17;
	v18 =	vadd.f32 v20, v19;
	_ =	sdelay $0x1  }
0x14e: {  	v17 =	vadd.f32 v18, v17;
	_ =	sdelay $0x1  }
0x14f: {  	[tilespmem:$0xC580] =	vst v17  }
0x150: {  	v17 =	vld [tilespmem:s23+$0x600]  }
0x151: {  	v19 =	vld [tilespmem:s23+$0x4600]  }
0x152: {  	v47 =	vld [tilespmem:s23+$0x4640]  }
0x153: {  	v48 =	vld [tilespmem:s23+$0x8600]  }
0x154: {  	v49 =	vld [tilespmem:s23+$0x8640]  }
0x155: {  	v52 =	vld [tilespmem:s23+$0x4610]  }
0x156: {  	v53 =	vld [tilespmem:s23+$0x4650]  }
0x157: {  	v54 =	vld [tilespmem:s23+$0x8610]  }
0x158: {  	v55 =	vld [tilespmem:s23+$0x8650]  }
0x159: {  	v56 =	vld [tilespmem:s23+$0x4620]  }
0x15a: {  	v57 =	vld [tilespmem:s23+$0x4660]  }
0x15b: {  	v60 =	vld [tilespmem:s23+$0x8620]  }
0x15c: {  	v61 =	vld [tilespmem:s23+$0x8660]  }
0x15d: {  	v63 =	vld [tilespmem:s23+$0x4630]  }
0x15e: {  	v36 =	vld [tilespmem:s23+$0x4670];
	v58 =	vmul.f32 v48, v19  }
0x15f: {  	v37 =	vld [tilespmem:s23+$0x8630];
	v59 =	vmul.f32 v49, v47;
	v20 =	vmul.f32 v48, v47  }
0x160: {  	v38 =	vld [tilespmem:s23+$0x8670];
	v19 =	vmul.f32 v49, v19;
	v62 =	vmul.f32 v54, v52  }
0x161: {  	v18 =	vld [tilespmem:s23+$0x640];
	v27 =	vmul.f32 v54, v53;
	v26 =	vmul.f32 v55, v53  }
0x162: {  	v50 =	vld [tilespmem:s23+$0x610];
	v25 =	vmul.f32 v55, v52;
	v42 =	vmul.f32 v60, v56  }
0x163: {  	v51 =	vld [tilespmem:s23+$0x650];
	v43 =	vmul.f32 v61, v57;
	v30 =	vmul.f32 v60, v57  }
0x164: {  	v41 =	vld [tilespmem:s23+$0x660];
	v21 =	vmul.f32 v61, v56;
	v46 =	vmul.f32 v37, v63;
	v31 =	vadd.f32 v59, v58  }
0x165: {  	v40 =	vld [tilespmem:s23+$0x620];
	v47 =	vmul.f32 v38, v36;
	v19 =	vsub.f32 v20, v19;
	v22 =	vadd.f32 v26, v62  }
0x166: {  	v45 =	vld [tilespmem:s23+$0x670];
	v25 =	vsub.f32 v27, v25;
	v20 =	vmul.f32 v37, v36;
	v26 =	vmul.f32 v38, v63  }
0x167: {  	v44 =	vld [tilespmem:s23+$0x630];
	v21 =	vsub.f32 v30, v21;
	v17 =	vmul.f32 v31, v17;
	v18 =	vmul.f32 v19, v18  }
0x168: {  	v19 =	vmul.f32 v22, v50;
	v39 =	vmul.f32 v25, v51;
	v25 =	vadd.f32 v43, v42  }
0x169: {  	v48 =	vadd.f32 v47, v46;
	v21 =	vmul.f32 v21, v41;
	v20 =	vsub.f32 v20, v26  }
0x16a: {  	v17 =	vadd.f32 v18, v17;
	v18 =	vadd.f32 v39, v19;
	v19 =	vmul.f32 v25, v40  }
0x16b: {  	v20 =	vmul.f32 v20, v45  }
0x16c: {  	v17 =	vadd.f32 v18, v17;
	v18 =	vadd.f32 v21, v19;
	v19 =	vmul.f32 v48, v44;
	_ =	sdelay $0x1  }
0x16d: {  	v17 =	vadd.f32 v18, v17;
	v18 =	vadd.f32 v20, v19;
	_ =	sdelay $0x1  }
0x16e: {  	v17 =	vadd.f32 v18, v17;
	_ =	sdelay $0x1  }
0x16f: {  	[tilespmem:$0xC600] =	vst v17  }
0x170: {  	v17 =	vld [tilespmem:s23+$0x680]  }
0x171: {  	v19 =	vld [tilespmem:s23+$0x4680]  }
0x172: {  	v49 =	vld [tilespmem:s23+$0x46C0]  }
0x173: {  	v50 =	vld [tilespmem:s23+$0x8680]  }
0x174: {  	v51 =	vld [tilespmem:s23+$0x86C0]  }
0x175: {  	v54 =	vld [tilespmem:s23+$0x4690]  }
0x176: {  	v55 =	vld [tilespmem:s23+$0x46D0]  }
0x177: {  	v56 =	vld [tilespmem:s23+$0x8690]  }
0x178: {  	v57 =	vld [tilespmem:s23+$0x86D0]  }
0x179: {  	v58 =	vld [tilespmem:s23+$0x46A0]  }
0x17a: {  	v59 =	vld [tilespmem:s23+$0x46E0]  }
0x17b: {  	v62 =	vld [tilespmem:s23+$0x86A0]  }
0x17c: {  	v63 =	vld [tilespmem:s23+$0x86E0]  }
0x17d: {  	v37 =	vld [tilespmem:s23+$0x46B0]  }
0x17e: {  	v38 =	vld [tilespmem:s23+$0x46F0];
	v60 =	vmul.f32 v50, v19  }
0x17f: {  	v39 =	vld [tilespmem:s23+$0x86B0];
	v61 =	vmul.f32 v51, v49;
	v20 =	vmul.f32 v50, v49  }
0x180: {  	v40 =	vld [tilespmem:s23+$0x86F0];
	v19 =	vmul.f32 v51, v19;
	v36 =	vmul.f32 v56, v54  }
0x181: {  	v18 =	vld [tilespmem:s23+$0x6C0];
	v27 =	vmul.f32 v56, v55;
	v26 =	vmul.f32 v57, v55  }
0x182: {  	v52 =	vld [tilespmem:s23+$0x690];
	v25 =	vmul.f32 v57, v54;
	v44 =	vmul.f32 v62, v58  }
0x183: {  	v53 =	vld [tilespmem:s23+$0x6D0];
	v45 =	vmul.f32 v63, v59;
	v30 =	vmul.f32 v62, v59  }
0x184: {  	v43 =	vld [tilespmem:s23+$0x6E0];
	v21 =	vmul.f32 v63, v58;
	v48 =	vmul.f32 v39, v37;
	v31 =	vadd.f32 v61, v60  }
0x185: {  	v42 =	vld [tilespmem:s23+$0x6A0];
	v49 =	vmul.f32 v40, v38;
	v19 =	vsub.f32 v20, v19;
	v22 =	vadd.f32 v26, v36  }
0x186: {  	v47 =	vld [tilespmem:s23+$0x6F0];
	v25 =	vsub.f32 v27, v25;
	v20 =	vmul.f32 v39, v38;
	v26 =	vmul.f32 v40, v37  }
0x187: {  	v46 =	vld [tilespmem:s23+$0x6B0];
	v21 =	vsub.f32 v30, v21;
	v17 =	vmul.f32 v31, v17;
	v18 =	vmul.f32 v19, v18  }
0x188: {  	v19 =	vmul.f32 v22, v52;
	v41 =	vmul.f32 v25, v53;
	v25 =	vadd.f32 v45, v44  }
0x189: {  	v50 =	vadd.f32 v49, v48;
	v21 =	vmul.f32 v21, v43;
	v20 =	vsub.f32 v20, v26  }
0x18a: {  	v17 =	vadd.f32 v18, v17;
	v18 =	vadd.f32 v41, v19;
	v19 =	vmul.f32 v25, v42  }
0x18b: {  	v20 =	vmul.f32 v20, v47  }
0x18c: {  	v17 =	vadd.f32 v18, v17;
	v18 =	vadd.f32 v21, v19;
	v19 =	vmul.f32 v50, v46;
	_ =	sdelay $0x1  }
0x18d: {  	v17 =	vadd.f32 v18, v17;
	v18 =	vadd.f32 v20, v19;
	_ =	sdelay $0x1  }
0x18e: {  	v17 =	vadd.f32 v18, v17;
	_ =	sdelay $0x1  }
0x18f: {  	[tilespmem:$0xC680] =	vst v17  }
0x190: {  	v17 =	vld [tilespmem:s23+$0x700]  }
0x191: {  	v19 =	vld [tilespmem:s23+$0x4700]  }
0x192: {  	v51 =	vld [tilespmem:s23+$0x4740]  }
0x193: {  	v52 =	vld [tilespmem:s23+$0x8700]  }
0x194: {  	v53 =	vld [tilespmem:s23+$0x8740]  }
0x195: {  	v56 =	vld [tilespmem:s23+$0x4710]  }
0x196: {  	v57 =	vld [tilespmem:s23+$0x4750]  }
0x197: {  	v58 =	vld [tilespmem:s23+$0x8710]  }
0x198: {  	v59 =	vld [tilespmem:s23+$0x8750]  }
0x199: {  	v60 =	vld [tilespmem:s23+$0x4720]  }
0x19a: {  	v61 =	vld [tilespmem:s23+$0x4760]  }
0x19b: {  	v36 =	vld [tilespmem:s23+$0x8720]  }
0x19c: {  	v37 =	vld [tilespmem:s23+$0x8760]  }
0x19d: {  	v39 =	vld [tilespmem:s23+$0x4730]  }
0x19e: {  	v40 =	vld [tilespmem:s23+$0x4770];
	v62 =	vmul.f32 v52, v19  }
0x19f: {  	v41 =	vld [tilespmem:s23+$0x8730];
	v63 =	vmul.f32 v53, v51;
	v20 =	vmul.f32 v52, v51  }
0x1a0: {  	v42 =	vld [tilespmem:s23+$0x8770];
	v19 =	vmul.f32 v53, v19;
	v38 =	vmul.f32 v58, v56  }
0x1a1: {  	v18 =	vld [tilespmem:s23+$0x740];
	v27 =	vmul.f32 v58, v57;
	v26 =	vmul.f32 v59, v57  }
0x1a2: {  	v54 =	vld [tilespmem:s23+$0x710];
	v25 =	vmul.f32 v59, v56;
	v46 =	vmul.f32 v36, v60  }
0x1a3: {  	v55 =	vld [tilespmem:s23+$0x750];
	v47 =	vmul.f32 v37, v61;
	v30 =	vmul.f32 v36, v61  }
0x1a4: {  	v45 =	vld [tilespmem:s23+$0x760];
	v21 =	vmul.f32 v37, v60;
	v50 =	vmul.f32 v41, v39;
	v31 =	vadd.f32 v63, v62  }
0x1a5: {  	v44 =	vld [tilespmem:s23+$0x720];
	v51 =	vmul.f32 v42, v40;
	v19 =	vsub.f32 v20, v19;
	v22 =	vadd.f32 v26, v38  }
0x1a6: {  	v49 =	vld [tilespmem:s23+$0x770];
	v25 =	vsub.f32 v27, v25;
	v20 =	vmul.f32 v41, v40;
	v26 =	vmul.f32 v42, v39  }
0x1a7: {  	v48 =	vld [tilespmem:s23+$0x730];
	v21 =	vsub.f32 v30, v21;
	v17 =	vmul.f32 v31, v17;
	v18 =	vmul.f32 v19, v18  }
0x1a8: {  	v19 =	vmul.f32 v22, v54;
	v43 =	vmul.f32 v25, v55;
	v25 =	vadd.f32 v47, v46  }
0x1a9: {  	v52 =	vadd.f32 v51, v50;
	v21 =	vmul.f32 v21, v45;
	v20 =	vsub.f32 v20, v26  }
0x1aa: {  	v17 =	vadd.f32 v18, v17;
	v18 =	vadd.f32 v43, v19;
	v19 =	vmul.f32 v25, v44  }
0x1ab: {  	v20 =	vmul.f32 v20, v49  }
0x1ac: {  	v17 =	vadd.f32 v18, v17;
	v18 =	vadd.f32 v21, v19;
	v19 =	vmul.f32 v52, v48;
	_ =	sdelay $0x1  }
0x1ad: {  	v17 =	vadd.f32 v18, v17;
	v18 =	vadd.f32 v20, v19;
	_ =	sdelay $0x1  }
0x1ae: {  	v17 =	vadd.f32 v18, v17;
	_ =	sdelay $0x1  }
0x1af: {  	[tilespmem:$0xC700] =	vst v17  }
0x1b0: {  	v17 =	vld [tilespmem:s23+$0x780]  }
0x1b1: {  	v19 =	vld [tilespmem:s23+$0x4780]  }
0x1b2: {  	v53 =	vld [tilespmem:s23+$0x47C0]  }
0x1b3: {  	v54 =	vld [tilespmem:s23+$0x8780]  }
0x1b4: {  	v55 =	vld [tilespmem:s23+$0x87C0]  }
0x1b5: {  	v58 =	vld [tilespmem:s23+$0x4790]  }
0x1b6: {  	v59 =	vld [tilespmem:s23+$0x47D0]  }
0x1b7: {  	v60 =	vld [tilespmem:s23+$0x8790]  }
0x1b8: {  	v61 =	vld [tilespmem:s23+$0x87D0]  }
0x1b9: {  	v62 =	vld [tilespmem:s23+$0x47A0]  }
0x1ba: {  	v63 =	vld [tilespmem:s23+$0x47E0]  }
0x1bb: {  	v38 =	vld [tilespmem:s23+$0x87A0]  }
0x1bc: {  	v39 =	vld [tilespmem:s23+$0x87E0]  }
0x1bd: {  	v41 =	vld [tilespmem:s23+$0x47B0]  }
0x1be: {  	v42 =	vld [tilespmem:s23+$0x47F0];
	v36 =	vmul.f32 v54, v19  }
0x1bf: {  	v43 =	vld [tilespmem:s23+$0x87B0];
	v37 =	vmul.f32 v55, v53;
	v20 =	vmul.f32 v54, v53  }
0x1c0: {  	v44 =	vld [tilespmem:s23+$0x87F0];
	v19 =	vmul.f32 v55, v19;
	v40 =	vmul.f32 v60, v58  }
0x1c1: {  	v18 =	vld [tilespmem:s23+$0x7C0];
	v27 =	vmul.f32 v60, v59;
	v26 =	vmul.f32 v61, v59  }
0x1c2: {  	v56 =	vld [tilespmem:s23+$0x790];
	v25 =	vmul.f32 v61, v58;
	v48 =	vmul.f32 v38, v62  }
0x1c3: {  	v57 =	vld [tilespmem:s23+$0x7D0];
	v49 =	vmul.f32 v39, v63;
	v30 =	vmul.f32 v38, v63  }
0x1c4: {  	v47 =	vld [tilespmem:s23+$0x7E0];
	v21 =	vmul.f32 v39, v62;
	v52 =	vmul.f32 v43, v41;
	v31 =	vadd.f32 v37, v36  }
0x1c5: {  	v46 =	vld [tilespmem:s23+$0x7A0];
	v53 =	vmul.f32 v44, v42;
	v19 =	vsub.f32 v20, v19;
	v22 =	vadd.f32 v26, v40  }
0x1c6: {  	v51 =	vld [tilespmem:s23+$0x7F0];
	v25 =	vsub.f32 v27, v25;
	v20 =	vmul.f32 v43, v42;
	v26 =	vmul.f32 v44, v41  }
0x1c7: {  	v50 =	vld [tilespmem:s23+$0x7B0];
	v21 =	vsub.f32 v30, v21;
	v17 =	vmul.f32 v31, v17;
	v18 =	vmul.f32 v19, v18  }
0x1c8: {  	v19 =	vmul.f32 v22, v56;
	v45 =	vmul.f32 v25, v57;
	v25 =	vadd.f32 v49, v48  }
0x1c9: {  	v54 =	vadd.f32 v53, v52;
	v21 =	vmul.f32 v21, v47;
	v20 =	vsub.f32 v20, v26  }
0x1ca: {  	v17 =	vadd.f32 v18, v17;
	v18 =	vadd.f32 v45, v19;
	v19 =	vmul.f32 v25, v46  }
0x1cb: {  	v20 =	vmul.f32 v20, v51  }
0x1cc: {  	v17 =	vadd.f32 v18, v17;
	v18 =	vadd.f32 v21, v19;
	v19 =	vmul.f32 v54, v50;
	_ =	sdelay $0x1  }
0x1cd: {  	v17 =	vadd.f32 v18, v17;
	v18 =	vadd.f32 v20, v19;
	_ =	sdelay $0x1  }
0x1ce: {  	v17 =	vadd.f32 v18, v17;
	_ =	sdelay $0x1  }
0x1cf: {  	[tilespmem:$0xC780] =	vst v17  }
0x1d0: {  	v17 =	vld [tilespmem:s23+$0x800]  }
0x1d1: {  	v19 =	vld [tilespmem:s23+$0x4800]  }
0x1d2: {  	v55 =	vld [tilespmem:s23+$0x4840]  }
0x1d3: {  	v56 =	vld [tilespmem:s23+$0x8800]  }
0x1d4: {  	v57 =	vld [tilespmem:s23+$0x8840]  }
0x1d5: {  	v60 =	vld [tilespmem:s23+$0x4810]  }
0x1d6: {  	v61 =	vld [tilespmem:s23+$0x4850]  }
0x1d7: {  	v62 =	vld [tilespmem:s23+$0x8810]  }
0x1d8: {  	v63 =	vld [tilespmem:s23+$0x8850]  }
0x1d9: {  	v36 =	vld [tilespmem:s23+$0x4820]  }
0x1da: {  	v37 =	vld [tilespmem:s23+$0x4860]  }
0x1db: {  	v40 =	vld [tilespmem:s23+$0x8820]  }
0x1dc: {  	v41 =	vld [tilespmem:s23+$0x8860]  }
0x1dd: {  	v43 =	vld [tilespmem:s23+$0x4830]  }
0x1de: {  	v44 =	vld [tilespmem:s23+$0x4870];
	v38 =	vmul.f32 v56, v19  }
0x1df: {  	v45 =	vld [tilespmem:s23+$0x8830];
	v39 =	vmul.f32 v57, v55;
	v20 =	vmul.f32 v56, v55  }
0x1e0: {  	v46 =	vld [tilespmem:s23+$0x8870];
	v19 =	vmul.f32 v57, v19;
	v42 =	vmul.f32 v62, v60  }
0x1e1: {  	v18 =	vld [tilespmem:s23+$0x840];
	v27 =	vmul.f32 v62, v61;
	v26 =	vmul.f32 v63, v61  }
0x1e2: {  	v58 =	vld [tilespmem:s23+$0x810];
	v25 =	vmul.f32 v63, v60;
	v50 =	vmul.f32 v40, v36  }
0x1e3: {  	v59 =	vld [tilespmem:s23+$0x850];
	v51 =	vmul.f32 v41, v37;
	v30 =	vmul.f32 v40, v37  }
0x1e4: {  	v49 =	vld [tilespmem:s23+$0x860];
	v21 =	vmul.f32 v41, v36;
	v54 =	vmul.f32 v45, v43;
	v31 =	vadd.f32 v39, v38  }
0x1e5: {  	v48 =	vld [tilespmem:s23+$0x820];
	v55 =	vmul.f32 v46, v44;
	v19 =	vsub.f32 v20, v19;
	v22 =	vadd.f32 v26, v42  }
0x1e6: {  	v53 =	vld [tilespmem:s23+$0x870];
	v25 =	vsub.f32 v27, v25;
	v20 =	vmul.f32 v45, v44;
	v26 =	vmul.f32 v46, v43  }
0x1e7: {  	v52 =	vld [tilespmem:s23+$0x830];
	v21 =	vsub.f32 v30, v21;
	v17 =	vmul.f32 v31, v17;
	v18 =	vmul.f32 v19, v18  }
0x1e8: {  	v19 =	vmul.f32 v22, v58;
	v47 =	vmul.f32 v25, v59;
	v25 =	vadd.f32 v51, v50  }
0x1e9: {  	v56 =	vadd.f32 v55, v54;
	v21 =	vmul.f32 v21, v49;
	v20 =	vsub.f32 v20, v26  }
0x1ea: {  	v17 =	vadd.f32 v18, v17;
	v18 =	vadd.f32 v47, v19;
	v19 =	vmul.f32 v25, v48  }
0x1eb: {  	v20 =	vmul.f32 v20, v53  }
0x1ec: {  	v17 =	vadd.f32 v18, v17;
	v18 =	vadd.f32 v21, v19;
	v19 =	vmul.f32 v56, v52;
	_ =	sdelay $0x1  }
0x1ed: {  	v17 =	vadd.f32 v18, v17;
	v18 =	vadd.f32 v20, v19;
	_ =	sdelay $0x1  }
0x1ee: {  	v17 =	vadd.f32 v18, v17;
	_ =	sdelay $0x1  }
0x1ef: {  	[tilespmem:$0xC800] =	vst v17  }
0x1f0: {  	v17 =	vld [tilespmem:s23+$0x880]  }
0x1f1: {  	v19 =	vld [tilespmem:s23+$0x4880]  }
0x1f2: {  	v57 =	vld [tilespmem:s23+$0x48C0]  }
0x1f3: {  	v58 =	vld [tilespmem:s23+$0x8880]  }
0x1f4: {  	v59 =	vld [tilespmem:s23+$0x88C0]  }
0x1f5: {  	v62 =	vld [tilespmem:s23+$0x4890]  }
0x1f6: {  	v63 =	vld [tilespmem:s23+$0x48D0]  }
0x1f7: {  	v36 =	vld [tilespmem:s23+$0x8890]  }
0x1f8: {  	v37 =	vld [tilespmem:s23+$0x88D0]  }
0x1f9: {  	v38 =	vld [tilespmem:s23+$0x48A0]  }
0x1fa: {  	v39 =	vld [tilespmem:s23+$0x48E0]  }
0x1fb: {  	v42 =	vld [tilespmem:s23+$0x88A0]  }
0x1fc: {  	v43 =	vld [tilespmem:s23+$0x88E0]  }
0x1fd: {  	v45 =	vld [tilespmem:s23+$0x48B0]  }
0x1fe: {  	v46 =	vld [tilespmem:s23+$0x48F0];
	v40 =	vmul.f32 v58, v19  }
0x1ff: {  	v47 =	vld [tilespmem:s23+$0x88B0];
	v41 =	vmul.f32 v59, v57;
	v20 =	vmul.f32 v58, v57  }
0x200: {  	v48 =	vld [tilespmem:s23+$0x88F0];
	v19 =	vmul.f32 v59, v19;
	v44 =	vmul.f32 v36, v62  }
0x201: {  	v18 =	vld [tilespmem:s23+$0x8C0];
	v27 =	vmul.f32 v36, v63;
	v26 =	vmul.f32 v37, v63  }
0x202: {  	v60 =	vld [tilespmem:s23+$0x890];
	v25 =	vmul.f32 v37, v62;
	v52 =	vmul.f32 v42, v38  }
0x203: {  	v61 =	vld [tilespmem:s23+$0x8D0];
	v53 =	vmul.f32 v43, v39;
	v30 =	vmul.f32 v42, v39  }
0x204: {  	v51 =	vld [tilespmem:s23+$0x8E0];
	v21 =	vmul.f32 v43, v38;
	v56 =	vmul.f32 v47, v45;
	v31 =	vadd.f32 v41, v40  }
0x205: {  	v50 =	vld [tilespmem:s23+$0x8A0];
	v57 =	vmul.f32 v48, v46;
	v19 =	vsub.f32 v20, v19;
	v22 =	vadd.f32 v26, v44  }
0x206: {  	v55 =	vld [tilespmem:s23+$0x8F0];
	v25 =	vsub.f32 v27, v25;
	v20 =	vmul.f32 v47, v46;
	v26 =	vmul.f32 v48, v45  }
0x207: {  	v54 =	vld [tilespmem:s23+$0x8B0];
	v21 =	vsub.f32 v30, v21;
	v17 =	vmul.f32 v31, v17;
	v18 =	vmul.f32 v19, v18  }
0x208: {  	v19 =	vmul.f32 v22, v60;
	v49 =	vmul.f32 v25, v61;
	v25 =	vadd.f32 v53, v52  }
0x209: {  	v58 =	vadd.f32 v57, v56;
	v21 =	vmul.f32 v21, v51;
	v20 =	vsub.f32 v20, v26  }
0x20a: {  	v17 =	vadd.f32 v18, v17;
	v18 =	vadd.f32 v49, v19;
	v19 =	vmul.f32 v25, v50  }
0x20b: {  	v20 =	vmul.f32 v20, v55  }
0x20c: {  	v17 =	vadd.f32 v18, v17;
	v18 =	vadd.f32 v21, v19;
	v19 =	vmul.f32 v58, v54;
	_ =	sdelay $0x1  }
0x20d: {  	v17 =	vadd.f32 v18, v17;
	v18 =	vadd.f32 v20, v19;
	_ =	sdelay $0x1  }
0x20e: {  	v17 =	vadd.f32 v18, v17;
	_ =	sdelay $0x1  }
0x20f: {  	[tilespmem:$0xC880] =	vst v17  }
0x210: {  	v17 =	vld [tilespmem:s23+$0x900]  }
0x211: {  	v18 =	vld [tilespmem:s23+$0x940]  }
0x212: {  	v19 =	vld [tilespmem:s23+$0x4900]  }
0x213: {  	v59 =	vld [tilespmem:s23+$0x4940]  }
0x214: {  	v60 =	vld [tilespmem:s23+$0x8900]  }
0x215: {  	v61 =	vld [tilespmem:s23+$0x8940]  }
0x216: {  	v62 =	vld [tilespmem:s23+$0x910]  }
0x217: {  	v36 =	vld [tilespmem:s23+$0x4910]  }
0x218: {  	v37 =	vld [tilespmem:s23+$0x4950]  }
0x219: {  	v38 =	vld [tilespmem:s23+$0x8910]  }
0x21a: {  	v39 =	vld [tilespmem:s23+$0x8950]  }
0x21b: {  	v40 =	vld [tilespmem:s23+$0x4920]  }
0x21c: {  	v43 =	vld [tilespmem:s23+$0x4960]  }
0x21d: {  	v44 =	vld [tilespmem:s23+$0x8920]  }
0x21e: {  	v46 =	vld [tilespmem:s23+$0x8960];
	v41 =	vmul.f32 v60, v19  }
0x21f: {  	v47 =	vld [tilespmem:s23+$0x4930];
	v20 =	vmul.f32 v60, v59;
	v19 =	vmul.f32 v61, v19  }
0x220: {  	v49 =	vld [tilespmem:s23+$0x8930];
	v42 =	vmul.f32 v61, v59;
	v45 =	vmul.f32 v38, v36  }
0x221: {  	v48 =	vld [tilespmem:s23+$0x4970];
	v27 =	vmul.f32 v38, v37;
	v26 =	vmul.f32 v39, v37;
	v19 =	vsub.f32 v20, v19  }
0x222: {  	v63 =	vld [tilespmem:s23+$0x950];
	v25 =	vmul.f32 v39, v36;
	v53 =	vmul.f32 v44, v40  }
0x223: {  	v54 =	vmul.f32 v46, v43;
	v18 =	vmul.f32 v19, v18;
	v19 =	vld [tilespmem:s23+$0x8970]  }
0x224: {  	v51 =	vld [tilespmem:s23+$0x920];
	v21 =	vmul.f32 v44, v43;
	v29 =	vmul.f32 v46, v40;
	v30 =	vadd.f32 v42, v41  }
0x225: {  	v52 =	vld [tilespmem:s23+$0x960];
	v57 =	vmul.f32 v49, v47;
	v22 =	vadd.f32 v26, v45;
	v25 =	vsub.f32 v27, v25  }
0x226: {  	v55 =	vld [tilespmem:s23+$0x930];
	v26 =	vmul.f32 v49, v48;
	v17 =	vmul.f32 v30, v17  }
0x227: {  	v56 =	vld [tilespmem:s23+$0x970];
	v27 =	vadd.f32 v54, v53;
	v22 =	vmul.f32 v22, v62;
	v50 =	vmul.f32 v25, v63  }
0x228: {  	v21 =	vsub.f32 v21, v29;
	v20 =	vmul.f32 v19, v48;
	v19 =	vmul.f32 v19, v47  }
0x229: {  	v58 =	vmul.f32 v27, v51;
	v17 =	vadd.f32 v18, v17;
	v18 =	vadd.f32 v50, v22  }
0x22a: {  	v21 =	vmul.f32 v21, v52;
	v20 =	vadd.f32 v20, v57;
	v19 =	vsub.f32 v26, v19  }
0x22b: {  	v17 =	vadd.f32 v18, v17  }
0x22c: {  	v18 =	vadd.f32 v21, v58;
	v20 =	vmul.f32 v20, v55;
	v19 =	vmul.f32 v19, v56;
	_ =	sdelay $0x1  }
0x22d: {  	v17 =	vadd.f32 v18, v17;
	v18 =	vadd.f32 v19, v20;
	_ =	sdelay $0x1  }
0x22e: {  	v17 =	vadd.f32 v18, v17;
	_ =	sdelay $0x1  }
0x22f: {  	[tilespmem:$0xC900] =	vst v17  }
0x230: {  	v17 =	vld.idx.msk [tilespmem:v0+s18+$0x0], $0xffff;
	_ =	sdelay $0x1  }
0x231: {  	v18 =	vld.idx.msk [tilespmem:v1+s18+$0x0], $0xffff;
	_ =	sdelay $0x1  }
0x232: {  	v19 =	vld.idx.msk [tilespmem:v2+s18+$0x0], $0xffff  }
0x233: {  	v17 =	vadd.f32 $0.0e+00, v17  }
0x234: {  	v59 =	vld.idx.msk [tilespmem:v3+s18+$0x0], $0xffff  }
0x235: {  	v17 =	vadd.f32 v18, v17  }
0x236: {  	v18 =	vld.idx.msk [tilespmem:v4+s18+$0x0], $0xffff  }
0x237: {  	v17 =	vadd.f32 v19, v17  }
0x238: {  	v19 =	vld.idx.msk [tilespmem:v5+s18+$0x0], $0xffff  }
0x239: {  	v17 =	vadd.f32 v59, v17  }
0x23a: {  	v60 =	vld.idx.msk [tilespmem:v6+s18+$0x0], $0xffff  }
0x23b: {  	v17 =	vadd.f32 v18, v17  }
0x23c: {  	v18 =	vld.idx.msk [tilespmem:v7+s18+$0x0], $0xffff  }
0x23d: {  	v17 =	vadd.f32 v19, v17  }
0x23e: {  	v19 =	vld.idx.msk [tilespmem:v8+s18+$0x0], $0xffff  }
0x23f: {  	v17 =	vadd.f32 v60, v17  }
0x240: {  	v61 =	vld.idx.msk [tilespmem:v9+s18+$0x0], $0xffff  }
0x241: {  	v17 =	vadd.f32 v18, v17  }
0x242: {  	v18 =	vld.idx.msk [tilespmem:v10+s18+$0x0], $0xffff  }
0x243: {  	v17 =	vadd.f32 v19, v17  }
0x244: {  	v19 =	vld.idx.msk [tilespmem:v11+s18+$0x0], $0xffff  }
0x245: {  	v17 =	vadd.f32 v61, v17  }
0x246: {  	v62 =	vld.idx.msk [tilespmem:v12+s18+$0x0], $0xffff  }
0x247: {  	v17 =	vadd.f32 v18, v17  }
0x248: {  	v18 =	vld.idx.msk [tilespmem:v13+s18+$0x0], $0xffff  }
0x249: {  	v17 =	vadd.f32 v19, v17  }
0x24a: {  	v19 =	vld.idx.msk [tilespmem:v14+s18+$0x0], $0xffff  }
0x24b: {  	v17 =	vadd.f32 v62, v17  }
0x24c: {  	v63 =	vld.idx.msk [tilespmem:v15+s18+$0x0], $0xffff  }
0x24d: {  	v17 =	vadd.f32 v18, v17  }
0x24e: {  	p0 =	sne.s32 s22, $0x7  }
.Ltmp0:
0x24f: {  	v17 =	vadd.f32 v19, v17;
	(pc) =	sbr.rel @p0 .LBB2_3-.Ltmp0, $4  }
0x250: {  	_ = 	snop  }
0x251: {  	s31 =	sshll.u32 s22, $0x4;
	v17 =	vadd.f32 v63, v17  }
0x252: {  	s23 =	sand.u32 $0x3FFFFFF0, s31  }
0x253: {  	s22 =	sadd.s32 $0x1, s22;
	[tilespmem:v16+s23+$0x0 ss:$0x1] =	vst.idx.msk $0xffff, v17  }
0x254: {  	s21 =	sadd.s32 $0x1, s21  }
0x255: {  	p0 =	sne.s32 s21, $0x4  }
.Ltmp1:
0x256: {  	_ = 	snop;
	(pc) =	sbr.rel @p0 .LBB2_2-.Ltmp1, $1  }
0x257: {  	_ =	sdelay $0x3  }
0x258: {  	s20 =	sadd.s32 $0x1, s20  }
0x259: {  	p0 =	sne.s32 s20, s10  }
.Ltmp2:
0x25a: {  	_ = 	snop;
	(pc) =	sbr.rel @p0 .LBB2_1-.Ltmp2, $4  }
0x25b: {  	[hbm4b:s9+s5] =	stream.linear.scatter [tilespmem:s19], [sflag:$0x2], $0x200, $0x38;
	[tilespmem:$0xCB80] =	vst v63  }
0x25c: {  	_ =	swait.ge [sflag:s11], $0x200  }
0x25d: {  	[sflag:s11] =	ssyncset.done $0x0  }
0x25e: {  	[sflag:s11] =	ssyncadd.s32 $0xFFFFFE00  }
0x25f: {  	_ =	sfence.sel $0x180000  }
0x260: {  	[bflag:$0x0] =	sbarrier.arrive $0xFFFF  }
0x261: {  	p0 =	sne.s32 s4, $0x0;
	_ =	strace $0x90000047  }
0x262: {  	s0 =	sadd.s32 @!p0 $0x100000, s0;
	[bflag:$0x2] =	sbarrier.arrive $0xFFFF  }
0x263: {  	[sflag:s0] =	ssyncadd.tile.s32 @!p0 $0x1;
	_ =	shalt  }
.Lfunc_end2:
_tile_overlayer_lowered:
.L_overlay_start_2:
0x264: {  	(tag) =	ssettag $0x2  }
0x265: {  	s0 =	rddreg [dreg:$0x0];
	s2 =	stileid.u32  }
0x266: {  	s1 =	rddreg [dreg:$0x1];
	p0 =	sne.s32 s2, $0x0  }
0x267: {  	s3 =	rddreg [dreg:$0x2];
	[bflag:$0x3] =	sbarrier.arrive $0xFFFF;
	s2 =	simm.s32 @!p0 $0x1C02  }
0x268: {  	[timem:s3], [sflag:s2] =	dma.local @!p0 [hbm:s0], s1  }
0x269: {  	s0 =	simm.s32 @!p0 $0x2  }
0x26a: {  	_ =	swait.ge @!p0 [sflag:s0], s1  }
0x26b: {  	s1 =	ssub.s32 @!p0 $0x0, s1;
	[sflag:s0] =	ssyncset.done @!p0 $0x0  }
0x26c: {  	[sflag:s0] =	ssyncadd.s32 @!p0 s1  }
0x26d: {  	[bflag:$0x3] =	sbarrier.arrive $0xFFFF  }
0x26e: {  	_ =	shalt  }

</sc_bundles>
